<compile_context>
chip_gen: v7x
topology: tpu7x:2x2x1
jax: 0.10.2.dev20260603
libtpu: 0.0.44.dev20260713+nightly
codegen_flags: <defaults>
</compile_context>

<pallas_src>
import functools

import jax
import jax.numpy as jnp
from jax import lax
from jax.experimental import pallas as pl
from jax.experimental.pallas import tpu as pltpu
from jax.experimental.pallas import tpu_sc as plsc

N = 10000
E = 320000
D = 128
H = 128
G = 32

NC = 2
NS = 16
NW = NC * NS
EPW = E // NW
B = 100
NOPS = EPW // B
NHALF = NOPS // 2
NBUF = 2
CH0 = 640
CHL = N - CH0 * (NS - 1)

TBLK = 1000


def _lin1_body(x_ref, wt_ref, b_ref, o_ref):
    o_ref[...] = (
        jnp.dot(x_ref[...], wt_ref[...], preferred_element_type=jnp.float32)
        + b_ref[...]
    )


def _lin_relu_body(a0_ref, a1_ref, h_ref, wt_ref, b_ref, o_ref):
    xb = jnp.maximum(a0_ref[0] + a1_ref[0] - h_ref[...], 0.0)
    o_ref[...] = (
        jnp.dot(xb, wt_ref[...], preferred_element_type=jnp.float32)
        + b_ref[...]
    )


def _pool_body(a0_ref, a1_ref, h_ref, batch_ref, wct_ref, bc_ref, o_ref):
    hh = a0_ref[0] + a1_ref[0] - h_ref[...]
    bt = batch_ref[...]
    gid = lax.broadcasted_iota(jnp.int32, (G, 1), 0)
    onehot_t = (bt == gid).astype(jnp.float32)
    sums = jnp.dot(onehot_t, hh, preferred_element_type=jnp.float32)
    counts = jnp.sum(onehot_t, axis=1, keepdims=True)
    pooled = sums / jnp.maximum(counts, 1.0)
    logits = (
        jnp.dot(pooled, wct_ref[...], preferred_element_type=jnp.float32)
        + bc_ref[...]
    )
    o_ref[...] = 1.0 / (1.0 + jnp.exp(-logits))


def _linear1(x, wt, b2d):
    return pl.pallas_call(
        _lin1_body,
        grid=(N // TBLK,),
        in_specs=[
            pl.BlockSpec((TBLK, D), lambda i: (i, 0)),
            pl.BlockSpec((D, H), lambda i: (0, 0)),
            pl.BlockSpec((1, H), lambda i: (0, 0)),
        ],
        out_specs=pl.BlockSpec((TBLK, H), lambda i: (i, 0)),
        out_shape=jax.ShapeDtypeStruct((N, H), jnp.float32),
    )(x, wt, b2d)


def _linear_relu(a, h, wt, b2d):
    return pl.pallas_call(
        _lin_relu_body,
        grid=(N // TBLK,),
        in_specs=[
            pl.BlockSpec((1, TBLK, D), lambda i: (0, i, 0)),
            pl.BlockSpec((1, TBLK, D), lambda i: (1, i, 0)),
            pl.BlockSpec((TBLK, D), lambda i: (i, 0)),
            pl.BlockSpec((D, H), lambda i: (0, 0)),
            pl.BlockSpec((1, H), lambda i: (0, 0)),
        ],
        out_specs=pl.BlockSpec((TBLK, H), lambda i: (i, 0)),
        out_shape=jax.ShapeDtypeStruct((N, H), jnp.float32),
    )(a, a, h, wt, b2d)


def _pool_classify(a, h, batch2d, wct, bc2d):
    return pl.pallas_call(
        _pool_body,
        grid=(1,),
        in_specs=[
            pl.BlockSpec((1, N, H), lambda i: (0, 0, 0)),
            pl.BlockSpec((1, N, H), lambda i: (1, 0, 0)),
            pl.BlockSpec((N, H), lambda i: (0, 0)),
            pl.BlockSpec((1, N), lambda i: (0, 0)),
            pl.BlockSpec((H, 1), lambda i: (0, 0)),
            pl.BlockSpec((1, 1), lambda i: (0, 0)),
        ],
        out_specs=pl.BlockSpec((G, 1), lambda i: (0, 0)),
        out_shape=jax.ShapeDtypeStruct((G, 1), jnp.float32),
    )(a, a, h, batch2d, wct, bc2d)


def _scatter(h, rows3, cols3):
    mesh = plsc.VectorSubcoreMesh(
        core_axis_name="core", subcore_axis_name="subcore"
    )

    @functools.partial(
        pl.kernel,
        out_type=jax.ShapeDtypeStruct((NC, N, H), jnp.float32),
        mesh=mesh,
        scratch_types=[
            pltpu.VMEM((NHALF, B), jnp.int32),
            pltpu.VMEM((NHALF, B), jnp.int32),
            pltpu.VMEM((B, H), jnp.float32),
            pltpu.VMEM((B, H), jnp.float32),
            pltpu.VMEM_SHARED((N, H), jnp.float32),
            pltpu.SemaphoreType.DMA,
            pltpu.SemaphoreType.DMA,
        ],
    )
    def sck(h_hbm, rows_hbm, cols_hbm, out_hbm, rowi, coli, gbuf0, gbuf1,
            acc, sem0, sem1):
        gbufs = (gbuf0, gbuf1)
        sems = (sem0, sem1)
        c = lax.axis_index("core")
        s = lax.axis_index("subcore")
        wid = s * NC + c

        off = pl.multiple_of(s * CH0, 8)

        @pl.when(s < NS - 1)
        def _():
            pltpu.sync_copy(
                h_hbm.at[pl.ds(off, CH0)], acc.at[pl.ds(off, CH0)]
            )

        @pl.when(s == NS - 1)
        def _():
            pltpu.sync_copy(
                h_hbm.at[pl.ds((NS - 1) * CH0, CHL)],
                acc.at[pl.ds((NS - 1) * CH0, CHL)],
            )

        plsc.subcore_barrier()

        for half in range(2):
            pltpu.sync_copy(rows_hbm.at[wid, half], rowi)
            pltpu.sync_copy(cols_hbm.at[wid, half], coli)

            @pl.loop(0, NHALF, step=NBUF)
            def _(j):
                cps = [
                    pltpu.async_copy(
                        h_hbm.at[rowi.at[j + k]], gbufs[k], sems[k]
                    )
                    for k in range(NBUF)
                ]
                for k in range(NBUF):
                    cps[k].wait()
                    pltpu.sync_copy(
                        gbufs[k], acc.at[coli.at[j + k]], add=True
                    )

        plsc.subcore_barrier()

        @pl.when(s < NS - 1)
        def _():
            pltpu.sync_copy(
                acc.at[pl.ds(off, CH0)], out_hbm.at[c, pl.ds(off, CH0)]
            )

        @pl.when(s == NS - 1)
        def _():
            pltpu.sync_copy(
                acc.at[pl.ds((NS - 1) * CH0, CHL)],
                out_hbm.at[c, pl.ds((NS - 1) * CH0, CHL)],
            )

    return sck(h, rows3, cols3)


def kernel(x, edge_index, batch, W1, b1, W2, b2, W3, b3, W4, b4, Wc, bc):
    rows3 = edge_index[0].reshape(NW, 2, NHALF, B)
    cols3 = edge_index[1].reshape(NW, 2, NHALF, B)
    batch2d = batch.reshape(1, N)

    h = _linear1(x, W1.T, b1.reshape(1, H))
    a = _scatter(h, rows3, cols3)
    h2 = _linear_relu(a, h, W2.T, b2.reshape(1, H))
    a = _scatter(h2, rows3, cols3)
    h3 = _linear_relu(a, h2, W3.T, b3.reshape(1, H))
    a = _scatter(h3, rows3, cols3)
    h4 = _linear_relu(a, h3, W4.T, b4.reshape(1, H))
    a = _scatter(h4, rows3, cols3)
    return _pool_classify(a, h4, batch2d, Wc.T, bc.reshape(1, 1))

# --- scband reference (transcript-rebuilt; emitter-appended) ---
"""Pipeline reference for scband-mpnnsummarizer-31456340476251 (READ-ONLY COPY).

The authoritative reference and input builder live on the scoring server;
editing this copy changes nothing except your own understanding.
"""

import jax, jax.numpy as jnp
import numpy as np

N = 10000
E = 320000
D = 128
H = 128
G = 32


def _lin_params(k, fan_out, fan_in):
    bound = 1.0 / np.sqrt(fan_in)
    kw, kb = jax.random.split(k)
    W = jax.random.uniform(kw, (fan_out, fan_in), minval=-bound, maxval=bound, dtype=jnp.float32)
    b = jax.random.uniform(kb, (fan_out,), minval=-bound, maxval=bound, dtype=jnp.float32)
    return W, b


def setup_inputs(seed: int = 0) -> dict:
    key = jax.random.key(seed)
    ks = jax.random.split(key, 8)
    inp = {}
    inp['x'] = jax.random.normal(ks[0], (N, D), dtype=jnp.float32)
    inp['edge_index'] = jax.random.randint(ks[1], (2, E), 0, N, dtype=jnp.int32)
    inp['batch'] = jnp.sort(jax.random.randint(ks[2], (N,), 0, G, dtype=jnp.int32))
    inp['W1'], inp['b1'] = _lin_params(ks[3], H, D)
    inp['W2'], inp['b2'] = _lin_params(ks[4], H, H)
    inp['W3'], inp['b3'] = _lin_params(ks[5], H, H)
    inp['W4'], inp['b4'] = _lin_params(ks[6], H, H)
    inp['Wc'], inp['bc'] = _lin_params(ks[7], 1, H)
    return inp


def _conv(x, edge_index, W, b):
    # MPNNConvolutionalLayer: add_self_loops -> lin -> (deg norm computed but
    # unused, since message() returns raw x_j) -> scatter-add aggregation.
    n = x.shape[0]
    loops = jnp.arange(n, dtype=edge_index.dtype)
    ei = jnp.concatenate([edge_index, jnp.stack([loops, loops], axis=0)], axis=1)
    h = x @ W.T + b
    row, col = ei[0], ei[1]
    deg = jnp.zeros((n,), dtype=h.dtype).at[col].add(1.0)
    deg_inv_sqrt = deg ** -0.5
    norm = deg_inv_sqrt[row] * deg_inv_sqrt[col]  # computed as in torch, but message() ignores it
    out = jnp.zeros_like(h).at[col].add(h[row])
    return out


def reference(x, edge_index, batch, W1, b1, W2, b2, W3, b3, W4, b4, Wc, bc):
    # dropout is identity in eval mode
    h = _conv(x, edge_index, W1, b1)
    h = jax.nn.relu(h)
    h = _conv(h, edge_index, W2, b2)
    h = jax.nn.relu(h)
    h = _conv(h, edge_index, W3, b3)
    h = jax.nn.relu(h)
    h = _conv(h, edge_index, W4, b4)
    sums = jax.ops.segment_sum(h, batch, num_segments=G)
    counts = jax.ops.segment_sum(jnp.ones((h.shape[0],), dtype=h.dtype), batch, num_segments=G)
    pooled = sums / jnp.maximum(counts, 1.0)[:, None]
    logits = pooled @ Wc.T + bc
    return jax.nn.sigmoid(logits)

if __name__ == "__main__":
    import jax
    _d = setup_inputs()
    print(jax.jit(kernel)(*tuple(_d.values())))

</pallas_src>

<mosaic_0001>
#map = affine_map<(d0, d1) -> (0, 0)>
#map1 = affine_map<(d0, d1) -> (0, 0, 0, 0)>
#map2 = affine_map<(d0, d1) -> (0, 0, 0)>
module attributes {stable_mosaic.version = 14 : i64} {
  func.func @sck(%arg0: i32, %arg1: i32, %arg2: memref<10000x128xf32, #tpu.memory_space<hbm>>, %arg3: memref<32x2x50x100xi32, #tpu.memory_space<hbm>>, %arg4: memref<32x2x50x100xi32, #tpu.memory_space<hbm>>, %arg5: memref<2x10000x128xf32, #tpu.memory_space<hbm>>, %arg6: memref<50x100xi32, #tpu.memory_space<vmem>>, %arg7: memref<50x100xi32, #tpu.memory_space<vmem>>, %arg8: memref<100x128xf32, #tpu.memory_space<vmem>>, %arg9: memref<100x128xf32, #tpu.memory_space<vmem>>, %arg10: memref<10000x128xf32, #tpu.memory_space<vmem_shared>>, %arg11: memref<!tpu.dma_semaphore, #tpu.memory_space<semaphore_mem>>, %arg12: memref<!tpu.dma_semaphore, #tpu.memory_space<semaphore_mem>>) attributes {dimension_semantics = [#tpu.dimension_semantics<core_parallel>, #tpu.dimension_semantics<subcore_parallel>], iteration_bounds = array<i64: 2, 16>, scalar_prefetch = 0 : i64, scratch_operands = 7 : i64, tpu.core_type = #tpu.core_type<sc_vector_subcore>, window_params = [{transform_indices = #map}, {transform_indices = #map1}, {transform_indices = #map1}, {transform_indices = #map2}]} {
    %mul3A = arith.constant 2 : i32
    %mul3A_0 = arith.muli %arg1, %mul3A : i32
    %add3A = arith.addi %mul3A_0, %arg0 : i32
    %mul3A_1 = arith.constant 640 : i32
    %mul3A_2 = arith.muli %arg1, %mul3A_1 : i32
    %multiple_of3A = tpu.assume_multiple %mul3A_2, 8 : i32
    %lt3A = arith.constant 15 : i32
    %lt3A_3 = arith.cmpi slt, %arg1, %lt3A : i32
    %convert_element_type3A = arith.extui %lt3A_3 : i1 to i32
    %cond3A = arith.constant 0 : i32
    %cond3A_4 = arith.cmpi ne, %convert_element_type3A, %cond3A : i32
    scf.if %cond3A_4 {
      "tpu.region"() ({
        %run_scoped3A_32 = tpu.sem_alloc : memref<!tpu.dma_semaphore, #tpu.memory_space<semaphore_mem>>
        %dma_start3A = arith.constant 0 : i32
        %dma_start3A_33 = tpu.memref_slice %arg10[%multiple_of3A, %dma_start3A] : memref<10000x128xf32, #tpu.memory_space<vmem_shared>> -> memref<640x128xf32, #tpu.memory_space<vmem_shared>>
        %dma_start3A_34 = arith.constant 0 : i32
        %dma_start3A_35 = tpu.memref_slice %arg2[%multiple_of3A, %dma_start3A_34] : memref<10000x128xf32, #tpu.memory_space<hbm>> -> memref<640x128xf32, #tpu.memory_space<hbm>>
        tpu.enqueue_dma source(%dma_start3A_35 : memref<640x128xf32, #tpu.memory_space<hbm>>) target(%dma_start3A_33 : memref<640x128xf32, #tpu.memory_space<vmem_shared>>) target_semaphore(%run_scoped3A_32 : memref<!tpu.dma_semaphore, #tpu.memory_space<semaphore_mem>>)
        %dma_wait3A = arith.constant 0 : i32
        %dma_wait3A_36 = tpu.memref_slice %arg10[%multiple_of3A, %dma_wait3A] : memref<10000x128xf32, #tpu.memory_space<vmem_shared>> -> memref<640x128xf32, #tpu.memory_space<vmem_shared>>
        %dma_wait3A_37 = arith.constant 0 : i32
        %dma_wait3A_38 = tpu.memref_slice %arg2[%multiple_of3A, %dma_wait3A_37] : memref<10000x128xf32, #tpu.memory_space<hbm>> -> memref<640x128xf32, #tpu.memory_space<hbm>>
        tpu.wait_dma2 semaphore(%run_scoped3A_32 : memref<!tpu.dma_semaphore, #tpu.memory_space<semaphore_mem>>) src(%dma_wait3A_38 : memref<640x128xf32, #tpu.memory_space<hbm>>) dst(%dma_wait3A_36 : memref<640x128xf32, #tpu.memory_space<vmem_shared>>)
        tpu.yield
      }) : () -> ()
    } else {
    }
    %eq3A = arith.constant 15 : i32
    %eq3A_5 = arith.cmpi eq, %arg1, %eq3A : i32
    %convert_element_type3A_6 = arith.extui %eq3A_5 : i1 to i32
    %cond3A_7 = arith.constant 0 : i32
    %cond3A_8 = arith.cmpi ne, %convert_element_type3A_6, %cond3A_7 : i32
    scf.if %cond3A_8 {
      "tpu.region"() ({
        %run_scoped3A_32 = tpu.sem_alloc : memref<!tpu.dma_semaphore, #tpu.memory_space<semaphore_mem>>
        %dma_start3A = arith.constant 9600 : i32
        %dma_start3A_33 = arith.constant 0 : i32
        %dma_start3A_34 = tpu.memref_slice %arg10[%dma_start3A, %dma_start3A_33] : memref<10000x128xf32, #tpu.memory_space<vmem_shared>> -> memref<400x128xf32, #tpu.memory_space<vmem_shared>>
        %dma_start3A_35 = arith.constant 9600 : i32
        %dma_start3A_36 = arith.constant 0 : i32
        %dma_start3A_37 = tpu.memref_slice %arg2[%dma_start3A_35, %dma_start3A_36] : memref<10000x128xf32, #tpu.memory_space<hbm>> -> memref<400x128xf32, #tpu.memory_space<hbm>>
        tpu.enqueue_dma source(%dma_start3A_37 : memref<400x128xf32, #tpu.memory_space<hbm>>) target(%dma_start3A_34 : memref<400x128xf32, #tpu.memory_space<vmem_shared>>) target_semaphore(%run_scoped3A_32 : memref<!tpu.dma_semaphore, #tpu.memory_space<semaphore_mem>>)
        %dma_wait3A = arith.constant 9600 : i32
        %dma_wait3A_38 = arith.constant 0 : i32
        %dma_wait3A_39 = tpu.memref_slice %arg10[%dma_wait3A, %dma_wait3A_38] : memref<10000x128xf32, #tpu.memory_space<vmem_shared>> -> memref<400x128xf32, #tpu.memory_space<vmem_shared>>
        %dma_wait3A_40 = arith.constant 9600 : i32
        %dma_wait3A_41 = arith.constant 0 : i32
        %dma_wait3A_42 = tpu.memref_slice %arg2[%dma_wait3A_40, %dma_wait3A_41] : memref<10000x128xf32, #tpu.memory_space<hbm>> -> memref<400x128xf32, #tpu.memory_space<hbm>>
        tpu.wait_dma2 semaphore(%run_scoped3A_32 : memref<!tpu.dma_semaphore, #tpu.memory_space<semaphore_mem>>) src(%dma_wait3A_42 : memref<400x128xf32, #tpu.memory_space<hbm>>) dst(%dma_wait3A_39 : memref<400x128xf32, #tpu.memory_space<vmem_shared>>)
        tpu.yield
      }) : () -> ()
    } else {
    }
    %barrier3A = arith.constant 0 : index
    tpu.barrier barrier_id(%barrier3A)
    %run_scoped3A = arith.constant 0 : i32
    "tpu.region"() ({
      %run_scoped3A_32 = tpu.sem_alloc : memref<!tpu.dma_semaphore, #tpu.memory_space<semaphore_mem>>
      %dma_start3A = arith.constant 0 : i32
      %dma_start3A_33 = arith.constant 0 : i32
      %dma_start3A_34 = tpu.memref_slice %arg3[%add3A, %run_scoped3A, %dma_start3A, %dma_start3A_33] : memref<32x2x50x100xi32, #tpu.memory_space<hbm>> -> memref<1x1x50x100xi32, #tpu.memory_space<hbm>>
      %dma_start3A_35 = tpu.memref_squeeze %dma_start3A_34 : memref<1x1x50x100xi32, #tpu.memory_space<hbm>> -> memref<50x100xi32, #tpu.memory_space<hbm>>
      %dma_start3A_36 = arith.constant 0 : i32
      %dma_start3A_37 = arith.constant 0 : i32
      %dma_start3A_38 = tpu.memref_slice %arg3[%add3A, %run_scoped3A, %dma_start3A_36, %dma_start3A_37] : memref<32x2x50x100xi32, #tpu.memory_space<hbm>> -> memref<1x1x50x100xi32, #tpu.memory_space<hbm>>
      %dma_start3A_39 = tpu.memref_squeeze %dma_start3A_38 : memref<1x1x50x100xi32, #tpu.memory_space<hbm>> -> memref<50x100xi32, #tpu.memory_space<hbm>>
      tpu.enqueue_dma source(%dma_start3A_39 : memref<50x100xi32, #tpu.memory_space<hbm>>) target(%arg6 : memref<50x100xi32, #tpu.memory_space<vmem>>) target_semaphore(%run_scoped3A_32 : memref<!tpu.dma_semaphore, #tpu.memory_space<semaphore_mem>>)
      %dma_wait3A = arith.constant 0 : i32
      %dma_wait3A_40 = arith.constant 0 : i32
      %dma_wait3A_41 = tpu.memref_slice %arg3[%add3A, %run_scoped3A, %dma_wait3A, %dma_wait3A_40] : memref<32x2x50x100xi32, #tpu.memory_space<hbm>> -> memref<1x1x50x100xi32, #tpu.memory_space<hbm>>
      %dma_wait3A_42 = tpu.memref_squeeze %dma_wait3A_41 : memref<1x1x50x100xi32, #tpu.memory_space<hbm>> -> memref<50x100xi32, #tpu.memory_space<hbm>>
      %dma_wait3A_43 = arith.constant 0 : i32
      %dma_wait3A_44 = arith.constant 0 : i32
      %dma_wait3A_45 = tpu.memref_slice %arg3[%add3A, %run_scoped3A, %dma_wait3A_43, %dma_wait3A_44] : memref<32x2x50x100xi32, #tpu.memory_space<hbm>> -> memref<1x1x50x100xi32, #tpu.memory_space<hbm>>
      %dma_wait3A_46 = tpu.memref_squeeze %dma_wait3A_45 : memref<1x1x50x100xi32, #tpu.memory_space<hbm>> -> memref<50x100xi32, #tpu.memory_space<hbm>>
      tpu.wait_dma2 semaphore(%run_scoped3A_32 : memref<!tpu.dma_semaphore, #tpu.memory_space<semaphore_mem>>) src(%dma_wait3A_46 : memref<50x100xi32, #tpu.memory_space<hbm>>) dst(%arg6 : memref<50x100xi32, #tpu.memory_space<vmem>>)
      tpu.yield
    }) : () -> ()
    %run_scoped3A_9 = arith.constant 0 : i32
    "tpu.region"() ({
      %run_scoped3A_32 = tpu.sem_alloc : memref<!tpu.dma_semaphore, #tpu.memory_space<semaphore_mem>>
      %dma_start3A = arith.constant 0 : i32
      %dma_start3A_33 = arith.constant 0 : i32
      %dma_start3A_34 = tpu.memref_slice %arg4[%add3A, %run_scoped3A_9, %dma_start3A, %dma_start3A_33] : memref<32x2x50x100xi32, #tpu.memory_space<hbm>> -> memref<1x1x50x100xi32, #tpu.memory_space<hbm>>
      %dma_start3A_35 = tpu.memref_squeeze %dma_start3A_34 : memref<1x1x50x100xi32, #tpu.memory_space<hbm>> -> memref<50x100xi32, #tpu.memory_space<hbm>>
      %dma_start3A_36 = arith.constant 0 : i32
      %dma_start3A_37 = arith.constant 0 : i32
      %dma_start3A_38 = tpu.memref_slice %arg4[%add3A, %run_scoped3A_9, %dma_start3A_36, %dma_start3A_37] : memref<32x2x50x100xi32, #tpu.memory_space<hbm>> -> memref<1x1x50x100xi32, #tpu.memory_space<hbm>>
      %dma_start3A_39 = tpu.memref_squeeze %dma_start3A_38 : memref<1x1x50x100xi32, #tpu.memory_space<hbm>> -> memref<50x100xi32, #tpu.memory_space<hbm>>
      tpu.enqueue_dma source(%dma_start3A_39 : memref<50x100xi32, #tpu.memory_space<hbm>>) target(%arg7 : memref<50x100xi32, #tpu.memory_space<vmem>>) target_semaphore(%run_scoped3A_32 : memref<!tpu.dma_semaphore, #tpu.memory_space<semaphore_mem>>)
      %dma_wait3A = arith.constant 0 : i32
      %dma_wait3A_40 = arith.constant 0 : i32
      %dma_wait3A_41 = tpu.memref_slice %arg4[%add3A, %run_scoped3A_9, %dma_wait3A, %dma_wait3A_40] : memref<32x2x50x100xi32, #tpu.memory_space<hbm>> -> memref<1x1x50x100xi32, #tpu.memory_space<hbm>>
      %dma_wait3A_42 = tpu.memref_squeeze %dma_wait3A_41 : memref<1x1x50x100xi32, #tpu.memory_space<hbm>> -> memref<50x100xi32, #tpu.memory_space<hbm>>
      %dma_wait3A_43 = arith.constant 0 : i32
      %dma_wait3A_44 = arith.constant 0 : i32
      %dma_wait3A_45 = tpu.memref_slice %arg4[%add3A, %run_scoped3A_9, %dma_wait3A_43, %dma_wait3A_44] : memref<32x2x50x100xi32, #tpu.memory_space<hbm>> -> memref<1x1x50x100xi32, #tpu.memory_space<hbm>>
      %dma_wait3A_46 = tpu.memref_squeeze %dma_wait3A_45 : memref<1x1x50x100xi32, #tpu.memory_space<hbm>> -> memref<50x100xi32, #tpu.memory_space<hbm>>
      tpu.wait_dma2 semaphore(%run_scoped3A_32 : memref<!tpu.dma_semaphore, #tpu.memory_space<semaphore_mem>>) src(%dma_wait3A_46 : memref<50x100xi32, #tpu.memory_space<hbm>>) dst(%arg7 : memref<50x100xi32, #tpu.memory_space<vmem>>)
      tpu.yield
    }) : () -> ()
    %scan3A = arith.constant 0 : i32
    %scan3A_10 = arith.constant 25 : i32
    %scan3A_11 = arith.addi %scan3A, %scan3A_10 : i32
    %scan3A_12 = arith.constant 1 : i32
    scf.for %scan3A_32 = %scan3A to %scan3A_11 step %scan3A_12  : i32 {
      %mul3A_33 = arith.constant 2 : i32
      %mul3A_34 = arith.muli %scan3A_32, %mul3A_33 : i32
      %add3A_35 = arith.constant 0 : i32
      %add3A_36 = arith.addi %add3A_35, %mul3A_34 : i32
      %add3A_37 = arith.constant 0 : i32
      %add3A_38 = arith.addi %add3A_36, %add3A_37 : i32
      %dma_start3A = arith.constant 0 : i32
      %dma_start3A_39 = tpu.memref_slice %arg6[%add3A_38, %dma_start3A] : memref<50x100xi32, #tpu.memory_space<vmem>> -> memref<1x100xi32, #tpu.memory_space<vmem>>
      %dma_start3A_40 = tpu.memref_squeeze %dma_start3A_39 : memref<1x100xi32, #tpu.memory_space<vmem>> -> memref<100xi32, #tpu.memory_space<vmem>>
      %dma_start3A_41 = arith.constant 0 : i32
      %dma_start3A_42 = arith.constant 0 : i32
      %dma_start3A_43 = tpu.memref_slice %arg2[%dma_start3A_41, %dma_start3A_42] : memref<10000x128xf32, #tpu.memory_space<hbm>> -> memref<10000x128xf32, #tpu.memory_space<hbm>>
      tpu.enqueue_indirect_dma source(%dma_start3A_43 : memref<10000x128xf32, #tpu.memory_space<hbm>>) target(%arg8 : memref<100x128xf32, #tpu.memory_space<vmem>>) offsets(%dma_start3A_40 : memref<100xi32, #tpu.memory_space<vmem>>) semaphore(%arg11 : memref<!tpu.dma_semaphore, #tpu.memory_space<semaphore_mem>>)
      %add3A_44 = arith.constant 1 : i32
      %add3A_45 = arith.addi %add3A_36, %add3A_44 : i32
      %dma_start3A_46 = arith.constant 0 : i32
      %dma_start3A_47 = tpu.memref_slice %arg6[%add3A_45, %dma_start3A_46] : memref<50x100xi32, #tpu.memory_space<vmem>> -> memref<1x100xi32, #tpu.memory_space<vmem>>
      %dma_start3A_48 = tpu.memref_squeeze %dma_start3A_47 : memref<1x100xi32, #tpu.memory_space<vmem>> -> memref<100xi32, #tpu.memory_space<vmem>>
      %dma_start3A_49 = arith.constant 0 : i32
      %dma_start3A_50 = arith.constant 0 : i32
      %dma_start3A_51 = tpu.memref_slice %arg2[%dma_start3A_49, %dma_start3A_50] : memref<10000x128xf32, #tpu.memory_space<hbm>> -> memref<10000x128xf32, #tpu.memory_space<hbm>>
      tpu.enqueue_indirect_dma source(%dma_start3A_51 : memref<10000x128xf32, #tpu.memory_space<hbm>>) target(%arg9 : memref<100x128xf32, #tpu.memory_space<vmem>>) offsets(%dma_start3A_48 : memref<100xi32, #tpu.memory_space<vmem>>) semaphore(%arg12 : memref<!tpu.dma_semaphore, #tpu.memory_space<semaphore_mem>>)
      %dma_wait3A = arith.constant 0 : i32
      %dma_wait3A_52 = tpu.memref_slice %arg6[%add3A_38, %dma_wait3A] : memref<50x100xi32, #tpu.memory_space<vmem>> -> memref<1x100xi32, #tpu.memory_space<vmem>>
      %dma_wait3A_53 = tpu.memref_squeeze %dma_wait3A_52 : memref<1x100xi32, #tpu.memory_space<vmem>> -> memref<100xi32, #tpu.memory_space<vmem>>
      %dma_wait3A_54 = arith.constant 0 : i32
      %dma_wait3A_55 = arith.constant 0 : i32
      %dma_wait3A_56 = tpu.memref_slice %arg2[%dma_wait3A_54, %dma_wait3A_55] : memref<10000x128xf32, #tpu.memory_space<hbm>> -> memref<10000x128xf32, #tpu.memory_space<hbm>>
      tpu.wait_indirect_dma semaphore(%arg11 : memref<!tpu.dma_semaphore, #tpu.memory_space<semaphore_mem>>) src(%dma_wait3A_56 : memref<10000x128xf32, #tpu.memory_space<hbm>>) dst(%arg8 : memref<100x128xf32, #tpu.memory_space<vmem>>)
      %add3A_57 = arith.constant 0 : i32
      %add3A_58 = arith.addi %add3A_36, %add3A_57 : i32
      "tpu.region"() ({
        %run_scoped3A_67 = tpu.sem_alloc : memref<!tpu.dma_semaphore, #tpu.memory_space<semaphore_mem>>
        %dma_start3A_68 = arith.constant 0 : i32
        %dma_start3A_69 = tpu.memref_slice %arg7[%add3A_58, %dma_start3A_68] : memref<50x100xi32, #tpu.memory_space<vmem>> -> memref<1x100xi32, #tpu.memory_space<vmem>>
        %dma_start3A_70 = tpu.memref_squeeze %dma_start3A_69 : memref<1x100xi32, #tpu.memory_space<vmem>> -> memref<100xi32, #tpu.memory_space<vmem>>
        %dma_start3A_71 = arith.constant 0 : i32
        %dma_start3A_72 = arith.constant 0 : i32
        %dma_start3A_73 = tpu.memref_slice %arg10[%dma_start3A_71, %dma_start3A_72] : memref<10000x128xf32, #tpu.memory_space<vmem_shared>> -> memref<10000x128xf32, #tpu.memory_space<vmem_shared>>
        tpu.enqueue_indirect_dma source(%arg8 : memref<100x128xf32, #tpu.memory_space<vmem>>) target(%dma_start3A_73 : memref<10000x128xf32, #tpu.memory_space<vmem_shared>>) offsets(%dma_start3A_70 : memref<100xi32, #tpu.memory_space<vmem>>) semaphore(%run_scoped3A_67 : memref<!tpu.dma_semaphore, #tpu.memory_space<semaphore_mem>>) {add = true}
        %dma_wait3A_74 = arith.constant 0 : i32
        %dma_wait3A_75 = tpu.memref_slice %arg7[%add3A_58, %dma_wait3A_74] : memref<50x100xi32, #tpu.memory_space<vmem>> -> memref<1x100xi32, #tpu.memory_space<vmem>>
        %dma_wait3A_76 = tpu.memref_squeeze %dma_wait3A_75 : memref<1x100xi32, #tpu.memory_space<vmem>> -> memref<100xi32, #tpu.memory_space<vmem>>
        %dma_wait3A_77 = arith.constant 0 : i32
        %dma_wait3A_78 = arith.constant 0 : i32
        %dma_wait3A_79 = tpu.memref_slice %arg10[%dma_wait3A_77, %dma_wait3A_78] : memref<10000x128xf32, #tpu.memory_space<vmem_shared>> -> memref<10000x128xf32, #tpu.memory_space<vmem_shared>>
        tpu.wait_indirect_dma semaphore(%run_scoped3A_67 : memref<!tpu.dma_semaphore, #tpu.memory_space<semaphore_mem>>) src(%arg8 : memref<100x128xf32, #tpu.memory_space<vmem>>) dst(%dma_wait3A_79 : memref<10000x128xf32, #tpu.memory_space<vmem_shared>>)
        tpu.yield
      }) : () -> ()
      %dma_wait3A_59 = arith.constant 0 : i32
      %dma_wait3A_60 = tpu.memref_slice %arg6[%add3A_45, %dma_wait3A_59] : memref<50x100xi32, #tpu.memory_space<vmem>> -> memref<1x100xi32, #tpu.memory_space<vmem>>
      %dma_wait3A_61 = tpu.memref_squeeze %dma_wait3A_60 : memref<1x100xi32, #tpu.memory_space<vmem>> -> memref<100xi32, #tpu.memory_space<vmem>>
      %dma_wait3A_62 = arith.constant 0 : i32
      %dma_wait3A_63 = arith.constant 0 : i32
      %dma_wait3A_64 = tpu.memref_slice %arg2[%dma_wait3A_62, %dma_wait3A_63] : memref<10000x128xf32, #tpu.memory_space<hbm>> -> memref<10000x128xf32, #tpu.memory_space<hbm>>
      tpu.wait_indirect_dma semaphore(%arg12 : memref<!tpu.dma_semaphore, #tpu.memory_space<semaphore_mem>>) src(%dma_wait3A_64 : memref<10000x128xf32, #tpu.memory_space<hbm>>) dst(%arg9 : memref<100x128xf32, #tpu.memory_space<vmem>>)
      %add3A_65 = arith.constant 1 : i32
      %add3A_66 = arith.addi %add3A_36, %add3A_65 : i32
      "tpu.region"() ({
        %run_scoped3A_67 = tpu.sem_alloc : memref<!tpu.dma_semaphore, #tpu.memory_space<semaphore_mem>>
        %dma_start3A_68 = arith.constant 0 : i32
        %dma_start3A_69 = tpu.memref_slice %arg7[%add3A_66, %dma_start3A_68] : memref<50x100xi32, #tpu.memory_space<vmem>> -> memref<1x100xi32, #tpu.memory_space<vmem>>
        %dma_start3A_70 = tpu.memref_squeeze %dma_start3A_69 : memref<1x100xi32, #tpu.memory_space<vmem>> -> memref<100xi32, #tpu.memory_space<vmem>>
        %dma_start3A_71 = arith.constant 0 : i32
        %dma_start3A_72 = arith.constant 0 : i32
        %dma_start3A_73 = tpu.memref_slice %arg10[%dma_start3A_71, %dma_start3A_72] : memref<10000x128xf32, #tpu.memory_space<vmem_shared>> -> memref<10000x128xf32, #tpu.memory_space<vmem_shared>>
        tpu.enqueue_indirect_dma source(%arg9 : memref<100x128xf32, #tpu.memory_space<vmem>>) target(%dma_start3A_73 : memref<10000x128xf32, #tpu.memory_space<vmem_shared>>) offsets(%dma_start3A_70 : memref<100xi32, #tpu.memory_space<vmem>>) semaphore(%run_scoped3A_67 : memref<!tpu.dma_semaphore, #tpu.memory_space<semaphore_mem>>) {add = true}
        %dma_wait3A_74 = arith.constant 0 : i32
        %dma_wait3A_75 = tpu.memref_slice %arg7[%add3A_66, %dma_wait3A_74] : memref<50x100xi32, #tpu.memory_space<vmem>> -> memref<1x100xi32, #tpu.memory_space<vmem>>
        %dma_wait3A_76 = tpu.memref_squeeze %dma_wait3A_75 : memref<1x100xi32, #tpu.memory_space<vmem>> -> memref<100xi32, #tpu.memory_space<vmem>>
        %dma_wait3A_77 = arith.constant 0 : i32
        %dma_wait3A_78 = arith.constant 0 : i32
        %dma_wait3A_79 = tpu.memref_slice %arg10[%dma_wait3A_77, %dma_wait3A_78] : memref<10000x128xf32, #tpu.memory_space<vmem_shared>> -> memref<10000x128xf32, #tpu.memory_space<vmem_shared>>
        tpu.wait_indirect_dma semaphore(%run_scoped3A_67 : memref<!tpu.dma_semaphore, #tpu.memory_space<semaphore_mem>>) src(%arg9 : memref<100x128xf32, #tpu.memory_space<vmem>>) dst(%dma_wait3A_79 : memref<10000x128xf32, #tpu.memory_space<vmem_shared>>)
        tpu.yield
      }) : () -> ()
    }
    %scan3A_13 = arith.constant 25 : i32
    %run_scoped3A_14 = arith.constant 1 : i32
    "tpu.region"() ({
      %run_scoped3A_32 = tpu.sem_alloc : memref<!tpu.dma_semaphore, #tpu.memory_space<semaphore_mem>>
      %dma_start3A = arith.constant 0 : i32
      %dma_start3A_33 = arith.constant 0 : i32
      %dma_start3A_34 = tpu.memref_slice %arg3[%add3A, %run_scoped3A_14, %dma_start3A, %dma_start3A_33] : memref<32x2x50x100xi32, #tpu.memory_space<hbm>> -> memref<1x1x50x100xi32, #tpu.memory_space<hbm>>
      %dma_start3A_35 = tpu.memref_squeeze %dma_start3A_34 : memref<1x1x50x100xi32, #tpu.memory_space<hbm>> -> memref<50x100xi32, #tpu.memory_space<hbm>>
      %dma_start3A_36 = arith.constant 0 : i32
      %dma_start3A_37 = arith.constant 0 : i32
      %dma_start3A_38 = tpu.memref_slice %arg3[%add3A, %run_scoped3A_14, %dma_start3A_36, %dma_start3A_37] : memref<32x2x50x100xi32, #tpu.memory_space<hbm>> -> memref<1x1x50x100xi32, #tpu.memory_space<hbm>>
      %dma_start3A_39 = tpu.memref_squeeze %dma_start3A_38 : memref<1x1x50x100xi32, #tpu.memory_space<hbm>> -> memref<50x100xi32, #tpu.memory_space<hbm>>
      tpu.enqueue_dma source(%dma_start3A_39 : memref<50x100xi32, #tpu.memory_space<hbm>>) target(%arg6 : memref<50x100xi32, #tpu.memory_space<vmem>>) target_semaphore(%run_scoped3A_32 : memref<!tpu.dma_semaphore, #tpu.memory_space<semaphore_mem>>)
      %dma_wait3A = arith.constant 0 : i32
      %dma_wait3A_40 = arith.constant 0 : i32
      %dma_wait3A_41 = tpu.memref_slice %arg3[%add3A, %run_scoped3A_14, %dma_wait3A, %dma_wait3A_40] : memref<32x2x50x100xi32, #tpu.memory_space<hbm>> -> memref<1x1x50x100xi32, #tpu.memory_space<hbm>>
      %dma_wait3A_42 = tpu.memref_squeeze %dma_wait3A_41 : memref<1x1x50x100xi32, #tpu.memory_space<hbm>> -> memref<50x100xi32, #tpu.memory_space<hbm>>
      %dma_wait3A_43 = arith.constant 0 : i32
      %dma_wait3A_44 = arith.constant 0 : i32
      %dma_wait3A_45 = tpu.memref_slice %arg3[%add3A, %run_scoped3A_14, %dma_wait3A_43, %dma_wait3A_44] : memref<32x2x50x100xi32, #tpu.memory_space<hbm>> -> memref<1x1x50x100xi32, #tpu.memory_space<hbm>>
      %dma_wait3A_46 = tpu.memref_squeeze %dma_wait3A_45 : memref<1x1x50x100xi32, #tpu.memory_space<hbm>> -> memref<50x100xi32, #tpu.memory_space<hbm>>
      tpu.wait_dma2 semaphore(%run_scoped3A_32 : memref<!tpu.dma_semaphore, #tpu.memory_space<semaphore_mem>>) src(%dma_wait3A_46 : memref<50x100xi32, #tpu.memory_space<hbm>>) dst(%arg6 : memref<50x100xi32, #tpu.memory_space<vmem>>)
      tpu.yield
    }) : () -> ()
    %run_scoped3A_15 = arith.constant 1 : i32
    "tpu.region"() ({
      %run_scoped3A_32 = tpu.sem_alloc : memref<!tpu.dma_semaphore, #tpu.memory_space<semaphore_mem>>
      %dma_start3A = arith.constant 0 : i32
      %dma_start3A_33 = arith.constant 0 : i32
      %dma_start3A_34 = tpu.memref_slice %arg4[%add3A, %run_scoped3A_15, %dma_start3A, %dma_start3A_33] : memref<32x2x50x100xi32, #tpu.memory_space<hbm>> -> memref<1x1x50x100xi32, #tpu.memory_space<hbm>>
      %dma_start3A_35 = tpu.memref_squeeze %dma_start3A_34 : memref<1x1x50x100xi32, #tpu.memory_space<hbm>> -> memref<50x100xi32, #tpu.memory_space<hbm>>
      %dma_start3A_36 = arith.constant 0 : i32
      %dma_start3A_37 = arith.constant 0 : i32
      %dma_start3A_38 = tpu.memref_slice %arg4[%add3A, %run_scoped3A_15, %dma_start3A_36, %dma_start3A_37] : memref<32x2x50x100xi32, #tpu.memory_space<hbm>> -> memref<1x1x50x100xi32, #tpu.memory_space<hbm>>
      %dma_start3A_39 = tpu.memref_squeeze %dma_start3A_38 : memref<1x1x50x100xi32, #tpu.memory_space<hbm>> -> memref<50x100xi32, #tpu.memory_space<hbm>>
      tpu.enqueue_dma source(%dma_start3A_39 : memref<50x100xi32, #tpu.memory_space<hbm>>) target(%arg7 : memref<50x100xi32, #tpu.memory_space<vmem>>) target_semaphore(%run_scoped3A_32 : memref<!tpu.dma_semaphore, #tpu.memory_space<semaphore_mem>>)
      %dma_wait3A = arith.constant 0 : i32
      %dma_wait3A_40 = arith.constant 0 : i32
      %dma_wait3A_41 = tpu.memref_slice %arg4[%add3A, %run_scoped3A_15, %dma_wait3A, %dma_wait3A_40] : memref<32x2x50x100xi32, #tpu.memory_space<hbm>> -> memref<1x1x50x100xi32, #tpu.memory_space<hbm>>
      %dma_wait3A_42 = tpu.memref_squeeze %dma_wait3A_41 : memref<1x1x50x100xi32, #tpu.memory_space<hbm>> -> memref<50x100xi32, #tpu.memory_space<hbm>>
      %dma_wait3A_43 = arith.constant 0 : i32
      %dma_wait3A_44 = arith.constant 0 : i32
      %dma_wait3A_45 = tpu.memref_slice %arg4[%add3A, %run_scoped3A_15, %dma_wait3A_43, %dma_wait3A_44] : memref<32x2x50x100xi32, #tpu.memory_space<hbm>> -> memref<1x1x50x100xi32, #tpu.memory_space<hbm>>
      %dma_wait3A_46 = tpu.memref_squeeze %dma_wait3A_45 : memref<1x1x50x100xi32, #tpu.memory_space<hbm>> -> memref<50x100xi32, #tpu.memory_space<hbm>>
      tpu.wait_dma2 semaphore(%run_scoped3A_32 : memref<!tpu.dma_semaphore, #tpu.memory_space<semaphore_mem>>) src(%dma_wait3A_46 : memref<50x100xi32, #tpu.memory_space<hbm>>) dst(%arg7 : memref<50x100xi32, #tpu.memory_space<vmem>>)
      tpu.yield
    }) : () -> ()
    %scan3A_16 = arith.constant 0 : i32
    %scan3A_17 = arith.constant 25 : i32
    %scan3A_18 = arith.addi %scan3A_16, %scan3A_17 : i32
    %scan3A_19 = arith.constant 1 : i32
    scf.for %scan3A_32 = %scan3A_16 to %scan3A_18 step %scan3A_19  : i32 {
      %mul3A_33 = arith.constant 2 : i32
      %mul3A_34 = arith.muli %scan3A_32, %mul3A_33 : i32
      %add3A_35 = arith.constant 0 : i32
      %add3A_36 = arith.addi %add3A_35, %mul3A_34 : i32
      %add3A_37 = arith.constant 0 : i32
      %add3A_38 = arith.addi %add3A_36, %add3A_37 : i32
      %dma_start3A = arith.constant 0 : i32
      %dma_start3A_39 = tpu.memref_slice %arg6[%add3A_38, %dma_start3A] : memref<50x100xi32, #tpu.memory_space<vmem>> -> memref<1x100xi32, #tpu.memory_space<vmem>>
      %dma_start3A_40 = tpu.memref_squeeze %dma_start3A_39 : memref<1x100xi32, #tpu.memory_space<vmem>> -> memref<100xi32, #tpu.memory_space<vmem>>
      %dma_start3A_41 = arith.constant 0 : i32
      %dma_start3A_42 = arith.constant 0 : i32
      %dma_start3A_43 = tpu.memref_slice %arg2[%dma_start3A_41, %dma_start3A_42] : memref<10000x128xf32, #tpu.memory_space<hbm>> -> memref<10000x128xf32, #tpu.memory_space<hbm>>
      tpu.enqueue_indirect_dma source(%dma_start3A_43 : memref<10000x128xf32, #tpu.memory_space<hbm>>) target(%arg8 : memref<100x128xf32, #tpu.memory_space<vmem>>) offsets(%dma_start3A_40 : memref<100xi32, #tpu.memory_space<vmem>>) semaphore(%arg11 : memref<!tpu.dma_semaphore, #tpu.memory_space<semaphore_mem>>)
      %add3A_44 = arith.constant 1 : i32
      %add3A_45 = arith.addi %add3A_36, %add3A_44 : i32
      %dma_start3A_46 = arith.constant 0 : i32
      %dma_start3A_47 = tpu.memref_slice %arg6[%add3A_45, %dma_start3A_46] : memref<50x100xi32, #tpu.memory_space<vmem>> -> memref<1x100xi32, #tpu.memory_space<vmem>>
      %dma_start3A_48 = tpu.memref_squeeze %dma_start3A_47 : memref<1x100xi32, #tpu.memory_space<vmem>> -> memref<100xi32, #tpu.memory_space<vmem>>
      %dma_start3A_49 = arith.constant 0 : i32
      %dma_start3A_50 = arith.constant 0 : i32
      %dma_start3A_51 = tpu.memref_slice %arg2[%dma_start3A_49, %dma_start3A_50] : memref<10000x128xf32, #tpu.memory_space<hbm>> -> memref<10000x128xf32, #tpu.memory_space<hbm>>
      tpu.enqueue_indirect_dma source(%dma_start3A_51 : memref<10000x128xf32, #tpu.memory_space<hbm>>) target(%arg9 : memref<100x128xf32, #tpu.memory_space<vmem>>) offsets(%dma_start3A_48 : memref<100xi32, #tpu.memory_space<vmem>>) semaphore(%arg12 : memref<!tpu.dma_semaphore, #tpu.memory_space<semaphore_mem>>)
      %dma_wait3A = arith.constant 0 : i32
      %dma_wait3A_52 = tpu.memref_slice %arg6[%add3A_38, %dma_wait3A] : memref<50x100xi32, #tpu.memory_space<vmem>> -> memref<1x100xi32, #tpu.memory_space<vmem>>
      %dma_wait3A_53 = tpu.memref_squeeze %dma_wait3A_52 : memref<1x100xi32, #tpu.memory_space<vmem>> -> memref<100xi32, #tpu.memory_space<vmem>>
      %dma_wait3A_54 = arith.constant 0 : i32
      %dma_wait3A_55 = arith.constant 0 : i32
      %dma_wait3A_56 = tpu.memref_slice %arg2[%dma_wait3A_54, %dma_wait3A_55] : memref<10000x128xf32, #tpu.memory_space<hbm>> -> memref<10000x128xf32, #tpu.memory_space<hbm>>
      tpu.wait_indirect_dma semaphore(%arg11 : memref<!tpu.dma_semaphore, #tpu.memory_space<semaphore_mem>>) src(%dma_wait3A_56 : memref<10000x128xf32, #tpu.memory_space<hbm>>) dst(%arg8 : memref<100x128xf32, #tpu.memory_space<vmem>>)
      %add3A_57 = arith.constant 0 : i32
      %add3A_58 = arith.addi %add3A_36, %add3A_57 : i32
      "tpu.region"() ({
        %run_scoped3A_67 = tpu.sem_alloc : memref<!tpu.dma_semaphore, #tpu.memory_space<semaphore_mem>>
        %dma_start3A_68 = arith.constant 0 : i32
        %dma_start3A_69 = tpu.memref_slice %arg7[%add3A_58, %dma_start3A_68] : memref<50x100xi32, #tpu.memory_space<vmem>> -> memref<1x100xi32, #tpu.memory_space<vmem>>
        %dma_start3A_70 = tpu.memref_squeeze %dma_start3A_69 : memref<1x100xi32, #tpu.memory_space<vmem>> -> memref<100xi32, #tpu.memory_space<vmem>>
        %dma_start3A_71 = arith.constant 0 : i32
        %dma_start3A_72 = arith.constant 0 : i32
        %dma_start3A_73 = tpu.memref_slice %arg10[%dma_start3A_71, %dma_start3A_72] : memref<10000x128xf32, #tpu.memory_space<vmem_shared>> -> memref<10000x128xf32, #tpu.memory_space<vmem_shared>>
        tpu.enqueue_indirect_dma source(%arg8 : memref<100x128xf32, #tpu.memory_space<vmem>>) target(%dma_start3A_73 : memref<10000x128xf32, #tpu.memory_space<vmem_shared>>) offsets(%dma_start3A_70 : memref<100xi32, #tpu.memory_space<vmem>>) semaphore(%run_scoped3A_67 : memref<!tpu.dma_semaphore, #tpu.memory_space<semaphore_mem>>) {add = true}
        %dma_wait3A_74 = arith.constant 0 : i32
        %dma_wait3A_75 = tpu.memref_slice %arg7[%add3A_58, %dma_wait3A_74] : memref<50x100xi32, #tpu.memory_space<vmem>> -> memref<1x100xi32, #tpu.memory_space<vmem>>
        %dma_wait3A_76 = tpu.memref_squeeze %dma_wait3A_75 : memref<1x100xi32, #tpu.memory_space<vmem>> -> memref<100xi32, #tpu.memory_space<vmem>>
        %dma_wait3A_77 = arith.constant 0 : i32
        %dma_wait3A_78 = arith.constant 0 : i32
        %dma_wait3A_79 = tpu.memref_slice %arg10[%dma_wait3A_77, %dma_wait3A_78] : memref<10000x128xf32, #tpu.memory_space<vmem_shared>> -> memref<10000x128xf32, #tpu.memory_space<vmem_shared>>
        tpu.wait_indirect_dma semaphore(%run_scoped3A_67 : memref<!tpu.dma_semaphore, #tpu.memory_space<semaphore_mem>>) src(%arg8 : memref<100x128xf32, #tpu.memory_space<vmem>>) dst(%dma_wait3A_79 : memref<10000x128xf32, #tpu.memory_space<vmem_shared>>)
        tpu.yield
      }) : () -> ()
      %dma_wait3A_59 = arith.constant 0 : i32
      %dma_wait3A_60 = tpu.memref_slice %arg6[%add3A_45, %dma_wait3A_59] : memref<50x100xi32, #tpu.memory_space<vmem>> -> memref<1x100xi32, #tpu.memory_space<vmem>>
      %dma_wait3A_61 = tpu.memref_squeeze %dma_wait3A_60 : memref<1x100xi32, #tpu.memory_space<vmem>> -> memref<100xi32, #tpu.memory_space<vmem>>
      %dma_wait3A_62 = arith.constant 0 : i32
      %dma_wait3A_63 = arith.constant 0 : i32
      %dma_wait3A_64 = tpu.memref_slice %arg2[%dma_wait3A_62, %dma_wait3A_63] : memref<10000x128xf32, #tpu.memory_space<hbm>> -> memref<10000x128xf32, #tpu.memory_space<hbm>>
      tpu.wait_indirect_dma semaphore(%arg12 : memref<!tpu.dma_semaphore, #tpu.memory_space<semaphore_mem>>) src(%dma_wait3A_64 : memref<10000x128xf32, #tpu.memory_space<hbm>>) dst(%arg9 : memref<100x128xf32, #tpu.memory_space<vmem>>)
      %add3A_65 = arith.constant 1 : i32
      %add3A_66 = arith.addi %add3A_36, %add3A_65 : i32
      "tpu.region"() ({
        %run_scoped3A_67 = tpu.sem_alloc : memref<!tpu.dma_semaphore, #tpu.memory_space<semaphore_mem>>
        %dma_start3A_68 = arith.constant 0 : i32
        %dma_start3A_69 = tpu.memref_slice %arg7[%add3A_66, %dma_start3A_68] : memref<50x100xi32, #tpu.memory_space<vmem>> -> memref<1x100xi32, #tpu.memory_space<vmem>>
        %dma_start3A_70 = tpu.memref_squeeze %dma_start3A_69 : memref<1x100xi32, #tpu.memory_space<vmem>> -> memref<100xi32, #tpu.memory_space<vmem>>
        %dma_start3A_71 = arith.constant 0 : i32
        %dma_start3A_72 = arith.constant 0 : i32
        %dma_start3A_73 = tpu.memref_slice %arg10[%dma_start3A_71, %dma_start3A_72] : memref<10000x128xf32, #tpu.memory_space<vmem_shared>> -> memref<10000x128xf32, #tpu.memory_space<vmem_shared>>
        tpu.enqueue_indirect_dma source(%arg9 : memref<100x128xf32, #tpu.memory_space<vmem>>) target(%dma_start3A_73 : memref<10000x128xf32, #tpu.memory_space<vmem_shared>>) offsets(%dma_start3A_70 : memref<100xi32, #tpu.memory_space<vmem>>) semaphore(%run_scoped3A_67 : memref<!tpu.dma_semaphore, #tpu.memory_space<semaphore_mem>>) {add = true}
        %dma_wait3A_74 = arith.constant 0 : i32
        %dma_wait3A_75 = tpu.memref_slice %arg7[%add3A_66, %dma_wait3A_74] : memref<50x100xi32, #tpu.memory_space<vmem>> -> memref<1x100xi32, #tpu.memory_space<vmem>>
        %dma_wait3A_76 = tpu.memref_squeeze %dma_wait3A_75 : memref<1x100xi32, #tpu.memory_space<vmem>> -> memref<100xi32, #tpu.memory_space<vmem>>
        %dma_wait3A_77 = arith.constant 0 : i32
        %dma_wait3A_78 = arith.constant 0 : i32
        %dma_wait3A_79 = tpu.memref_slice %arg10[%dma_wait3A_77, %dma_wait3A_78] : memref<10000x128xf32, #tpu.memory_space<vmem_shared>> -> memref<10000x128xf32, #tpu.memory_space<vmem_shared>>
        tpu.wait_indirect_dma semaphore(%run_scoped3A_67 : memref<!tpu.dma_semaphore, #tpu.memory_space<semaphore_mem>>) src(%arg9 : memref<100x128xf32, #tpu.memory_space<vmem>>) dst(%dma_wait3A_79 : memref<10000x128xf32, #tpu.memory_space<vmem_shared>>)
        tpu.yield
      }) : () -> ()
    }
    %scan3A_20 = arith.constant 25 : i32
    %barrier3A_21 = arith.constant 0 : index
    tpu.barrier barrier_id(%barrier3A_21)
    %lt3A_22 = arith.constant 15 : i32
    %lt3A_23 = arith.cmpi slt, %arg1, %lt3A_22 : i32
    %convert_element_type3A_24 = arith.extui %lt3A_23 : i1 to i32
    %cond3A_25 = arith.constant 0 : i32
    %cond3A_26 = arith.cmpi ne, %convert_element_type3A_24, %cond3A_25 : i32
    scf.if %cond3A_26 {
      "tpu.region"() ({
        %run_scoped3A_32 = tpu.sem_alloc : memref<!tpu.dma_semaphore, #tpu.memory_space<semaphore_mem>>
        %dma_start3A = arith.constant 0 : i32
        %dma_start3A_33 = tpu.memref_slice %arg5[%arg0, %multiple_of3A, %dma_start3A] : memref<2x10000x128xf32, #tpu.memory_space<hbm>> -> memref<1x640x128xf32, #tpu.memory_space<hbm>>
        %dma_start3A_34 = tpu.memref_squeeze %dma_start3A_33 : memref<1x640x128xf32, #tpu.memory_space<hbm>> -> memref<640x128xf32, #tpu.memory_space<hbm>>
        %dma_start3A_35 = arith.constant 0 : i32
        %dma_start3A_36 = tpu.memref_slice %arg10[%multiple_of3A, %dma_start3A_35] : memref<10000x128xf32, #tpu.memory_space<vmem_shared>> -> memref<640x128xf32, #tpu.memory_space<vmem_shared>>
        tpu.enqueue_dma source(%dma_start3A_36 : memref<640x128xf32, #tpu.memory_space<vmem_shared>>) target(%dma_start3A_34 : memref<640x128xf32, #tpu.memory_space<hbm>>) target_semaphore(%run_scoped3A_32 : memref<!tpu.dma_semaphore, #tpu.memory_space<semaphore_mem>>)
        %dma_wait3A = arith.constant 0 : i32
        %dma_wait3A_37 = tpu.memref_slice %arg5[%arg0, %multiple_of3A, %dma_wait3A] : memref<2x10000x128xf32, #tpu.memory_space<hbm>> -> memref<1x640x128xf32, #tpu.memory_space<hbm>>
        %dma_wait3A_38 = tpu.memref_squeeze %dma_wait3A_37 : memref<1x640x128xf32, #tpu.memory_space<hbm>> -> memref<640x128xf32, #tpu.memory_space<hbm>>
        %dma_wait3A_39 = arith.constant 0 : i32
        %dma_wait3A_40 = tpu.memref_slice %arg10[%multiple_of3A, %dma_wait3A_39] : memref<10000x128xf32, #tpu.memory_space<vmem_shared>> -> memref<640x128xf32, #tpu.memory_space<vmem_shared>>
        tpu.wait_dma2 semaphore(%run_scoped3A_32 : memref<!tpu.dma_semaphore, #tpu.memory_space<semaphore_mem>>) src(%dma_wait3A_40 : memref<640x128xf32, #tpu.memory_space<vmem_shared>>) dst(%dma_wait3A_38 : memref<640x128xf32, #tpu.memory_space<hbm>>)
        tpu.yield
      }) : () -> ()
    } else {
    }
    %eq3A_27 = arith.constant 15 : i32
    %eq3A_28 = arith.cmpi eq, %arg1, %eq3A_27 : i32
    %convert_element_type3A_29 = arith.extui %eq3A_28 : i1 to i32
    %cond3A_30 = arith.constant 0 : i32
    %cond3A_31 = arith.cmpi ne, %convert_element_type3A_29, %cond3A_30 : i32
    scf.if %cond3A_31 {
      "tpu.region"() ({
        %run_scoped3A_32 = tpu.sem_alloc : memref<!tpu.dma_semaphore, #tpu.memory_space<semaphore_mem>>
        %dma_start3A = arith.constant 9600 : i32
        %dma_start3A_33 = arith.constant 0 : i32
        %dma_start3A_34 = tpu.memref_slice %arg5[%arg0, %dma_start3A, %dma_start3A_33] : memref<2x10000x128xf32, #tpu.memory_space<hbm>> -> memref<1x400x128xf32, #tpu.memory_space<hbm>>
        %dma_start3A_35 = tpu.memref_squeeze %dma_start3A_34 : memref<1x400x128xf32, #tpu.memory_space<hbm>> -> memref<400x128xf32, #tpu.memory_space<hbm>>
        %dma_start3A_36 = arith.constant 9600 : i32
        %dma_start3A_37 = arith.constant 0 : i32
        %dma_start3A_38 = tpu.memref_slice %arg10[%dma_start3A_36, %dma_start3A_37] : memref<10000x128xf32, #tpu.memory_space<vmem_shared>> -> memref<400x128xf32, #tpu.memory_space<vmem_shared>>
        tpu.enqueue_dma source(%dma_start3A_38 : memref<400x128xf32, #tpu.memory_space<vmem_shared>>) target(%dma_start3A_35 : memref<400x128xf32, #tpu.memory_space<hbm>>) target_semaphore(%run_scoped3A_32 : memref<!tpu.dma_semaphore, #tpu.memory_space<semaphore_mem>>)
        %dma_wait3A = arith.constant 9600 : i32
        %dma_wait3A_39 = arith.constant 0 : i32
        %dma_wait3A_40 = tpu.memref_slice %arg5[%arg0, %dma_wait3A, %dma_wait3A_39] : memref<2x10000x128xf32, #tpu.memory_space<hbm>> -> memref<1x400x128xf32, #tpu.memory_space<hbm>>
        %dma_wait3A_41 = tpu.memref_squeeze %dma_wait3A_40 : memref<1x400x128xf32, #tpu.memory_space<hbm>> -> memref<400x128xf32, #tpu.memory_space<hbm>>
        %dma_wait3A_42 = arith.constant 9600 : i32
        %dma_wait3A_43 = arith.constant 0 : i32
        %dma_wait3A_44 = tpu.memref_slice %arg10[%dma_wait3A_42, %dma_wait3A_43] : memref<10000x128xf32, #tpu.memory_space<vmem_shared>> -> memref<400x128xf32, #tpu.memory_space<vmem_shared>>
        tpu.wait_dma2 semaphore(%run_scoped3A_32 : memref<!tpu.dma_semaphore, #tpu.memory_space<semaphore_mem>>) src(%dma_wait3A_44 : memref<400x128xf32, #tpu.memory_space<vmem_shared>>) dst(%dma_wait3A_41 : memref<400x128xf32, #tpu.memory_space<hbm>>)
        tpu.yield
      }) : () -> ()
    } else {
    }
    return
  }
}

#map = affine_map<(d0, d1) -> (0, 0)>
#map1 = affine_map<(d0, d1) -> (0, 0, 0, 0)>
#map2 = affine_map<(d0, d1) -> (0, 0, 0)>
module attributes {stable_mosaic.version = 14 : i64} {
  func.func @sck(%arg0: i32, %arg1: i32, %arg2: memref<10000x128xf32, #tpu.memory_space<hbm>>, %arg3: memref<32x2x50x100xi32, #tpu.memory_space<hbm>>, %arg4: memref<32x2x50x100xi32, #tpu.memory_space<hbm>>, %arg5: memref<2x10000x128xf32, #tpu.memory_space<hbm>>, %arg6: memref<50x100xi32, #tpu.memory_space<vmem>>, %arg7: memref<50x100xi32, #tpu.memory_space<vmem>>, %arg8: memref<100x128xf32, #tpu.memory_space<vmem>>, %arg9: memref<100x128xf32, #tpu.memory_space<vmem>>, %arg10: memref<10000x128xf32, #tpu.memory_space<vmem_shared>>, %arg11: memref<!tpu.dma_semaphore, #tpu.memory_space<semaphore_mem>>, %arg12: memref<!tpu.dma_semaphore, #tpu.memory_space<semaphore_mem>>) attributes {dimension_semantics = [#tpu.dimension_semantics<core_parallel>, #tpu.dimension_semantics<subcore_parallel>], iteration_bounds = array<i64: 2, 16>, scalar_prefetch = 0 : i64, scratch_operands = 7 : i64, tpu.core_type = #tpu.core_type<sc_vector_subcore>, window_params = [{transform_indices = #map}, {transform_indices = #map1}, {transform_indices = #map1}, {transform_indices = #map2}]} {
    %mul3A = arith.constant 2 : i32
    %mul3A_0 = arith.muli %arg1, %mul3A : i32
    %add3A = arith.addi %mul3A_0, %arg0 : i32
    %mul3A_1 = arith.constant 640 : i32
    %mul3A_2 = arith.muli %arg1, %mul3A_1 : i32
    %multiple_of3A = tpu.assume_multiple %mul3A_2, 8 : i32
    %lt3A = arith.constant 15 : i32
    %lt3A_3 = arith.cmpi slt, %arg1, %lt3A : i32
    %convert_element_type3A = arith.extui %lt3A_3 : i1 to i32
    %cond3A = arith.constant 0 : i32
    %cond3A_4 = arith.cmpi ne, %convert_element_type3A, %cond3A : i32
    scf.if %cond3A_4 {
      "tpu.region"() ({
        %run_scoped3A_32 = tpu.sem_alloc : memref<!tpu.dma_semaphore, #tpu.memory_space<semaphore_mem>>
        %dma_start3A = arith.constant 0 : i32
        %dma_start3A_33 = tpu.memref_slice %arg10[%multiple_of3A, %dma_start3A] : memref<10000x128xf32, #tpu.memory_space<vmem_shared>> -> memref<640x128xf32, #tpu.memory_space<vmem_shared>>
        %dma_start3A_34 = arith.constant 0 : i32
        %dma_start3A_35 = tpu.memref_slice %arg2[%multiple_of3A, %dma_start3A_34] : memref<10000x128xf32, #tpu.memory_space<hbm>> -> memref<640x128xf32, #tpu.memory_space<hbm>>
        tpu.enqueue_dma source(%dma_start3A_35 : memref<640x128xf32, #tpu.memory_space<hbm>>) target(%dma_start3A_33 : memref<640x128xf32, #tpu.memory_space<vmem_shared>>) target_semaphore(%run_scoped3A_32 : memref<!tpu.dma_semaphore, #tpu.memory_space<semaphore_mem>>)
        %dma_wait3A = arith.constant 0 : i32
        %dma_wait3A_36 = tpu.memref_slice %arg10[%multiple_of3A, %dma_wait3A] : memref<10000x128xf32, #tpu.memory_space<vmem_shared>> -> memref<640x128xf32, #tpu.memory_space<vmem_shared>>
        %dma_wait3A_37 = arith.constant 0 : i32
        %dma_wait3A_38 = tpu.memref_slice %arg2[%multiple_of3A, %dma_wait3A_37] : memref<10000x128xf32, #tpu.memory_space<hbm>> -> memref<640x128xf32, #tpu.memory_space<hbm>>
        tpu.wait_dma2 semaphore(%run_scoped3A_32 : memref<!tpu.dma_semaphore, #tpu.memory_space<semaphore_mem>>) src(%dma_wait3A_38 : memref<640x128xf32, #tpu.memory_space<hbm>>) dst(%dma_wait3A_36 : memref<640x128xf32, #tpu.memory_space<vmem_shared>>)
        tpu.yield
      }) : () -> ()
    } else {
    }
    %eq3A = arith.constant 15 : i32
    %eq3A_5 = arith.cmpi eq, %arg1, %eq3A : i32
    %convert_element_type3A_6 = arith.extui %eq3A_5 : i1 to i32
    %cond3A_7 = arith.constant 0 : i32
    %cond3A_8 = arith.cmpi ne, %convert_element_type3A_6, %cond3A_7 : i32
    scf.if %cond3A_8 {
      "tpu.region"() ({
        %run_scoped3A_32 = tpu.sem_alloc : memref<!tpu.dma_semaphore, #tpu.memory_space<semaphore_mem>>
        %dma_start3A = arith.constant 9600 : i32
        %dma_start3A_33 = arith.constant 0 : i32
        %dma_start3A_34 = tpu.memref_slice %arg10[%dma_start3A, %dma_start3A_33] : memref<10000x128xf32, #tpu.memory_space<vmem_shared>> -> memref<400x128xf32, #tpu.memory_space<vmem_shared>>
        %dma_start3A_35 = arith.constant 9600 : i32
        %dma_start3A_36 = arith.constant 0 : i32
        %dma_start3A_37 = tpu.memref_slice %arg2[%dma_start3A_35, %dma_start3A_36] : memref<10000x128xf32, #tpu.memory_space<hbm>> -> memref<400x128xf32, #tpu.memory_space<hbm>>
        tpu.enqueue_dma source(%dma_start3A_37 : memref<400x128xf32, #tpu.memory_space<hbm>>) target(%dma_start3A_34 : memref<400x128xf32, #tpu.memory_space<vmem_shared>>) target_semaphore(%run_scoped3A_32 : memref<!tpu.dma_semaphore, #tpu.memory_space<semaphore_mem>>)
        %dma_wait3A = arith.constant 9600 : i32
        %dma_wait3A_38 = arith.constant 0 : i32
        %dma_wait3A_39 = tpu.memref_slice %arg10[%dma_wait3A, %dma_wait3A_38] : memref<10000x128xf32, #tpu.memory_space<vmem_shared>> -> memref<400x128xf32, #tpu.memory_space<vmem_shared>>
        %dma_wait3A_40 = arith.constant 9600 : i32
        %dma_wait3A_41 = arith.constant 0 : i32
        %dma_wait3A_42 = tpu.memref_slice %arg2[%dma_wait3A_40, %dma_wait3A_41] : memref<10000x128xf32, #tpu.memory_space<hbm>> -> memref<400x128xf32, #tpu.memory_space<hbm>>
        tpu.wait_dma2 semaphore(%run_scoped3A_32 : memref<!tpu.dma_semaphore, #tpu.memory_space<semaphore_mem>>) src(%dma_wait3A_42 : memref<400x128xf32, #tpu.memory_space<hbm>>) dst(%dma_wait3A_39 : memref<400x128xf32, #tpu.memory_space<vmem_shared>>)
        tpu.yield
      }) : () -> ()
    } else {
    }
    %barrier3A = arith.constant 0 : index
    tpu.barrier barrier_id(%barrier3A)
    %run_scoped3A = arith.constant 0 : i32
    "tpu.region"() ({
      %run_scoped3A_32 = tpu.sem_alloc : memref<!tpu.dma_semaphore, #tpu.memory_space<semaphore_mem>>
      %dma_start3A = arith.constant 0 : i32
      %dma_start3A_33 = arith.constant 0 : i32
      %dma_start3A_34 = tpu.memref_slice %arg3[%add3A, %run_scoped3A, %dma_start3A, %dma_start3A_33] : memref<32x2x50x100xi32, #tpu.memory_space<hbm>> -> memref<1x1x50x100xi32, #tpu.memory_space<hbm>>
      %dma_start3A_35 = tpu.memref_squeeze %dma_start3A_34 : memref<1x1x50x100xi32, #tpu.memory_space<hbm>> -> memref<50x100xi32, #tpu.memory_space<hbm>>
      %dma_start3A_36 = arith.constant 0 : i32
      %dma_start3A_37 = arith.constant 0 : i32
      %dma_start3A_38 = tpu.memref_slice %arg3[%add3A, %run_scoped3A, %dma_start3A_36, %dma_start3A_37] : memref<32x2x50x100xi32, #tpu.memory_space<hbm>> -> memref<1x1x50x100xi32, #tpu.memory_space<hbm>>
      %dma_start3A_39 = tpu.memref_squeeze %dma_start3A_38 : memref<1x1x50x100xi32, #tpu.memory_space<hbm>> -> memref<50x100xi32, #tpu.memory_space<hbm>>
      tpu.enqueue_dma source(%dma_start3A_39 : memref<50x100xi32, #tpu.memory_space<hbm>>) target(%arg6 : memref<50x100xi32, #tpu.memory_space<vmem>>) target_semaphore(%run_scoped3A_32 : memref<!tpu.dma_semaphore, #tpu.memory_space<semaphore_mem>>)
      %dma_wait3A = arith.constant 0 : i32
      %dma_wait3A_40 = arith.constant 0 : i32
      %dma_wait3A_41 = tpu.memref_slice %arg3[%add3A, %run_scoped3A, %dma_wait3A, %dma_wait3A_40] : memref<32x2x50x100xi32, #tpu.memory_space<hbm>> -> memref<1x1x50x100xi32, #tpu.memory_space<hbm>>
      %dma_wait3A_42 = tpu.memref_squeeze %dma_wait3A_41 : memref<1x1x50x100xi32, #tpu.memory_space<hbm>> -> memref<50x100xi32, #tpu.memory_space<hbm>>
      %dma_wait3A_43 = arith.constant 0 : i32
      %dma_wait3A_44 = arith.constant 0 : i32
      %dma_wait3A_45 = tpu.memref_slice %arg3[%add3A, %run_scoped3A, %dma_wait3A_43, %dma_wait3A_44] : memref<32x2x50x100xi32, #tpu.memory_space<hbm>> -> memref<1x1x50x100xi32, #tpu.memory_space<hbm>>
      %dma_wait3A_46 = tpu.memref_squeeze %dma_wait3A_45 : memref<1x1x50x100xi32, #tpu.memory_space<hbm>> -> memref<50x100xi32, #tpu.memory_space<hbm>>
      tpu.wait_dma2 semaphore(%run_scoped3A_32 : memref<!tpu.dma_semaphore, #tpu.memory_space<semaphore_mem>>) src(%dma_wait3A_46 : memref<50x100xi32, #tpu.memory_space<hbm>>) dst(%arg6 : memref<50x100xi32, #tpu.memory_space<vmem>>)
      tpu.yield
    }) : () -> ()
    %run_scoped3A_9 = arith.constant 0 : i32
    "tpu.region"() ({
      %run_scoped3A_32 = tpu.sem_alloc : memref<!tpu.dma_semaphore, #tpu.memory_space<semaphore_mem>>
      %dma_start3A = arith.constant 0 : i32
      %dma_start3A_33 = arith.constant 0 : i32
      %dma_start3A_34 = tpu.memref_slice %arg4[%add3A, %run_scoped3A_9, %dma_start3A, %dma_start3A_33] : memref<32x2x50x100xi32, #tpu.memory_space<hbm>> -> memref<1x1x50x100xi32, #tpu.memory_space<hbm>>
      %dma_start3A_35 = tpu.memref_squeeze %dma_start3A_34 : memref<1x1x50x100xi32, #tpu.memory_space<hbm>> -> memref<50x100xi32, #tpu.memory_space<hbm>>
      %dma_start3A_36 = arith.constant 0 : i32
      %dma_start3A_37 = arith.constant 0 : i32
      %dma_start3A_38 = tpu.memref_slice %arg4[%add3A, %run_scoped3A_9, %dma_start3A_36, %dma_start3A_37] : memref<32x2x50x100xi32, #tpu.memory_space<hbm>> -> memref<1x1x50x100xi32, #tpu.memory_space<hbm>>
      %dma_start3A_39 = tpu.memref_squeeze %dma_start3A_38 : memref<1x1x50x100xi32, #tpu.memory_space<hbm>> -> memref<50x100xi32, #tpu.memory_space<hbm>>
      tpu.enqueue_dma source(%dma_start3A_39 : memref<50x100xi32, #tpu.memory_space<hbm>>) target(%arg7 : memref<50x100xi32, #tpu.memory_space<vmem>>) target_semaphore(%run_scoped3A_32 : memref<!tpu.dma_semaphore, #tpu.memory_space<semaphore_mem>>)
      %dma_wait3A = arith.constant 0 : i32
      %dma_wait3A_40 = arith.constant 0 : i32
      %dma_wait3A_41 = tpu.memref_slice %arg4[%add3A, %run_scoped3A_9, %dma_wait3A, %dma_wait3A_40] : memref<32x2x50x100xi32, #tpu.memory_space<hbm>> -> memref<1x1x50x100xi32, #tpu.memory_space<hbm>>
      %dma_wait3A_42 = tpu.memref_squeeze %dma_wait3A_41 : memref<1x1x50x100xi32, #tpu.memory_space<hbm>> -> memref<50x100xi32, #tpu.memory_space<hbm>>
      %dma_wait3A_43 = arith.constant 0 : i32
      %dma_wait3A_44 = arith.constant 0 : i32
      %dma_wait3A_45 = tpu.memref_slice %arg4[%add3A, %run_scoped3A_9, %dma_wait3A_43, %dma_wait3A_44] : memref<32x2x50x100xi32, #tpu.memory_space<hbm>> -> memref<1x1x50x100xi32, #tpu.memory_space<hbm>>
      %dma_wait3A_46 = tpu.memref_squeeze %dma_wait3A_45 : memref<1x1x50x100xi32, #tpu.memory_space<hbm>> -> memref<50x100xi32, #tpu.memory_space<hbm>>
      tpu.wait_dma2 semaphore(%run_scoped3A_32 : memref<!tpu.dma_semaphore, #tpu.memory_space<semaphore_mem>>) src(%dma_wait3A_46 : memref<50x100xi32, #tpu.memory_space<hbm>>) dst(%arg7 : memref<50x100xi32, #tpu.memory_space<vmem>>)
      tpu.yield
    }) : () -> ()
    %scan3A = arith.constant 0 : i32
    %scan3A_10 = arith.constant 25 : i32
    %scan3A_11 = arith.addi %scan3A, %scan3A_10 : i32
    %scan3A_12 = arith.constant 1 : i32
    scf.for %scan3A_32 = %scan3A to %scan3A_11 step %scan3A_12  : i32 {
      %mul3A_33 = arith.constant 2 : i32
      %mul3A_34 = arith.muli %scan3A_32, %mul3A_33 : i32
      %add3A_35 = arith.constant 0 : i32
      %add3A_36 = arith.addi %add3A_35, %mul3A_34 : i32
      %add3A_37 = arith.constant 0 : i32
      %add3A_38 = arith.addi %add3A_36, %add3A_37 : i32
      %dma_start3A = arith.constant 0 : i32
      %dma_start3A_39 = tpu.memref_slice %arg6[%add3A_38, %dma_start3A] : memref<50x100xi32, #tpu.memory_space<vmem>> -> memref<1x100xi32, #tpu.memory_space<vmem>>
      %dma_start3A_40 = tpu.memref_squeeze %dma_start3A_39 : memref<1x100xi32, #tpu.memory_space<vmem>> -> memref<100xi32, #tpu.memory_space<vmem>>
      %dma_start3A_41 = arith.constant 0 : i32
      %dma_start3A_42 = arith.constant 0 : i32
      %dma_start3A_43 = tpu.memref_slice %arg2[%dma_start3A_41, %dma_start3A_42] : memref<10000x128xf32, #tpu.memory_space<hbm>> -> memref<10000x128xf32, #tpu.memory_space<hbm>>
      tpu.enqueue_indirect_dma source(%dma_start3A_43 : memref<10000x128xf32, #tpu.memory_space<hbm>>) target(%arg8 : memref<100x128xf32, #tpu.memory_space<vmem>>) offsets(%dma_start3A_40 : memref<100xi32, #tpu.memory_space<vmem>>) semaphore(%arg11 : memref<!tpu.dma_semaphore, #tpu.memory_space<semaphore_mem>>)
      %add3A_44 = arith.constant 1 : i32
      %add3A_45 = arith.addi %add3A_36, %add3A_44 : i32
      %dma_start3A_46 = arith.constant 0 : i32
      %dma_start3A_47 = tpu.memref_slice %arg6[%add3A_45, %dma_start3A_46] : memref<50x100xi32, #tpu.memory_space<vmem>> -> memref<1x100xi32, #tpu.memory_space<vmem>>
      %dma_start3A_48 = tpu.memref_squeeze %dma_start3A_47 : memref<1x100xi32, #tpu.memory_space<vmem>> -> memref<100xi32, #tpu.memory_space<vmem>>
      %dma_start3A_49 = arith.constant 0 : i32
      %dma_start3A_50 = arith.constant 0 : i32
      %dma_start3A_51 = tpu.memref_slice %arg2[%dma_start3A_49, %dma_start3A_50] : memref<10000x128xf32, #tpu.memory_space<hbm>> -> memref<10000x128xf32, #tpu.memory_space<hbm>>
      tpu.enqueue_indirect_dma source(%dma_start3A_51 : memref<10000x128xf32, #tpu.memory_space<hbm>>) target(%arg9 : memref<100x128xf32, #tpu.memory_space<vmem>>) offsets(%dma_start3A_48 : memref<100xi32, #tpu.memory_space<vmem>>) semaphore(%arg12 : memref<!tpu.dma_semaphore, #tpu.memory_space<semaphore_mem>>)
      %dma_wait3A = arith.constant 0 : i32
      %dma_wait3A_52 = tpu.memref_slice %arg6[%add3A_38, %dma_wait3A] : memref<50x100xi32, #tpu.memory_space<vmem>> -> memref<1x100xi32, #tpu.memory_space<vmem>>
      %dma_wait3A_53 = tpu.memref_squeeze %dma_wait3A_52 : memref<1x100xi32, #tpu.memory_space<vmem>> -> memref<100xi32, #tpu.memory_space<vmem>>
      %dma_wait3A_54 = arith.constant 0 : i32
      %dma_wait3A_55 = arith.constant 0 : i32
      %dma_wait3A_56 = tpu.memref_slice %arg2[%dma_wait3A_54, %dma_wait3A_55] : memref<10000x128xf32, #tpu.memory_space<hbm>> -> memref<10000x128xf32, #tpu.memory_space<hbm>>
      tpu.wait_indirect_dma semaphore(%arg11 : memref<!tpu.dma_semaphore, #tpu.memory_space<semaphore_mem>>) src(%dma_wait3A_56 : memref<10000x128xf32, #tpu.memory_space<hbm>>) dst(%arg8 : memref<100x128xf32, #tpu.memory_space<vmem>>)
      %add3A_57 = arith.constant 0 : i32
      %add3A_58 = arith.addi %add3A_36, %add3A_57 : i32
      "tpu.region"() ({
        %run_scoped3A_67 = tpu.sem_alloc : memref<!tpu.dma_semaphore, #tpu.memory_space<semaphore_mem>>
        %dma_start3A_68 = arith.constant 0 : i32
        %dma_start3A_69 = tpu.memref_slice %arg7[%add3A_58, %dma_start3A_68] : memref<50x100xi32, #tpu.memory_space<vmem>> -> memref<1x100xi32, #tpu.memory_space<vmem>>
        %dma_start3A_70 = tpu.memref_squeeze %dma_start3A_69 : memref<1x100xi32, #tpu.memory_space<vmem>> -> memref<100xi32, #tpu.memory_space<vmem>>
        %dma_start3A_71 = arith.constant 0 : i32
        %dma_start3A_72 = arith.constant 0 : i32
        %dma_start3A_73 = tpu.memref_slice %arg10[%dma_start3A_71, %dma_start3A_72] : memref<10000x128xf32, #tpu.memory_space<vmem_shared>> -> memref<10000x128xf32, #tpu.memory_space<vmem_shared>>
        tpu.enqueue_indirect_dma source(%arg8 : memref<100x128xf32, #tpu.memory_space<vmem>>) target(%dma_start3A_73 : memref<10000x128xf32, #tpu.memory_space<vmem_shared>>) offsets(%dma_start3A_70 : memref<100xi32, #tpu.memory_space<vmem>>) semaphore(%run_scoped3A_67 : memref<!tpu.dma_semaphore, #tpu.memory_space<semaphore_mem>>) {add = true}
        %dma_wait3A_74 = arith.constant 0 : i32
        %dma_wait3A_75 = tpu.memref_slice %arg7[%add3A_58, %dma_wait3A_74] : memref<50x100xi32, #tpu.memory_space<vmem>> -> memref<1x100xi32, #tpu.memory_space<vmem>>
        %dma_wait3A_76 = tpu.memref_squeeze %dma_wait3A_75 : memref<1x100xi32, #tpu.memory_space<vmem>> -> memref<100xi32, #tpu.memory_space<vmem>>
        %dma_wait3A_77 = arith.constant 0 : i32
        %dma_wait3A_78 = arith.constant 0 : i32
        %dma_wait3A_79 = tpu.memref_slice %arg10[%dma_wait3A_77, %dma_wait3A_78] : memref<10000x128xf32, #tpu.memory_space<vmem_shared>> -> memref<10000x128xf32, #tpu.memory_space<vmem_shared>>
        tpu.wait_indirect_dma semaphore(%run_scoped3A_67 : memref<!tpu.dma_semaphore, #tpu.memory_space<semaphore_mem>>) src(%arg8 : memref<100x128xf32, #tpu.memory_space<vmem>>) dst(%dma_wait3A_79 : memref<10000x128xf32, #tpu.memory_space<vmem_shared>>)
        tpu.yield
      }) : () -> ()
      %dma_wait3A_59 = arith.constant 0 : i32
      %dma_wait3A_60 = tpu.memref_slice %arg6[%add3A_45, %dma_wait3A_59] : memref<50x100xi32, #tpu.memory_space<vmem>> -> memref<1x100xi32, #tpu.memory_space<vmem>>
      %dma_wait3A_61 = tpu.memref_squeeze %dma_wait3A_60 : memref<1x100xi32, #tpu.memory_space<vmem>> -> memref<100xi32, #tpu.memory_space<vmem>>
      %dma_wait3A_62 = arith.constant 0 : i32
      %dma_wait3A_63 = arith.constant 0 : i32
      %dma_wait3A_64 = tpu.memref_slice %arg2[%dma_wait3A_62, %dma_wait3A_63] : memref<10000x128xf32, #tpu.memory_space<hbm>> -> memref<10000x128xf32, #tpu.memory_space<hbm>>
      tpu.wait_indirect_dma semaphore(%arg12 : memref<!tpu.dma_semaphore, #tpu.memory_space<semaphore_mem>>) src(%dma_wait3A_64 : memref<10000x128xf32, #tpu.memory_space<hbm>>) dst(%arg9 : memref<100x128xf32, #tpu.memory_space<vmem>>)
      %add3A_65 = arith.constant 1 : i32
      %add3A_66 = arith.addi %add3A_36, %add3A_65 : i32
      "tpu.region"() ({
        %run_scoped3A_67 = tpu.sem_alloc : memref<!tpu.dma_semaphore, #tpu.memory_space<semaphore_mem>>
        %dma_start3A_68 = arith.constant 0 : i32
        %dma_start3A_69 = tpu.memref_slice %arg7[%add3A_66, %dma_start3A_68] : memref<50x100xi32, #tpu.memory_space<vmem>> -> memref<1x100xi32, #tpu.memory_space<vmem>>
        %dma_start3A_70 = tpu.memref_squeeze %dma_start3A_69 : memref<1x100xi32, #tpu.memory_space<vmem>> -> memref<100xi32, #tpu.memory_space<vmem>>
        %dma_start3A_71 = arith.constant 0 : i32
        %dma_start3A_72 = arith.constant 0 : i32
        %dma_start3A_73 = tpu.memref_slice %arg10[%dma_start3A_71, %dma_start3A_72] : memref<10000x128xf32, #tpu.memory_space<vmem_shared>> -> memref<10000x128xf32, #tpu.memory_space<vmem_shared>>
        tpu.enqueue_indirect_dma source(%arg9 : memref<100x128xf32, #tpu.memory_space<vmem>>) target(%dma_start3A_73 : memref<10000x128xf32, #tpu.memory_space<vmem_shared>>) offsets(%dma_start3A_70 : memref<100xi32, #tpu.memory_space<vmem>>) semaphore(%run_scoped3A_67 : memref<!tpu.dma_semaphore, #tpu.memory_space<semaphore_mem>>) {add = true}
        %dma_wait3A_74 = arith.constant 0 : i32
        %dma_wait3A_75 = tpu.memref_slice %arg7[%add3A_66, %dma_wait3A_74] : memref<50x100xi32, #tpu.memory_space<vmem>> -> memref<1x100xi32, #tpu.memory_space<vmem>>
        %dma_wait3A_76 = tpu.memref_squeeze %dma_wait3A_75 : memref<1x100xi32, #tpu.memory_space<vmem>> -> memref<100xi32, #tpu.memory_space<vmem>>
        %dma_wait3A_77 = arith.constant 0 : i32
        %dma_wait3A_78 = arith.constant 0 : i32
        %dma_wait3A_79 = tpu.memref_slice %arg10[%dma_wait3A_77, %dma_wait3A_78] : memref<10000x128xf32, #tpu.memory_space<vmem_shared>> -> memref<10000x128xf32, #tpu.memory_space<vmem_shared>>
        tpu.wait_indirect_dma semaphore(%run_scoped3A_67 : memref<!tpu.dma_semaphore, #tpu.memory_space<semaphore_mem>>) src(%arg9 : memref<100x128xf32, #tpu.memory_space<vmem>>) dst(%dma_wait3A_79 : memref<10000x128xf32, #tpu.memory_space<vmem_shared>>)
        tpu.yield
      }) : () -> ()
    }
    %scan3A_13 = arith.constant 25 : i32
    %run_scoped3A_14 = arith.constant 1 : i32
    "tpu.region"() ({
      %run_scoped3A_32 = tpu.sem_alloc : memref<!tpu.dma_semaphore, #tpu.memory_space<semaphore_mem>>
      %dma_start3A = arith.constant 0 : i32
      %dma_start3A_33 = arith.constant 0 : i32
      %dma_start3A_34 = tpu.memref_slice %arg3[%add3A, %run_scoped3A_14, %dma_start3A, %dma_start3A_33] : memref<32x2x50x100xi32, #tpu.memory_space<hbm>> -> memref<1x1x50x100xi32, #tpu.memory_space<hbm>>
      %dma_start3A_35 = tpu.memref_squeeze %dma_start3A_34 : memref<1x1x50x100xi32, #tpu.memory_space<hbm>> -> memref<50x100xi32, #tpu.memory_space<hbm>>
      %dma_start3A_36 = arith.constant 0 : i32
      %dma_start3A_37 = arith.constant 0 : i32
      %dma_start3A_38 = tpu.memref_slice %arg3[%add3A, %run_scoped3A_14, %dma_start3A_36, %dma_start3A_37] : memref<32x2x50x100xi32, #tpu.memory_space<hbm>> -> memref<1x1x50x100xi32, #tpu.memory_space<hbm>>
      %dma_start3A_39 = tpu.memref_squeeze %dma_start3A_38 : memref<1x1x50x100xi32, #tpu.memory_space<hbm>> -> memref<50x100xi32, #tpu.memory_space<hbm>>
      tpu.enqueue_dma source(%dma_start3A_39 : memref<50x100xi32, #tpu.memory_space<hbm>>) target(%arg6 : memref<50x100xi32, #tpu.memory_space<vmem>>) target_semaphore(%run_scoped3A_32 : memref<!tpu.dma_semaphore, #tpu.memory_space<semaphore_mem>>)
      %dma_wait3A = arith.constant 0 : i32
      %dma_wait3A_40 = arith.constant 0 : i32
      %dma_wait3A_41 = tpu.memref_slice %arg3[%add3A, %run_scoped3A_14, %dma_wait3A, %dma_wait3A_40] : memref<32x2x50x100xi32, #tpu.memory_space<hbm>> -> memref<1x1x50x100xi32, #tpu.memory_space<hbm>>
      %dma_wait3A_42 = tpu.memref_squeeze %dma_wait3A_41 : memref<1x1x50x100xi32, #tpu.memory_space<hbm>> -> memref<50x100xi32, #tpu.memory_space<hbm>>
      %dma_wait3A_43 = arith.constant 0 : i32
      %dma_wait3A_44 = arith.constant 0 : i32
      %dma_wait3A_45 = tpu.memref_slice %arg3[%add3A, %run_scoped3A_14, %dma_wait3A_43, %dma_wait3A_44] : memref<32x2x50x100xi32, #tpu.memory_space<hbm>> -> memref<1x1x50x100xi32, #tpu.memory_space<hbm>>
      %dma_wait3A_46 = tpu.memref_squeeze %dma_wait3A_45 : memref<1x1x50x100xi32, #tpu.memory_space<hbm>> -> memref<50x100xi32, #tpu.memory_space<hbm>>
      tpu.wait_dma2 semaphore(%run_scoped3A_32 : memref<!tpu.dma_semaphore, #tpu.memory_space<semaphore_mem>>) src(%dma_wait3A_46 : memref<50x100xi32, #tpu.memory_space<hbm>>) dst(%arg6 : memref<50x100xi32, #tpu.memory_space<vmem>>)
      tpu.yield
    }) : () -> ()
    %run_scoped3A_15 = arith.constant 1 : i32
    "tpu.region"() ({
      %run_scoped3A_32 = tpu.sem_alloc : memref<!tpu.dma_semaphore, #tpu.memory_space<semaphore_mem>>
      %dma_start3A = arith.constant 0 : i32
      %dma_start3A_33 = arith.constant 0 : i32
      %dma_start3A_34 = tpu.memref_slice %arg4[%add3A, %run_scoped3A_15, %dma_start3A, %dma_start3A_33] : memref<32x2x50x100xi32, #tpu.memory_space<hbm>> -> memref<1x1x50x100xi32, #tpu.memory_space<hbm>>
      %dma_start3A_35 = tpu.memref_squeeze %dma_start3A_34 : memref<1x1x50x100xi32, #tpu.memory_space<hbm>> -> memref<50x100xi32, #tpu.memory_space<hbm>>
      %dma_start3A_36 = arith.constant 0 : i32
      %dma_start3A_37 = arith.constant 0 : i32
      %dma_start3A_38 = tpu.memref_slice %arg4[%add3A, %run_scoped3A_15, %dma_start3A_36, %dma_start3A_37] : memref<32x2x50x100xi32, #tpu.memory_space<hbm>> -> memref<1x1x50x100xi32, #tpu.memory_space<hbm>>
      %dma_start3A_39 = tpu.memref_squeeze %dma_start3A_38 : memref<1x1x50x100xi32, #tpu.memory_space<hbm>> -> memref<50x100xi32, #tpu.memory_space<hbm>>
      tpu.enqueue_dma source(%dma_start3A_39 : memref<50x100xi32, #tpu.memory_space<hbm>>) target(%arg7 : memref<50x100xi32, #tpu.memory_space<vmem>>) target_semaphore(%run_scoped3A_32 : memref<!tpu.dma_semaphore, #tpu.memory_space<semaphore_mem>>)
      %dma_wait3A = arith.constant 0 : i32
      %dma_wait3A_40 = arith.constant 0 : i32
      %dma_wait3A_41 = tpu.memref_slice %arg4[%add3A, %run_scoped3A_15, %dma_wait3A, %dma_wait3A_40] : memref<32x2x50x100xi32, #tpu.memory_space<hbm>> -> memref<1x1x50x100xi32, #tpu.memory_space<hbm>>
      %dma_wait3A_42 = tpu.memref_squeeze %dma_wait3A_41 : memref<1x1x50x100xi32, #tpu.memory_space<hbm>> -> memref<50x100xi32, #tpu.memory_space<hbm>>
      %dma_wait3A_43 = arith.constant 0 : i32
      %dma_wait3A_44 = arith.constant 0 : i32
      %dma_wait3A_45 = tpu.memref_slice %arg4[%add3A, %run_scoped3A_15, %dma_wait3A_43, %dma_wait3A_44] : memref<32x2x50x100xi32, #tpu.memory_space<hbm>> -> memref<1x1x50x100xi32, #tpu.memory_space<hbm>>
      %dma_wait3A_46 = tpu.memref_squeeze %dma_wait3A_45 : memref<1x1x50x100xi32, #tpu.memory_space<hbm>> -> memref<50x100xi32, #tpu.memory_space<hbm>>
      tpu.wait_dma2 semaphore(%run_scoped3A_32 : memref<!tpu.dma_semaphore, #tpu.memory_space<semaphore_mem>>) src(%dma_wait3A_46 : memref<50x100xi32, #tpu.memory_space<hbm>>) dst(%arg7 : memref<50x100xi32, #tpu.memory_space<vmem>>)
      tpu.yield
    }) : () -> ()
    %scan3A_16 = arith.constant 0 : i32
    %scan3A_17 = arith.constant 25 : i32
    %scan3A_18 = arith.addi %scan3A_16, %scan3A_17 : i32
    %scan3A_19 = arith.constant 1 : i32
    scf.for %scan3A_32 = %scan3A_16 to %scan3A_18 step %scan3A_19  : i32 {
      %mul3A_33 = arith.constant 2 : i32
      %mul3A_34 = arith.muli %scan3A_32, %mul3A_33 : i32
      %add3A_35 = arith.constant 0 : i32
      %add3A_36 = arith.addi %add3A_35, %mul3A_34 : i32
      %add3A_37 = arith.constant 0 : i32
      %add3A_38 = arith.addi %add3A_36, %add3A_37 : i32
      %dma_start3A = arith.constant 0 : i32
      %dma_start3A_39 = tpu.memref_slice %arg6[%add3A_38, %dma_start3A] : memref<50x100xi32, #tpu.memory_space<vmem>> -> memref<1x100xi32, #tpu.memory_space<vmem>>
      %dma_start3A_40 = tpu.memref_squeeze %dma_start3A_39 : memref<1x100xi32, #tpu.memory_space<vmem>> -> memref<100xi32, #tpu.memory_space<vmem>>
      %dma_start3A_41 = arith.constant 0 : i32
      %dma_start3A_42 = arith.constant 0 : i32
      %dma_start3A_43 = tpu.memref_slice %arg2[%dma_start3A_41, %dma_start3A_42] : memref<10000x128xf32, #tpu.memory_space<hbm>> -> memref<10000x128xf32, #tpu.memory_space<hbm>>
      tpu.enqueue_indirect_dma source(%dma_start3A_43 : memref<10000x128xf32, #tpu.memory_space<hbm>>) target(%arg8 : memref<100x128xf32, #tpu.memory_space<vmem>>) offsets(%dma_start3A_40 : memref<100xi32, #tpu.memory_space<vmem>>) semaphore(%arg11 : memref<!tpu.dma_semaphore, #tpu.memory_space<semaphore_mem>>)
      %add3A_44 = arith.constant 1 : i32
      %add3A_45 = arith.addi %add3A_36, %add3A_44 : i32
      %dma_start3A_46 = arith.constant 0 : i32
      %dma_start3A_47 = tpu.memref_slice %arg6[%add3A_45, %dma_start3A_46] : memref<50x100xi32, #tpu.memory_space<vmem>> -> memref<1x100xi32, #tpu.memory_space<vmem>>
      %dma_start3A_48 = tpu.memref_squeeze %dma_start3A_47 : memref<1x100xi32, #tpu.memory_space<vmem>> -> memref<100xi32, #tpu.memory_space<vmem>>
      %dma_start3A_49 = arith.constant 0 : i32
      %dma_start3A_50 = arith.constant 0 : i32
      %dma_start3A_51 = tpu.memref_slice %arg2[%dma_start3A_49, %dma_start3A_50] : memref<10000x128xf32, #tpu.memory_space<hbm>> -> memref<10000x128xf32, #tpu.memory_space<hbm>>
      tpu.enqueue_indirect_dma source(%dma_start3A_51 : memref<10000x128xf32, #tpu.memory_space<hbm>>) target(%arg9 : memref<100x128xf32, #tpu.memory_space<vmem>>) offsets(%dma_start3A_48 : memref<100xi32, #tpu.memory_space<vmem>>) semaphore(%arg12 : memref<!tpu.dma_semaphore, #tpu.memory_space<semaphore_mem>>)
      %dma_wait3A = arith.constant 0 : i32
      %dma_wait3A_52 = tpu.memref_slice %arg6[%add3A_38, %dma_wait3A] : memref<50x100xi32, #tpu.memory_space<vmem>> -> memref<1x100xi32, #tpu.memory_space<vmem>>
      %dma_wait3A_53 = tpu.memref_squeeze %dma_wait3A_52 : memref<1x100xi32, #tpu.memory_space<vmem>> -> memref<100xi32, #tpu.memory_space<vmem>>
      %dma_wait3A_54 = arith.constant 0 : i32
      %dma_wait3A_55 = arith.constant 0 : i32
      %dma_wait3A_56 = tpu.memref_slice %arg2[%dma_wait3A_54, %dma_wait3A_55] : memref<10000x128xf32, #tpu.memory_space<hbm>> -> memref<10000x128xf32, #tpu.memory_space<hbm>>
      tpu.wait_indirect_dma semaphore(%arg11 : memref<!tpu.dma_semaphore, #tpu.memory_space<semaphore_mem>>) src(%dma_wait3A_56 : memref<10000x128xf32, #tpu.memory_space<hbm>>) dst(%arg8 : memref<100x128xf32, #tpu.memory_space<vmem>>)
      %add3A_57 = arith.constant 0 : i32
      %add3A_58 = arith.addi %add3A_36, %add3A_57 : i32
      "tpu.region"() ({
        %run_scoped3A_67 = tpu.sem_alloc : memref<!tpu.dma_semaphore, #tpu.memory_space<semaphore_mem>>
        %dma_start3A_68 = arith.constant 0 : i32
        %dma_start3A_69 = tpu.memref_slice %arg7[%add3A_58, %dma_start3A_68] : memref<50x100xi32, #tpu.memory_space<vmem>> -> memref<1x100xi32, #tpu.memory_space<vmem>>
        %dma_start3A_70 = tpu.memref_squeeze %dma_start3A_69 : memref<1x100xi32, #tpu.memory_space<vmem>> -> memref<100xi32, #tpu.memory_space<vmem>>
        %dma_start3A_71 = arith.constant 0 : i32
        %dma_start3A_72 = arith.constant 0 : i32
        %dma_start3A_73 = tpu.memref_slice %arg10[%dma_start3A_71, %dma_start3A_72] : memref<10000x128xf32, #tpu.memory_space<vmem_shared>> -> memref<10000x128xf32, #tpu.memory_space<vmem_shared>>
        tpu.enqueue_indirect_dma source(%arg8 : memref<100x128xf32, #tpu.memory_space<vmem>>) target(%dma_start3A_73 : memref<10000x128xf32, #tpu.memory_space<vmem_shared>>) offsets(%dma_start3A_70 : memref<100xi32, #tpu.memory_space<vmem>>) semaphore(%run_scoped3A_67 : memref<!tpu.dma_semaphore, #tpu.memory_space<semaphore_mem>>) {add = true}
        %dma_wait3A_74 = arith.constant 0 : i32
        %dma_wait3A_75 = tpu.memref_slice %arg7[%add3A_58, %dma_wait3A_74] : memref<50x100xi32, #tpu.memory_space<vmem>> -> memref<1x100xi32, #tpu.memory_space<vmem>>
        %dma_wait3A_76 = tpu.memref_squeeze %dma_wait3A_75 : memref<1x100xi32, #tpu.memory_space<vmem>> -> memref<100xi32, #tpu.memory_space<vmem>>
        %dma_wait3A_77 = arith.constant 0 : i32
        %dma_wait3A_78 = arith.constant 0 : i32
        %dma_wait3A_79 = tpu.memref_slice %arg10[%dma_wait3A_77, %dma_wait3A_78] : memref<10000x128xf32, #tpu.memory_space<vmem_shared>> -> memref<10000x128xf32, #tpu.memory_space<vmem_shared>>
        tpu.wait_indirect_dma semaphore(%run_scoped3A_67 : memref<!tpu.dma_semaphore, #tpu.memory_space<semaphore_mem>>) src(%arg8 : memref<100x128xf32, #tpu.memory_space<vmem>>) dst(%dma_wait3A_79 : memref<10000x128xf32, #tpu.memory_space<vmem_shared>>)
        tpu.yield
      }) : () -> ()
      %dma_wait3A_59 = arith.constant 0 : i32
      %dma_wait3A_60 = tpu.memref_slice %arg6[%add3A_45, %dma_wait3A_59] : memref<50x100xi32, #tpu.memory_space<vmem>> -> memref<1x100xi32, #tpu.memory_space<vmem>>
      %dma_wait3A_61 = tpu.memref_squeeze %dma_wait3A_60 : memref<1x100xi32, #tpu.memory_space<vmem>> -> memref<100xi32, #tpu.memory_space<vmem>>
      %dma_wait3A_62 = arith.constant 0 : i32
      %dma_wait3A_63 = arith.constant 0 : i32
      %dma_wait3A_64 = tpu.memref_slice %arg2[%dma_wait3A_62, %dma_wait3A_63] : memref<10000x128xf32, #tpu.memory_space<hbm>> -> memref<10000x128xf32, #tpu.memory_space<hbm>>
      tpu.wait_indirect_dma semaphore(%arg12 : memref<!tpu.dma_semaphore, #tpu.memory_space<semaphore_mem>>) src(%dma_wait3A_64 : memref<10000x128xf32, #tpu.memory_space<hbm>>) dst(%arg9 : memref<100x128xf32, #tpu.memory_space<vmem>>)
      %add3A_65 = arith.constant 1 : i32
      %add3A_66 = arith.addi %add3A_36, %add3A_65 : i32
      "tpu.region"() ({
        %run_scoped3A_67 = tpu.sem_alloc : memref<!tpu.dma_semaphore, #tpu.memory_space<semaphore_mem>>
        %dma_start3A_68 = arith.constant 0 : i32
        %dma_start3A_69 = tpu.memref_slice %arg7[%add3A_66, %dma_start3A_68] : memref<50x100xi32, #tpu.memory_space<vmem>> -> memref<1x100xi32, #tpu.memory_space<vmem>>
        %dma_start3A_70 = tpu.memref_squeeze %dma_start3A_69 : memref<1x100xi32, #tpu.memory_space<vmem>> -> memref<100xi32, #tpu.memory_space<vmem>>
        %dma_start3A_71 = arith.constant 0 : i32
        %dma_start3A_72 = arith.constant 0 : i32
        %dma_start3A_73 = tpu.memref_slice %arg10[%dma_start3A_71, %dma_start3A_72] : memref<10000x128xf32, #tpu.memory_space<vmem_shared>> -> memref<10000x128xf32, #tpu.memory_space<vmem_shared>>
        tpu.enqueue_indirect_dma source(%arg9 : memref<100x128xf32, #tpu.memory_space<vmem>>) target(%dma_start3A_73 : memref<10000x128xf32, #tpu.memory_space<vmem_shared>>) offsets(%dma_start3A_70 : memref<100xi32, #tpu.memory_space<vmem>>) semaphore(%run_scoped3A_67 : memref<!tpu.dma_semaphore, #tpu.memory_space<semaphore_mem>>) {add = true}
        %dma_wait3A_74 = arith.constant 0 : i32
        %dma_wait3A_75 = tpu.memref_slice %arg7[%add3A_66, %dma_wait3A_74] : memref<50x100xi32, #tpu.memory_space<vmem>> -> memref<1x100xi32, #tpu.memory_space<vmem>>
        %dma_wait3A_76 = tpu.memref_squeeze %dma_wait3A_75 : memref<1x100xi32, #tpu.memory_space<vmem>> -> memref<100xi32, #tpu.memory_space<vmem>>
        %dma_wait3A_77 = arith.constant 0 : i32
        %dma_wait3A_78 = arith.constant 0 : i32
        %dma_wait3A_79 = tpu.memref_slice %arg10[%dma_wait3A_77, %dma_wait3A_78] : memref<10000x128xf32, #tpu.memory_space<vmem_shared>> -> memref<10000x128xf32, #tpu.memory_space<vmem_shared>>
        tpu.wait_indirect_dma semaphore(%run_scoped3A_67 : memref<!tpu.dma_semaphore, #tpu.memory_space<semaphore_mem>>) src(%arg9 : memref<100x128xf32, #tpu.memory_space<vmem>>) dst(%dma_wait3A_79 : memref<10000x128xf32, #tpu.memory_space<vmem_shared>>)
        tpu.yield
      }) : () -> ()
    }
    %scan3A_20 = arith.constant 25 : i32
    %barrier3A_21 = arith.constant 0 : index
    tpu.barrier barrier_id(%barrier3A_21)
    %lt3A_22 = arith.constant 15 : i32
    %lt3A_23 = arith.cmpi slt, %arg1, %lt3A_22 : i32
    %convert_element_type3A_24 = arith.extui %lt3A_23 : i1 to i32
    %cond3A_25 = arith.constant 0 : i32
    %cond3A_26 = arith.cmpi ne, %convert_element_type3A_24, %cond3A_25 : i32
    scf.if %cond3A_26 {
      "tpu.region"() ({
        %run_scoped3A_32 = tpu.sem_alloc : memref<!tpu.dma_semaphore, #tpu.memory_space<semaphore_mem>>
        %dma_start3A = arith.constant 0 : i32
        %dma_start3A_33 = tpu.memref_slice %arg5[%arg0, %multiple_of3A, %dma_start3A] : memref<2x10000x128xf32, #tpu.memory_space<hbm>> -> memref<1x640x128xf32, #tpu.memory_space<hbm>>
        %dma_start3A_34 = tpu.memref_squeeze %dma_start3A_33 : memref<1x640x128xf32, #tpu.memory_space<hbm>> -> memref<640x128xf32, #tpu.memory_space<hbm>>
        %dma_start3A_35 = arith.constant 0 : i32
        %dma_start3A_36 = tpu.memref_slice %arg10[%multiple_of3A, %dma_start3A_35] : memref<10000x128xf32, #tpu.memory_space<vmem_shared>> -> memref<640x128xf32, #tpu.memory_space<vmem_shared>>
        tpu.enqueue_dma source(%dma_start3A_36 : memref<640x128xf32, #tpu.memory_space<vmem_shared>>) target(%dma_start3A_34 : memref<640x128xf32, #tpu.memory_space<hbm>>) target_semaphore(%run_scoped3A_32 : memref<!tpu.dma_semaphore, #tpu.memory_space<semaphore_mem>>)
        %dma_wait3A = arith.constant 0 : i32
        %dma_wait3A_37 = tpu.memref_slice %arg5[%arg0, %multiple_of3A, %dma_wait3A] : memref<2x10000x128xf32, #tpu.memory_space<hbm>> -> memref<1x640x128xf32, #tpu.memory_space<hbm>>
        %dma_wait3A_38 = tpu.memref_squeeze %dma_wait3A_37 : memref<1x640x128xf32, #tpu.memory_space<hbm>> -> memref<640x128xf32, #tpu.memory_space<hbm>>
        %dma_wait3A_39 = arith.constant 0 : i32
        %dma_wait3A_40 = tpu.memref_slice %arg10[%multiple_of3A, %dma_wait3A_39] : memref<10000x128xf32, #tpu.memory_space<vmem_shared>> -> memref<640x128xf32, #tpu.memory_space<vmem_shared>>
        tpu.wait_dma2 semaphore(%run_scoped3A_32 : memref<!tpu.dma_semaphore, #tpu.memory_space<semaphore_mem>>) src(%dma_wait3A_40 : memref<640x128xf32, #tpu.memory_space<vmem_shared>>) dst(%dma_wait3A_38 : memref<640x128xf32, #tpu.memory_space<hbm>>)
        tpu.yield
      }) : () -> ()
    } else {
    }
    %eq3A_27 = arith.constant 15 : i32
    %eq3A_28 = arith.cmpi eq, %arg1, %eq3A_27 : i32
    %convert_element_type3A_29 = arith.extui %eq3A_28 : i1 to i32
    %cond3A_30 = arith.constant 0 : i32
    %cond3A_31 = arith.cmpi ne, %convert_element_type3A_29, %cond3A_30 : i32
    scf.if %cond3A_31 {
      "tpu.region"() ({
        %run_scoped3A_32 = tpu.sem_alloc : memref<!tpu.dma_semaphore, #tpu.memory_space<semaphore_mem>>
        %dma_start3A = arith.constant 9600 : i32
        %dma_start3A_33 = arith.constant 0 : i32
        %dma_start3A_34 = tpu.memref_slice %arg5[%arg0, %dma_start3A, %dma_start3A_33] : memref<2x10000x128xf32, #tpu.memory_space<hbm>> -> memref<1x400x128xf32, #tpu.memory_space<hbm>>
        %dma_start3A_35 = tpu.memref_squeeze %dma_start3A_34 : memref<1x400x128xf32, #tpu.memory_space<hbm>> -> memref<400x128xf32, #tpu.memory_space<hbm>>
        %dma_start3A_36 = arith.constant 9600 : i32
        %dma_start3A_37 = arith.constant 0 : i32
        %dma_start3A_38 = tpu.memref_slice %arg10[%dma_start3A_36, %dma_start3A_37] : memref<10000x128xf32, #tpu.memory_space<vmem_shared>> -> memref<400x128xf32, #tpu.memory_space<vmem_shared>>
        tpu.enqueue_dma source(%dma_start3A_38 : memref<400x128xf32, #tpu.memory_space<vmem_shared>>) target(%dma_start3A_35 : memref<400x128xf32, #tpu.memory_space<hbm>>) target_semaphore(%run_scoped3A_32 : memref<!tpu.dma_semaphore, #tpu.memory_space<semaphore_mem>>)
        %dma_wait3A = arith.constant 9600 : i32
        %dma_wait3A_39 = arith.constant 0 : i32
        %dma_wait3A_40 = tpu.memref_slice %arg5[%arg0, %dma_wait3A, %dma_wait3A_39] : memref<2x10000x128xf32, #tpu.memory_space<hbm>> -> memref<1x400x128xf32, #tpu.memory_space<hbm>>
        %dma_wait3A_41 = tpu.memref_squeeze %dma_wait3A_40 : memref<1x400x128xf32, #tpu.memory_space<hbm>> -> memref<400x128xf32, #tpu.memory_space<hbm>>
        %dma_wait3A_42 = arith.constant 9600 : i32
        %dma_wait3A_43 = arith.constant 0 : i32
        %dma_wait3A_44 = tpu.memref_slice %arg10[%dma_wait3A_42, %dma_wait3A_43] : memref<10000x128xf32, #tpu.memory_space<vmem_shared>> -> memref<400x128xf32, #tpu.memory_space<vmem_shared>>
        tpu.wait_dma2 semaphore(%run_scoped3A_32 : memref<!tpu.dma_semaphore, #tpu.memory_space<semaphore_mem>>) src(%dma_wait3A_44 : memref<400x128xf32, #tpu.memory_space<vmem_shared>>) dst(%dma_wait3A_41 : memref<400x128xf32, #tpu.memory_space<hbm>>)
        tpu.yield
      }) : () -> ()
    } else {
    }
    return
  }
}

#map = affine_map<(d0, d1) -> (0, 0)>
#map1 = affine_map<(d0, d1) -> (0, 0, 0, 0)>
#map2 = affine_map<(d0, d1) -> (0, 0, 0)>
module attributes {stable_mosaic.version = 14 : i64} {
  func.func @sck(%arg0: i32, %arg1: i32, %arg2: memref<10000x128xf32, #tpu.memory_space<hbm>>, %arg3: memref<32x2x50x100xi32, #tpu.memory_space<hbm>>, %arg4: memref<32x2x50x100xi32, #tpu.memory_space<hbm>>, %arg5: memref<2x10000x128xf32, #tpu.memory_space<hbm>>, %arg6: memref<50x100xi32, #tpu.memory_space<vmem>>, %arg7: memref<50x100xi32, #tpu.memory_space<vmem>>, %arg8: memref<100x128xf32, #tpu.memory_space<vmem>>, %arg9: memref<100x128xf32, #tpu.memory_space<vmem>>, %arg10: memref<10000x128xf32, #tpu.memory_space<vmem_shared>>, %arg11: memref<!tpu.dma_semaphore, #tpu.memory_space<semaphore_mem>>, %arg12: memref<!tpu.dma_semaphore, #tpu.memory_space<semaphore_mem>>) attributes {dimension_semantics = [#tpu.dimension_semantics<core_parallel>, #tpu.dimension_semantics<subcore_parallel>], iteration_bounds = array<i64: 2, 16>, scalar_prefetch = 0 : i64, scratch_operands = 7 : i64, tpu.core_type = #tpu.core_type<sc_vector_subcore>, window_params = [{transform_indices = #map}, {transform_indices = #map1}, {transform_indices = #map1}, {transform_indices = #map2}]} {
    %mul3A = arith.constant 2 : i32
    %mul3A_0 = arith.muli %arg1, %mul3A : i32
    %add3A = arith.addi %mul3A_0, %arg0 : i32
    %mul3A_1 = arith.constant 640 : i32
    %mul3A_2 = arith.muli %arg1, %mul3A_1 : i32
    %multiple_of3A = tpu.assume_multiple %mul3A_2, 8 : i32
    %lt3A = arith.constant 15 : i32
    %lt3A_3 = arith.cmpi slt, %arg1, %lt3A : i32
    %convert_element_type3A = arith.extui %lt3A_3 : i1 to i32
    %cond3A = arith.constant 0 : i32
    %cond3A_4 = arith.cmpi ne, %convert_element_type3A, %cond3A : i32
    scf.if %cond3A_4 {
      "tpu.region"() ({
        %run_scoped3A_32 = tpu.sem_alloc : memref<!tpu.dma_semaphore, #tpu.memory_space<semaphore_mem>>
        %dma_start3A = arith.constant 0 : i32
        %dma_start3A_33 = tpu.memref_slice %arg10[%multiple_of3A, %dma_start3A] : memref<10000x128xf32, #tpu.memory_space<vmem_shared>> -> memref<640x128xf32, #tpu.memory_space<vmem_shared>>
        %dma_start3A_34 = arith.constant 0 : i32
        %dma_start3A_35 = tpu.memref_slice %arg2[%multiple_of3A, %dma_start3A_34] : memref<10000x128xf32, #tpu.memory_space<hbm>> -> memref<640x128xf32, #tpu.memory_space<hbm>>
        tpu.enqueue_dma source(%dma_start3A_35 : memref<640x128xf32, #tpu.memory_space<hbm>>) target(%dma_start3A_33 : memref<640x128xf32, #tpu.memory_space<vmem_shared>>) target_semaphore(%run_scoped3A_32 : memref<!tpu.dma_semaphore, #tpu.memory_space<semaphore_mem>>)
        %dma_wait3A = arith.constant 0 : i32
        %dma_wait3A_36 = tpu.memref_slice %arg10[%multiple_of3A, %dma_wait3A] : memref<10000x128xf32, #tpu.memory_space<vmem_shared>> -> memref<640x128xf32, #tpu.memory_space<vmem_shared>>
        %dma_wait3A_37 = arith.constant 0 : i32
        %dma_wait3A_38 = tpu.memref_slice %arg2[%multiple_of3A, %dma_wait3A_37] : memref<10000x128xf32, #tpu.memory_space<hbm>> -> memref<640x128xf32, #tpu.memory_space<hbm>>
        tpu.wait_dma2 semaphore(%run_scoped3A_32 : memref<!tpu.dma_semaphore, #tpu.memory_space<semaphore_mem>>) src(%dma_wait3A_38 : memref<640x128xf32, #tpu.memory_space<hbm>>) dst(%dma_wait3A_36 : memref<640x128xf32, #tpu.memory_space<vmem_shared>>)
        tpu.yield
      }) : () -> ()
    } else {
    }
    %eq3A = arith.constant 15 : i32
    %eq3A_5 = arith.cmpi eq, %arg1, %eq3A : i32
    %convert_element_type3A_6 = arith.extui %eq3A_5 : i1 to i32
    %cond3A_7 = arith.constant 0 : i32
    %cond3A_8 = arith.cmpi ne, %convert_element_type3A_6, %cond3A_7 : i32
    scf.if %cond3A_8 {
      "tpu.region"() ({
        %run_scoped3A_32 = tpu.sem_alloc : memref<!tpu.dma_semaphore, #tpu.memory_space<semaphore_mem>>
        %dma_start3A = arith.constant 9600 : i32
        %dma_start3A_33 = arith.constant 0 : i32
        %dma_start3A_34 = tpu.memref_slice %arg10[%dma_start3A, %dma_start3A_33] : memref<10000x128xf32, #tpu.memory_space<vmem_shared>> -> memref<400x128xf32, #tpu.memory_space<vmem_shared>>
        %dma_start3A_35 = arith.constant 9600 : i32
        %dma_start3A_36 = arith.constant 0 : i32
        %dma_start3A_37 = tpu.memref_slice %arg2[%dma_start3A_35, %dma_start3A_36] : memref<10000x128xf32, #tpu.memory_space<hbm>> -> memref<400x128xf32, #tpu.memory_space<hbm>>
        tpu.enqueue_dma source(%dma_start3A_37 : memref<400x128xf32, #tpu.memory_space<hbm>>) target(%dma_start3A_34 : memref<400x128xf32, #tpu.memory_space<vmem_shared>>) target_semaphore(%run_scoped3A_32 : memref<!tpu.dma_semaphore, #tpu.memory_space<semaphore_mem>>)
        %dma_wait3A = arith.constant 9600 : i32
        %dma_wait3A_38 = arith.constant 0 : i32
        %dma_wait3A_39 = tpu.memref_slice %arg10[%dma_wait3A, %dma_wait3A_38] : memref<10000x128xf32, #tpu.memory_space<vmem_shared>> -> memref<400x128xf32, #tpu.memory_space<vmem_shared>>
        %dma_wait3A_40 = arith.constant 9600 : i32
        %dma_wait3A_41 = arith.constant 0 : i32
        %dma_wait3A_42 = tpu.memref_slice %arg2[%dma_wait3A_40, %dma_wait3A_41] : memref<10000x128xf32, #tpu.memory_space<hbm>> -> memref<400x128xf32, #tpu.memory_space<hbm>>
        tpu.wait_dma2 semaphore(%run_scoped3A_32 : memref<!tpu.dma_semaphore, #tpu.memory_space<semaphore_mem>>) src(%dma_wait3A_42 : memref<400x128xf32, #tpu.memory_space<hbm>>) dst(%dma_wait3A_39 : memref<400x128xf32, #tpu.memory_space<vmem_shared>>)
        tpu.yield
      }) : () -> ()
    } else {
    }
    %barrier3A = arith.constant 0 : index
    tpu.barrier barrier_id(%barrier3A)
    %run_scoped3A = arith.constant 0 : i32
    "tpu.region"() ({
      %run_scoped3A_32 = tpu.sem_alloc : memref<!tpu.dma_semaphore, #tpu.memory_space<semaphore_mem>>
      %dma_start3A = arith.constant 0 : i32
      %dma_start3A_33 = arith.constant 0 : i32
      %dma_start3A_34 = tpu.memref_slice %arg3[%add3A, %run_scoped3A, %dma_start3A, %dma_start3A_33] : memref<32x2x50x100xi32, #tpu.memory_space<hbm>> -> memref<1x1x50x100xi32, #tpu.memory_space<hbm>>
      %dma_start3A_35 = tpu.memref_squeeze %dma_start3A_34 : memref<1x1x50x100xi32, #tpu.memory_space<hbm>> -> memref<50x100xi32, #tpu.memory_space<hbm>>
      %dma_start3A_36 = arith.constant 0 : i32
      %dma_start3A_37 = arith.constant 0 : i32
      %dma_start3A_38 = tpu.memref_slice %arg3[%add3A, %run_scoped3A, %dma_start3A_36, %dma_start3A_37] : memref<32x2x50x100xi32, #tpu.memory_space<hbm>> -> memref<1x1x50x100xi32, #tpu.memory_space<hbm>>
      %dma_start3A_39 = tpu.memref_squeeze %dma_start3A_38 : memref<1x1x50x100xi32, #tpu.memory_space<hbm>> -> memref<50x100xi32, #tpu.memory_space<hbm>>
      tpu.enqueue_dma source(%dma_start3A_39 : memref<50x100xi32, #tpu.memory_space<hbm>>) target(%arg6 : memref<50x100xi32, #tpu.memory_space<vmem>>) target_semaphore(%run_scoped3A_32 : memref<!tpu.dma_semaphore, #tpu.memory_space<semaphore_mem>>)
      %dma_wait3A = arith.constant 0 : i32
      %dma_wait3A_40 = arith.constant 0 : i32
      %dma_wait3A_41 = tpu.memref_slice %arg3[%add3A, %run_scoped3A, %dma_wait3A, %dma_wait3A_40] : memref<32x2x50x100xi32, #tpu.memory_space<hbm>> -> memref<1x1x50x100xi32, #tpu.memory_space<hbm>>
      %dma_wait3A_42 = tpu.memref_squeeze %dma_wait3A_41 : memref<1x1x50x100xi32, #tpu.memory_space<hbm>> -> memref<50x100xi32, #tpu.memory_space<hbm>>
      %dma_wait3A_43 = arith.constant 0 : i32
      %dma_wait3A_44 = arith.constant 0 : i32
      %dma_wait3A_45 = tpu.memref_slice %arg3[%add3A, %run_scoped3A, %dma_wait3A_43, %dma_wait3A_44] : memref<32x2x50x100xi32, #tpu.memory_space<hbm>> -> memref<1x1x50x100xi32, #tpu.memory_space<hbm>>
      %dma_wait3A_46 = tpu.memref_squeeze %dma_wait3A_45 : memref<1x1x50x100xi32, #tpu.memory_space<hbm>> -> memref<50x100xi32, #tpu.memory_space<hbm>>
      tpu.wait_dma2 semaphore(%run_scoped3A_32 : memref<!tpu.dma_semaphore, #tpu.memory_space<semaphore_mem>>) src(%dma_wait3A_46 : memref<50x100xi32, #tpu.memory_space<hbm>>) dst(%arg6 : memref<50x100xi32, #tpu.memory_space<vmem>>)
      tpu.yield
    }) : () -> ()
    %run_scoped3A_9 = arith.constant 0 : i32
    "tpu.region"() ({
      %run_scoped3A_32 = tpu.sem_alloc : memref<!tpu.dma_semaphore, #tpu.memory_space<semaphore_mem>>
      %dma_start3A = arith.constant 0 : i32
      %dma_start3A_33 = arith.constant 0 : i32
      %dma_start3A_34 = tpu.memref_slice %arg4[%add3A, %run_scoped3A_9, %dma_start3A, %dma_start3A_33] : memref<32x2x50x100xi32, #tpu.memory_space<hbm>> -> memref<1x1x50x100xi32, #tpu.memory_space<hbm>>
      %dma_start3A_35 = tpu.memref_squeeze %dma_start3A_34 : memref<1x1x50x100xi32, #tpu.memory_space<hbm>> -> memref<50x100xi32, #tpu.memory_space<hbm>>
      %dma_start3A_36 = arith.constant 0 : i32
      %dma_start3A_37 = arith.constant 0 : i32
      %dma_start3A_38 = tpu.memref_slice %arg4[%add3A, %run_scoped3A_9, %dma_start3A_36, %dma_start3A_37] : memref<32x2x50x100xi32, #tpu.memory_space<hbm>> -> memref<1x1x50x100xi32, #tpu.memory_space<hbm>>
      %dma_start3A_39 = tpu.memref_squeeze %dma_start3A_38 : memref<1x1x50x100xi32, #tpu.memory_space<hbm>> -> memref<50x100xi32, #tpu.memory_space<hbm>>
      tpu.enqueue_dma source(%dma_start3A_39 : memref<50x100xi32, #tpu.memory_space<hbm>>) target(%arg7 : memref<50x100xi32, #tpu.memory_space<vmem>>) target_semaphore(%run_scoped3A_32 : memref<!tpu.dma_semaphore, #tpu.memory_space<semaphore_mem>>)
      %dma_wait3A = arith.constant 0 : i32
      %dma_wait3A_40 = arith.constant 0 : i32
      %dma_wait3A_41 = tpu.memref_slice %arg4[%add3A, %run_scoped3A_9, %dma_wait3A, %dma_wait3A_40] : memref<32x2x50x100xi32, #tpu.memory_space<hbm>> -> memref<1x1x50x100xi32, #tpu.memory_space<hbm>>
      %dma_wait3A_42 = tpu.memref_squeeze %dma_wait3A_41 : memref<1x1x50x100xi32, #tpu.memory_space<hbm>> -> memref<50x100xi32, #tpu.memory_space<hbm>>
      %dma_wait3A_43 = arith.constant 0 : i32
      %dma_wait3A_44 = arith.constant 0 : i32
      %dma_wait3A_45 = tpu.memref_slice %arg4[%add3A, %run_scoped3A_9, %dma_wait3A_43, %dma_wait3A_44] : memref<32x2x50x100xi32, #tpu.memory_space<hbm>> -> memref<1x1x50x100xi32, #tpu.memory_space<hbm>>
      %dma_wait3A_46 = tpu.memref_squeeze %dma_wait3A_45 : memref<1x1x50x100xi32, #tpu.memory_space<hbm>> -> memref<50x100xi32, #tpu.memory_space<hbm>>
      tpu.wait_dma2 semaphore(%run_scoped3A_32 : memref<!tpu.dma_semaphore, #tpu.memory_space<semaphore_mem>>) src(%dma_wait3A_46 : memref<50x100xi32, #tpu.memory_space<hbm>>) dst(%arg7 : memref<50x100xi32, #tpu.memory_space<vmem>>)
      tpu.yield
    }) : () -> ()
    %scan3A = arith.constant 0 : i32
    %scan3A_10 = arith.constant 25 : i32
    %scan3A_11 = arith.addi %scan3A, %scan3A_10 : i32
    %scan3A_12 = arith.constant 1 : i32
    scf.for %scan3A_32 = %scan3A to %scan3A_11 step %scan3A_12  : i32 {
      %mul3A_33 = arith.constant 2 : i32
      %mul3A_34 = arith.muli %scan3A_32, %mul3A_33 : i32
      %add3A_35 = arith.constant 0 : i32
      %add3A_36 = arith.addi %add3A_35, %mul3A_34 : i32
      %add3A_37 = arith.constant 0 : i32
      %add3A_38 = arith.addi %add3A_36, %add3A_37 : i32
      %dma_start3A = arith.constant 0 : i32
      %dma_start3A_39 = tpu.memref_slice %arg6[%add3A_38, %dma_start3A] : memref<50x100xi32, #tpu.memory_space<vmem>> -> memref<1x100xi32, #tpu.memory_space<vmem>>
      %dma_start3A_40 = tpu.memref_squeeze %dma_start3A_39 : memref<1x100xi32, #tpu.memory_space<vmem>> -> memref<100xi32, #tpu.memory_space<vmem>>
      %dma_start3A_41 = arith.constant 0 : i32
      %dma_start3A_42 = arith.constant 0 : i32
      %dma_start3A_43 = tpu.memref_slice %arg2[%dma_start3A_41, %dma_start3A_42] : memref<10000x128xf32, #tpu.memory_space<hbm>> -> memref<10000x128xf32, #tpu.memory_space<hbm>>
      tpu.enqueue_indirect_dma source(%dma_start3A_43 : memref<10000x128xf32, #tpu.memory_space<hbm>>) target(%arg8 : memref<100x128xf32, #tpu.memory_space<vmem>>) offsets(%dma_start3A_40 : memref<100xi32, #tpu.memory_space<vmem>>) semaphore(%arg11 : memref<!tpu.dma_semaphore, #tpu.memory_space<semaphore_mem>>)
      %add3A_44 = arith.constant 1 : i32
      %add3A_45 = arith.addi %add3A_36, %add3A_44 : i32
      %dma_start3A_46 = arith.constant 0 : i32
      %dma_start3A_47 = tpu.memref_slice %arg6[%add3A_45, %dma_start3A_46] : memref<50x100xi32, #tpu.memory_space<vmem>> -> memref<1x100xi32, #tpu.memory_space<vmem>>
      %dma_start3A_48 = tpu.memref_squeeze %dma_start3A_47 : memref<1x100xi32, #tpu.memory_space<vmem>> -> memref<100xi32, #tpu.memory_space<vmem>>
      %dma_start3A_49 = arith.constant 0 : i32
      %dma_start3A_50 = arith.constant 0 : i32
      %dma_start3A_51 = tpu.memref_slice %arg2[%dma_start3A_49, %dma_start3A_50] : memref<10000x128xf32, #tpu.memory_space<hbm>> -> memref<10000x128xf32, #tpu.memory_space<hbm>>
      tpu.enqueue_indirect_dma source(%dma_start3A_51 : memref<10000x128xf32, #tpu.memory_space<hbm>>) target(%arg9 : memref<100x128xf32, #tpu.memory_space<vmem>>) offsets(%dma_start3A_48 : memref<100xi32, #tpu.memory_space<vmem>>) semaphore(%arg12 : memref<!tpu.dma_semaphore, #tpu.memory_space<semaphore_mem>>)
      %dma_wait3A = arith.constant 0 : i32
      %dma_wait3A_52 = tpu.memref_slice %arg6[%add3A_38, %dma_wait3A] : memref<50x100xi32, #tpu.memory_space<vmem>> -> memref<1x100xi32, #tpu.memory_space<vmem>>
      %dma_wait3A_53 = tpu.memref_squeeze %dma_wait3A_52 : memref<1x100xi32, #tpu.memory_space<vmem>> -> memref<100xi32, #tpu.memory_space<vmem>>
      %dma_wait3A_54 = arith.constant 0 : i32
      %dma_wait3A_55 = arith.constant 0 : i32
      %dma_wait3A_56 = tpu.memref_slice %arg2[%dma_wait3A_54, %dma_wait3A_55] : memref<10000x128xf32, #tpu.memory_space<hbm>> -> memref<10000x128xf32, #tpu.memory_space<hbm>>
      tpu.wait_indirect_dma semaphore(%arg11 : memref<!tpu.dma_semaphore, #tpu.memory_space<semaphore_mem>>) src(%dma_wait3A_56 : memref<10000x128xf32, #tpu.memory_space<hbm>>) dst(%arg8 : memref<100x128xf32, #tpu.memory_space<vmem>>)
      %add3A_57 = arith.constant 0 : i32
      %add3A_58 = arith.addi %add3A_36, %add3A_57 : i32
      "tpu.region"() ({
        %run_scoped3A_67 = tpu.sem_alloc : memref<!tpu.dma_semaphore, #tpu.memory_space<semaphore_mem>>
        %dma_start3A_68 = arith.constant 0 : i32
        %dma_start3A_69 = tpu.memref_slice %arg7[%add3A_58, %dma_start3A_68] : memref<50x100xi32, #tpu.memory_space<vmem>> -> memref<1x100xi32, #tpu.memory_space<vmem>>
        %dma_start3A_70 = tpu.memref_squeeze %dma_start3A_69 : memref<1x100xi32, #tpu.memory_space<vmem>> -> memref<100xi32, #tpu.memory_space<vmem>>
        %dma_start3A_71 = arith.constant 0 : i32
        %dma_start3A_72 = arith.constant 0 : i32
        %dma_start3A_73 = tpu.memref_slice %arg10[%dma_start3A_71, %dma_start3A_72] : memref<10000x128xf32, #tpu.memory_space<vmem_shared>> -> memref<10000x128xf32, #tpu.memory_space<vmem_shared>>
        tpu.enqueue_indirect_dma source(%arg8 : memref<100x128xf32, #tpu.memory_space<vmem>>) target(%dma_start3A_73 : memref<10000x128xf32, #tpu.memory_space<vmem_shared>>) offsets(%dma_start3A_70 : memref<100xi32, #tpu.memory_space<vmem>>) semaphore(%run_scoped3A_67 : memref<!tpu.dma_semaphore, #tpu.memory_space<semaphore_mem>>) {add = true}
        %dma_wait3A_74 = arith.constant 0 : i32
        %dma_wait3A_75 = tpu.memref_slice %arg7[%add3A_58, %dma_wait3A_74] : memref<50x100xi32, #tpu.memory_space<vmem>> -> memref<1x100xi32, #tpu.memory_space<vmem>>
        %dma_wait3A_76 = tpu.memref_squeeze %dma_wait3A_75 : memref<1x100xi32, #tpu.memory_space<vmem>> -> memref<100xi32, #tpu.memory_space<vmem>>
        %dma_wait3A_77 = arith.constant 0 : i32
        %dma_wait3A_78 = arith.constant 0 : i32
        %dma_wait3A_79 = tpu.memref_slice %arg10[%dma_wait3A_77, %dma_wait3A_78] : memref<10000x128xf32, #tpu.memory_space<vmem_shared>> -> memref<10000x128xf32, #tpu.memory_space<vmem_shared>>
        tpu.wait_indirect_dma semaphore(%run_scoped3A_67 : memref<!tpu.dma_semaphore, #tpu.memory_space<semaphore_mem>>) src(%arg8 : memref<100x128xf32, #tpu.memory_space<vmem>>) dst(%dma_wait3A_79 : memref<10000x128xf32, #tpu.memory_space<vmem_shared>>)
        tpu.yield
      }) : () -> ()
      %dma_wait3A_59 = arith.constant 0 : i32
      %dma_wait3A_60 = tpu.memref_slice %arg6[%add3A_45, %dma_wait3A_59] : memref<50x100xi32, #tpu.memory_space<vmem>> -> memref<1x100xi32, #tpu.memory_space<vmem>>
      %dma_wait3A_61 = tpu.memref_squeeze %dma_wait3A_60 : memref<1x100xi32, #tpu.memory_space<vmem>> -> memref<100xi32, #tpu.memory_space<vmem>>
      %dma_wait3A_62 = arith.constant 0 : i32
      %dma_wait3A_63 = arith.constant 0 : i32
      %dma_wait3A_64 = tpu.memref_slice %arg2[%dma_wait3A_62, %dma_wait3A_63] : memref<10000x128xf32, #tpu.memory_space<hbm>> -> memref<10000x128xf32, #tpu.memory_space<hbm>>
      tpu.wait_indirect_dma semaphore(%arg12 : memref<!tpu.dma_semaphore, #tpu.memory_space<semaphore_mem>>) src(%dma_wait3A_64 : memref<10000x128xf32, #tpu.memory_space<hbm>>) dst(%arg9 : memref<100x128xf32, #tpu.memory_space<vmem>>)
      %add3A_65 = arith.constant 1 : i32
      %add3A_66 = arith.addi %add3A_36, %add3A_65 : i32
      "tpu.region"() ({
        %run_scoped3A_67 = tpu.sem_alloc : memref<!tpu.dma_semaphore, #tpu.memory_space<semaphore_mem>>
        %dma_start3A_68 = arith.constant 0 : i32
        %dma_start3A_69 = tpu.memref_slice %arg7[%add3A_66, %dma_start3A_68] : memref<50x100xi32, #tpu.memory_space<vmem>> -> memref<1x100xi32, #tpu.memory_space<vmem>>
        %dma_start3A_70 = tpu.memref_squeeze %dma_start3A_69 : memref<1x100xi32, #tpu.memory_space<vmem>> -> memref<100xi32, #tpu.memory_space<vmem>>
        %dma_start3A_71 = arith.constant 0 : i32
        %dma_start3A_72 = arith.constant 0 : i32
        %dma_start3A_73 = tpu.memref_slice %arg10[%dma_start3A_71, %dma_start3A_72] : memref<10000x128xf32, #tpu.memory_space<vmem_shared>> -> memref<10000x128xf32, #tpu.memory_space<vmem_shared>>
        tpu.enqueue_indirect_dma source(%arg9 : memref<100x128xf32, #tpu.memory_space<vmem>>) target(%dma_start3A_73 : memref<10000x128xf32, #tpu.memory_space<vmem_shared>>) offsets(%dma_start3A_70 : memref<100xi32, #tpu.memory_space<vmem>>) semaphore(%run_scoped3A_67 : memref<!tpu.dma_semaphore, #tpu.memory_space<semaphore_mem>>) {add = true}
        %dma_wait3A_74 = arith.constant 0 : i32
        %dma_wait3A_75 = tpu.memref_slice %arg7[%add3A_66, %dma_wait3A_74] : memref<50x100xi32, #tpu.memory_space<vmem>> -> memref<1x100xi32, #tpu.memory_space<vmem>>
        %dma_wait3A_76 = tpu.memref_squeeze %dma_wait3A_75 : memref<1x100xi32, #tpu.memory_space<vmem>> -> memref<100xi32, #tpu.memory_space<vmem>>
        %dma_wait3A_77 = arith.constant 0 : i32
        %dma_wait3A_78 = arith.constant 0 : i32
        %dma_wait3A_79 = tpu.memref_slice %arg10[%dma_wait3A_77, %dma_wait3A_78] : memref<10000x128xf32, #tpu.memory_space<vmem_shared>> -> memref<10000x128xf32, #tpu.memory_space<vmem_shared>>
        tpu.wait_indirect_dma semaphore(%run_scoped3A_67 : memref<!tpu.dma_semaphore, #tpu.memory_space<semaphore_mem>>) src(%arg9 : memref<100x128xf32, #tpu.memory_space<vmem>>) dst(%dma_wait3A_79 : memref<10000x128xf32, #tpu.memory_space<vmem_shared>>)
        tpu.yield
      }) : () -> ()
    }
    %scan3A_13 = arith.constant 25 : i32
    %run_scoped3A_14 = arith.constant 1 : i32
    "tpu.region"() ({
      %run_scoped3A_32 = tpu.sem_alloc : memref<!tpu.dma_semaphore, #tpu.memory_space<semaphore_mem>>
      %dma_start3A = arith.constant 0 : i32
      %dma_start3A_33 = arith.constant 0 : i32
      %dma_start3A_34 = tpu.memref_slice %arg3[%add3A, %run_scoped3A_14, %dma_start3A, %dma_start3A_33] : memref<32x2x50x100xi32, #tpu.memory_space<hbm>> -> memref<1x1x50x100xi32, #tpu.memory_space<hbm>>
      %dma_start3A_35 = tpu.memref_squeeze %dma_start3A_34 : memref<1x1x50x100xi32, #tpu.memory_space<hbm>> -> memref<50x100xi32, #tpu.memory_space<hbm>>
      %dma_start3A_36 = arith.constant 0 : i32
      %dma_start3A_37 = arith.constant 0 : i32
      %dma_start3A_38 = tpu.memref_slice %arg3[%add3A, %run_scoped3A_14, %dma_start3A_36, %dma_start3A_37] : memref<32x2x50x100xi32, #tpu.memory_space<hbm>> -> memref<1x1x50x100xi32, #tpu.memory_space<hbm>>
      %dma_start3A_39 = tpu.memref_squeeze %dma_start3A_38 : memref<1x1x50x100xi32, #tpu.memory_space<hbm>> -> memref<50x100xi32, #tpu.memory_space<hbm>>
      tpu.enqueue_dma source(%dma_start3A_39 : memref<50x100xi32, #tpu.memory_space<hbm>>) target(%arg6 : memref<50x100xi32, #tpu.memory_space<vmem>>) target_semaphore(%run_scoped3A_32 : memref<!tpu.dma_semaphore, #tpu.memory_space<semaphore_mem>>)
      %dma_wait3A = arith.constant 0 : i32
      %dma_wait3A_40 = arith.constant 0 : i32
      %dma_wait3A_41 = tpu.memref_slice %arg3[%add3A, %run_scoped3A_14, %dma_wait3A, %dma_wait3A_40] : memref<32x2x50x100xi32, #tpu.memory_space<hbm>> -> memref<1x1x50x100xi32, #tpu.memory_space<hbm>>
      %dma_wait3A_42 = tpu.memref_squeeze %dma_wait3A_41 : memref<1x1x50x100xi32, #tpu.memory_space<hbm>> -> memref<50x100xi32, #tpu.memory_space<hbm>>
      %dma_wait3A_43 = arith.constant 0 : i32
      %dma_wait3A_44 = arith.constant 0 : i32
      %dma_wait3A_45 = tpu.memref_slice %arg3[%add3A, %run_scoped3A_14, %dma_wait3A_43, %dma_wait3A_44] : memref<32x2x50x100xi32, #tpu.memory_space<hbm>> -> memref<1x1x50x100xi32, #tpu.memory_space<hbm>>
      %dma_wait3A_46 = tpu.memref_squeeze %dma_wait3A_45 : memref<1x1x50x100xi32, #tpu.memory_space<hbm>> -> memref<50x100xi32, #tpu.memory_space<hbm>>
      tpu.wait_dma2 semaphore(%run_scoped3A_32 : memref<!tpu.dma_semaphore, #tpu.memory_space<semaphore_mem>>) src(%dma_wait3A_46 : memref<50x100xi32, #tpu.memory_space<hbm>>) dst(%arg6 : memref<50x100xi32, #tpu.memory_space<vmem>>)
      tpu.yield
    }) : () -> ()
    %run_scoped3A_15 = arith.constant 1 : i32
    "tpu.region"() ({
      %run_scoped3A_32 = tpu.sem_alloc : memref<!tpu.dma_semaphore, #tpu.memory_space<semaphore_mem>>
      %dma_start3A = arith.constant 0 : i32
      %dma_start3A_33 = arith.constant 0 : i32
      %dma_start3A_34 = tpu.memref_slice %arg4[%add3A, %run_scoped3A_15, %dma_start3A, %dma_start3A_33] : memref<32x2x50x100xi32, #tpu.memory_space<hbm>> -> memref<1x1x50x100xi32, #tpu.memory_space<hbm>>
      %dma_start3A_35 = tpu.memref_squeeze %dma_start3A_34 : memref<1x1x50x100xi32, #tpu.memory_space<hbm>> -> memref<50x100xi32, #tpu.memory_space<hbm>>
      %dma_start3A_36 = arith.constant 0 : i32
      %dma_start3A_37 = arith.constant 0 : i32
      %dma_start3A_38 = tpu.memref_slice %arg4[%add3A, %run_scoped3A_15, %dma_start3A_36, %dma_start3A_37] : memref<32x2x50x100xi32, #tpu.memory_space<hbm>> -> memref<1x1x50x100xi32, #tpu.memory_space<hbm>>
      %dma_start3A_39 = tpu.memref_squeeze %dma_start3A_38 : memref<1x1x50x100xi32, #tpu.memory_space<hbm>> -> memref<50x100xi32, #tpu.memory_space<hbm>>
      tpu.enqueue_dma source(%dma_start3A_39 : memref<50x100xi32, #tpu.memory_space<hbm>>) target(%arg7 : memref<50x100xi32, #tpu.memory_space<vmem>>) target_semaphore(%run_scoped3A_32 : memref<!tpu.dma_semaphore, #tpu.memory_space<semaphore_mem>>)
      %dma_wait3A = arith.constant 0 : i32
      %dma_wait3A_40 = arith.constant 0 : i32
      %dma_wait3A_41 = tpu.memref_slice %arg4[%add3A, %run_scoped3A_15, %dma_wait3A, %dma_wait3A_40] : memref<32x2x50x100xi32, #tpu.memory_space<hbm>> -> memref<1x1x50x100xi32, #tpu.memory_space<hbm>>
      %dma_wait3A_42 = tpu.memref_squeeze %dma_wait3A_41 : memref<1x1x50x100xi32, #tpu.memory_space<hbm>> -> memref<50x100xi32, #tpu.memory_space<hbm>>
      %dma_wait3A_43 = arith.constant 0 : i32
      %dma_wait3A_44 = arith.constant 0 : i32
      %dma_wait3A_45 = tpu.memref_slice %arg4[%add3A, %run_scoped3A_15, %dma_wait3A_43, %dma_wait3A_44] : memref<32x2x50x100xi32, #tpu.memory_space<hbm>> -> memref<1x1x50x100xi32, #tpu.memory_space<hbm>>
      %dma_wait3A_46 = tpu.memref_squeeze %dma_wait3A_45 : memref<1x1x50x100xi32, #tpu.memory_space<hbm>> -> memref<50x100xi32, #tpu.memory_space<hbm>>
      tpu.wait_dma2 semaphore(%run_scoped3A_32 : memref<!tpu.dma_semaphore, #tpu.memory_space<semaphore_mem>>) src(%dma_wait3A_46 : memref<50x100xi32, #tpu.memory_space<hbm>>) dst(%arg7 : memref<50x100xi32, #tpu.memory_space<vmem>>)
      tpu.yield
    }) : () -> ()
    %scan3A_16 = arith.constant 0 : i32
    %scan3A_17 = arith.constant 25 : i32
    %scan3A_18 = arith.addi %scan3A_16, %scan3A_17 : i32
    %scan3A_19 = arith.constant 1 : i32
    scf.for %scan3A_32 = %scan3A_16 to %scan3A_18 step %scan3A_19  : i32 {
      %mul3A_33 = arith.constant 2 : i32
      %mul3A_34 = arith.muli %scan3A_32, %mul3A_33 : i32
      %add3A_35 = arith.constant 0 : i32
      %add3A_36 = arith.addi %add3A_35, %mul3A_34 : i32
      %add3A_37 = arith.constant 0 : i32
      %add3A_38 = arith.addi %add3A_36, %add3A_37 : i32
      %dma_start3A = arith.constant 0 : i32
      %dma_start3A_39 = tpu.memref_slice %arg6[%add3A_38, %dma_start3A] : memref<50x100xi32, #tpu.memory_space<vmem>> -> memref<1x100xi32, #tpu.memory_space<vmem>>
      %dma_start3A_40 = tpu.memref_squeeze %dma_start3A_39 : memref<1x100xi32, #tpu.memory_space<vmem>> -> memref<100xi32, #tpu.memory_space<vmem>>
      %dma_start3A_41 = arith.constant 0 : i32
      %dma_start3A_42 = arith.constant 0 : i32
      %dma_start3A_43 = tpu.memref_slice %arg2[%dma_start3A_41, %dma_start3A_42] : memref<10000x128xf32, #tpu.memory_space<hbm>> -> memref<10000x128xf32, #tpu.memory_space<hbm>>
      tpu.enqueue_indirect_dma source(%dma_start3A_43 : memref<10000x128xf32, #tpu.memory_space<hbm>>) target(%arg8 : memref<100x128xf32, #tpu.memory_space<vmem>>) offsets(%dma_start3A_40 : memref<100xi32, #tpu.memory_space<vmem>>) semaphore(%arg11 : memref<!tpu.dma_semaphore, #tpu.memory_space<semaphore_mem>>)
      %add3A_44 = arith.constant 1 : i32
      %add3A_45 = arith.addi %add3A_36, %add3A_44 : i32
      %dma_start3A_46 = arith.constant 0 : i32
      %dma_start3A_47 = tpu.memref_slice %arg6[%add3A_45, %dma_start3A_46] : memref<50x100xi32, #tpu.memory_space<vmem>> -> memref<1x100xi32, #tpu.memory_space<vmem>>
      %dma_start3A_48 = tpu.memref_squeeze %dma_start3A_47 : memref<1x100xi32, #tpu.memory_space<vmem>> -> memref<100xi32, #tpu.memory_space<vmem>>
      %dma_start3A_49 = arith.constant 0 : i32
      %dma_start3A_50 = arith.constant 0 : i32
      %dma_start3A_51 = tpu.memref_slice %arg2[%dma_start3A_49, %dma_start3A_50] : memref<10000x128xf32, #tpu.memory_space<hbm>> -> memref<10000x128xf32, #tpu.memory_space<hbm>>
      tpu.enqueue_indirect_dma source(%dma_start3A_51 : memref<10000x128xf32, #tpu.memory_space<hbm>>) target(%arg9 : memref<100x128xf32, #tpu.memory_space<vmem>>) offsets(%dma_start3A_48 : memref<100xi32, #tpu.memory_space<vmem>>) semaphore(%arg12 : memref<!tpu.dma_semaphore, #tpu.memory_space<semaphore_mem>>)
      %dma_wait3A = arith.constant 0 : i32
      %dma_wait3A_52 = tpu.memref_slice %arg6[%add3A_38, %dma_wait3A] : memref<50x100xi32, #tpu.memory_space<vmem>> -> memref<1x100xi32, #tpu.memory_space<vmem>>
      %dma_wait3A_53 = tpu.memref_squeeze %dma_wait3A_52 : memref<1x100xi32, #tpu.memory_space<vmem>> -> memref<100xi32, #tpu.memory_space<vmem>>
      %dma_wait3A_54 = arith.constant 0 : i32
      %dma_wait3A_55 = arith.constant 0 : i32
      %dma_wait3A_56 = tpu.memref_slice %arg2[%dma_wait3A_54, %dma_wait3A_55] : memref<10000x128xf32, #tpu.memory_space<hbm>> -> memref<10000x128xf32, #tpu.memory_space<hbm>>
      tpu.wait_indirect_dma semaphore(%arg11 : memref<!tpu.dma_semaphore, #tpu.memory_space<semaphore_mem>>) src(%dma_wait3A_56 : memref<10000x128xf32, #tpu.memory_space<hbm>>) dst(%arg8 : memref<100x128xf32, #tpu.memory_space<vmem>>)
      %add3A_57 = arith.constant 0 : i32
      %add3A_58 = arith.addi %add3A_36, %add3A_57 : i32
      "tpu.region"() ({
        %run_scoped3A_67 = tpu.sem_alloc : memref<!tpu.dma_semaphore, #tpu.memory_space<semaphore_mem>>
        %dma_start3A_68 = arith.constant 0 : i32
        %dma_start3A_69 = tpu.memref_slice %arg7[%add3A_58, %dma_start3A_68] : memref<50x100xi32, #tpu.memory_space<vmem>> -> memref<1x100xi32, #tpu.memory_space<vmem>>
        %dma_start3A_70 = tpu.memref_squeeze %dma_start3A_69 : memref<1x100xi32, #tpu.memory_space<vmem>> -> memref<100xi32, #tpu.memory_space<vmem>>
        %dma_start3A_71 = arith.constant 0 : i32
        %dma_start3A_72 = arith.constant 0 : i32
        %dma_start3A_73 = tpu.memref_slice %arg10[%dma_start3A_71, %dma_start3A_72] : memref<10000x128xf32, #tpu.memory_space<vmem_shared>> -> memref<10000x128xf32, #tpu.memory_space<vmem_shared>>
        tpu.enqueue_indirect_dma source(%arg8 : memref<100x128xf32, #tpu.memory_space<vmem>>) target(%dma_start3A_73 : memref<10000x128xf32, #tpu.memory_space<vmem_shared>>) offsets(%dma_start3A_70 : memref<100xi32, #tpu.memory_space<vmem>>) semaphore(%run_scoped3A_67 : memref<!tpu.dma_semaphore, #tpu.memory_space<semaphore_mem>>) {add = true}
        %dma_wait3A_74 = arith.constant 0 : i32
        %dma_wait3A_75 = tpu.memref_slice %arg7[%add3A_58, %dma_wait3A_74] : memref<50x100xi32, #tpu.memory_space<vmem>> -> memref<1x100xi32, #tpu.memory_space<vmem>>
        %dma_wait3A_76 = tpu.memref_squeeze %dma_wait3A_75 : memref<1x100xi32, #tpu.memory_space<vmem>> -> memref<100xi32, #tpu.memory_space<vmem>>
        %dma_wait3A_77 = arith.constant 0 : i32
        %dma_wait3A_78 = arith.constant 0 : i32
        %dma_wait3A_79 = tpu.memref_slice %arg10[%dma_wait3A_77, %dma_wait3A_78] : memref<10000x128xf32, #tpu.memory_space<vmem_shared>> -> memref<10000x128xf32, #tpu.memory_space<vmem_shared>>
        tpu.wait_indirect_dma semaphore(%run_scoped3A_67 : memref<!tpu.dma_semaphore, #tpu.memory_space<semaphore_mem>>) src(%arg8 : memref<100x128xf32, #tpu.memory_space<vmem>>) dst(%dma_wait3A_79 : memref<10000x128xf32, #tpu.memory_space<vmem_shared>>)
        tpu.yield
      }) : () -> ()
      %dma_wait3A_59 = arith.constant 0 : i32
      %dma_wait3A_60 = tpu.memref_slice %arg6[%add3A_45, %dma_wait3A_59] : memref<50x100xi32, #tpu.memory_space<vmem>> -> memref<1x100xi32, #tpu.memory_space<vmem>>
      %dma_wait3A_61 = tpu.memref_squeeze %dma_wait3A_60 : memref<1x100xi32, #tpu.memory_space<vmem>> -> memref<100xi32, #tpu.memory_space<vmem>>
      %dma_wait3A_62 = arith.constant 0 : i32
      %dma_wait3A_63 = arith.constant 0 : i32
      %dma_wait3A_64 = tpu.memref_slice %arg2[%dma_wait3A_62, %dma_wait3A_63] : memref<10000x128xf32, #tpu.memory_space<hbm>> -> memref<10000x128xf32, #tpu.memory_space<hbm>>
      tpu.wait_indirect_dma semaphore(%arg12 : memref<!tpu.dma_semaphore, #tpu.memory_space<semaphore_mem>>) src(%dma_wait3A_64 : memref<10000x128xf32, #tpu.memory_space<hbm>>) dst(%arg9 : memref<100x128xf32, #tpu.memory_space<vmem>>)
      %add3A_65 = arith.constant 1 : i32
      %add3A_66 = arith.addi %add3A_36, %add3A_65 : i32
      "tpu.region"() ({
        %run_scoped3A_67 = tpu.sem_alloc : memref<!tpu.dma_semaphore, #tpu.memory_space<semaphore_mem>>
        %dma_start3A_68 = arith.constant 0 : i32
        %dma_start3A_69 = tpu.memref_slice %arg7[%add3A_66, %dma_start3A_68] : memref<50x100xi32, #tpu.memory_space<vmem>> -> memref<1x100xi32, #tpu.memory_space<vmem>>
        %dma_start3A_70 = tpu.memref_squeeze %dma_start3A_69 : memref<1x100xi32, #tpu.memory_space<vmem>> -> memref<100xi32, #tpu.memory_space<vmem>>
        %dma_start3A_71 = arith.constant 0 : i32
        %dma_start3A_72 = arith.constant 0 : i32
        %dma_start3A_73 = tpu.memref_slice %arg10[%dma_start3A_71, %dma_start3A_72] : memref<10000x128xf32, #tpu.memory_space<vmem_shared>> -> memref<10000x128xf32, #tpu.memory_space<vmem_shared>>
        tpu.enqueue_indirect_dma source(%arg9 : memref<100x128xf32, #tpu.memory_space<vmem>>) target(%dma_start3A_73 : memref<10000x128xf32, #tpu.memory_space<vmem_shared>>) offsets(%dma_start3A_70 : memref<100xi32, #tpu.memory_space<vmem>>) semaphore(%run_scoped3A_67 : memref<!tpu.dma_semaphore, #tpu.memory_space<semaphore_mem>>) {add = true}
        %dma_wait3A_74 = arith.constant 0 : i32
        %dma_wait3A_75 = tpu.memref_slice %arg7[%add3A_66, %dma_wait3A_74] : memref<50x100xi32, #tpu.memory_space<vmem>> -> memref<1x100xi32, #tpu.memory_space<vmem>>
        %dma_wait3A_76 = tpu.memref_squeeze %dma_wait3A_75 : memref<1x100xi32, #tpu.memory_space<vmem>> -> memref<100xi32, #tpu.memory_space<vmem>>
        %dma_wait3A_77 = arith.constant 0 : i32
        %dma_wait3A_78 = arith.constant 0 : i32
        %dma_wait3A_79 = tpu.memref_slice %arg10[%dma_wait3A_77, %dma_wait3A_78] : memref<10000x128xf32, #tpu.memory_space<vmem_shared>> -> memref<10000x128xf32, #tpu.memory_space<vmem_shared>>
        tpu.wait_indirect_dma semaphore(%run_scoped3A_67 : memref<!tpu.dma_semaphore, #tpu.memory_space<semaphore_mem>>) src(%arg9 : memref<100x128xf32, #tpu.memory_space<vmem>>) dst(%dma_wait3A_79 : memref<10000x128xf32, #tpu.memory_space<vmem_shared>>)
        tpu.yield
      }) : () -> ()
    }
    %scan3A_20 = arith.constant 25 : i32
    %barrier3A_21 = arith.constant 0 : index
    tpu.barrier barrier_id(%barrier3A_21)
    %lt3A_22 = arith.constant 15 : i32
    %lt3A_23 = arith.cmpi slt, %arg1, %lt3A_22 : i32
    %convert_element_type3A_24 = arith.extui %lt3A_23 : i1 to i32
    %cond3A_25 = arith.constant 0 : i32
    %cond3A_26 = arith.cmpi ne, %convert_element_type3A_24, %cond3A_25 : i32
    scf.if %cond3A_26 {
      "tpu.region"() ({
        %run_scoped3A_32 = tpu.sem_alloc : memref<!tpu.dma_semaphore, #tpu.memory_space<semaphore_mem>>
        %dma_start3A = arith.constant 0 : i32
        %dma_start3A_33 = tpu.memref_slice %arg5[%arg0, %multiple_of3A, %dma_start3A] : memref<2x10000x128xf32, #tpu.memory_space<hbm>> -> memref<1x640x128xf32, #tpu.memory_space<hbm>>
        %dma_start3A_34 = tpu.memref_squeeze %dma_start3A_33 : memref<1x640x128xf32, #tpu.memory_space<hbm>> -> memref<640x128xf32, #tpu.memory_space<hbm>>
        %dma_start3A_35 = arith.constant 0 : i32
        %dma_start3A_36 = tpu.memref_slice %arg10[%multiple_of3A, %dma_start3A_35] : memref<10000x128xf32, #tpu.memory_space<vmem_shared>> -> memref<640x128xf32, #tpu.memory_space<vmem_shared>>
        tpu.enqueue_dma source(%dma_start3A_36 : memref<640x128xf32, #tpu.memory_space<vmem_shared>>) target(%dma_start3A_34 : memref<640x128xf32, #tpu.memory_space<hbm>>) target_semaphore(%run_scoped3A_32 : memref<!tpu.dma_semaphore, #tpu.memory_space<semaphore_mem>>)
        %dma_wait3A = arith.constant 0 : i32
        %dma_wait3A_37 = tpu.memref_slice %arg5[%arg0, %multiple_of3A, %dma_wait3A] : memref<2x10000x128xf32, #tpu.memory_space<hbm>> -> memref<1x640x128xf32, #tpu.memory_space<hbm>>
        %dma_wait3A_38 = tpu.memref_squeeze %dma_wait3A_37 : memref<1x640x128xf32, #tpu.memory_space<hbm>> -> memref<640x128xf32, #tpu.memory_space<hbm>>
        %dma_wait3A_39 = arith.constant 0 : i32
        %dma_wait3A_40 = tpu.memref_slice %arg10[%multiple_of3A, %dma_wait3A_39] : memref<10000x128xf32, #tpu.memory_space<vmem_shared>> -> memref<640x128xf32, #tpu.memory_space<vmem_shared>>
        tpu.wait_dma2 semaphore(%run_scoped3A_32 : memref<!tpu.dma_semaphore, #tpu.memory_space<semaphore_mem>>) src(%dma_wait3A_40 : memref<640x128xf32, #tpu.memory_space<vmem_shared>>) dst(%dma_wait3A_38 : memref<640x128xf32, #tpu.memory_space<hbm>>)
        tpu.yield
      }) : () -> ()
    } else {
    }
    %eq3A_27 = arith.constant 15 : i32
    %eq3A_28 = arith.cmpi eq, %arg1, %eq3A_27 : i32
    %convert_element_type3A_29 = arith.extui %eq3A_28 : i1 to i32
    %cond3A_30 = arith.constant 0 : i32
    %cond3A_31 = arith.cmpi ne, %convert_element_type3A_29, %cond3A_30 : i32
    scf.if %cond3A_31 {
      "tpu.region"() ({
        %run_scoped3A_32 = tpu.sem_alloc : memref<!tpu.dma_semaphore, #tpu.memory_space<semaphore_mem>>
        %dma_start3A = arith.constant 9600 : i32
        %dma_start3A_33 = arith.constant 0 : i32
        %dma_start3A_34 = tpu.memref_slice %arg5[%arg0, %dma_start3A, %dma_start3A_33] : memref<2x10000x128xf32, #tpu.memory_space<hbm>> -> memref<1x400x128xf32, #tpu.memory_space<hbm>>
        %dma_start3A_35 = tpu.memref_squeeze %dma_start3A_34 : memref<1x400x128xf32, #tpu.memory_space<hbm>> -> memref<400x128xf32, #tpu.memory_space<hbm>>
        %dma_start3A_36 = arith.constant 9600 : i32
        %dma_start3A_37 = arith.constant 0 : i32
        %dma_start3A_38 = tpu.memref_slice %arg10[%dma_start3A_36, %dma_start3A_37] : memref<10000x128xf32, #tpu.memory_space<vmem_shared>> -> memref<400x128xf32, #tpu.memory_space<vmem_shared>>
        tpu.enqueue_dma source(%dma_start3A_38 : memref<400x128xf32, #tpu.memory_space<vmem_shared>>) target(%dma_start3A_35 : memref<400x128xf32, #tpu.memory_space<hbm>>) target_semaphore(%run_scoped3A_32 : memref<!tpu.dma_semaphore, #tpu.memory_space<semaphore_mem>>)
        %dma_wait3A = arith.constant 9600 : i32
        %dma_wait3A_39 = arith.constant 0 : i32
        %dma_wait3A_40 = tpu.memref_slice %arg5[%arg0, %dma_wait3A, %dma_wait3A_39] : memref<2x10000x128xf32, #tpu.memory_space<hbm>> -> memref<1x400x128xf32, #tpu.memory_space<hbm>>
        %dma_wait3A_41 = tpu.memref_squeeze %dma_wait3A_40 : memref<1x400x128xf32, #tpu.memory_space<hbm>> -> memref<400x128xf32, #tpu.memory_space<hbm>>
        %dma_wait3A_42 = arith.constant 9600 : i32
        %dma_wait3A_43 = arith.constant 0 : i32
        %dma_wait3A_44 = tpu.memref_slice %arg10[%dma_wait3A_42, %dma_wait3A_43] : memref<10000x128xf32, #tpu.memory_space<vmem_shared>> -> memref<400x128xf32, #tpu.memory_space<vmem_shared>>
        tpu.wait_dma2 semaphore(%run_scoped3A_32 : memref<!tpu.dma_semaphore, #tpu.memory_space<semaphore_mem>>) src(%dma_wait3A_44 : memref<400x128xf32, #tpu.memory_space<vmem_shared>>) dst(%dma_wait3A_41 : memref<400x128xf32, #tpu.memory_space<hbm>>)
        tpu.yield
      }) : () -> ()
    } else {
    }
    return
  }
}

#map = affine_map<(d0, d1) -> (0, 0)>
#map1 = affine_map<(d0, d1) -> (0, 0, 0, 0)>
#map2 = affine_map<(d0, d1) -> (0, 0, 0)>
module attributes {stable_mosaic.version = 14 : i64} {
  func.func @sck(%arg0: i32, %arg1: i32, %arg2: memref<10000x128xf32, #tpu.memory_space<hbm>>, %arg3: memref<32x2x50x100xi32, #tpu.memory_space<hbm>>, %arg4: memref<32x2x50x100xi32, #tpu.memory_space<hbm>>, %arg5: memref<2x10000x128xf32, #tpu.memory_space<hbm>>, %arg6: memref<50x100xi32, #tpu.memory_space<vmem>>, %arg7: memref<50x100xi32, #tpu.memory_space<vmem>>, %arg8: memref<100x128xf32, #tpu.memory_space<vmem>>, %arg9: memref<100x128xf32, #tpu.memory_space<vmem>>, %arg10: memref<10000x128xf32, #tpu.memory_space<vmem_shared>>, %arg11: memref<!tpu.dma_semaphore, #tpu.memory_space<semaphore_mem>>, %arg12: memref<!tpu.dma_semaphore, #tpu.memory_space<semaphore_mem>>) attributes {dimension_semantics = [#tpu.dimension_semantics<core_parallel>, #tpu.dimension_semantics<subcore_parallel>], iteration_bounds = array<i64: 2, 16>, scalar_prefetch = 0 : i64, scratch_operands = 7 : i64, tpu.core_type = #tpu.core_type<sc_vector_subcore>, window_params = [{transform_indices = #map}, {transform_indices = #map1}, {transform_indices = #map1}, {transform_indices = #map2}]} {
    %mul3A = arith.constant 2 : i32
    %mul3A_0 = arith.muli %arg1, %mul3A : i32
    %add3A = arith.addi %mul3A_0, %arg0 : i32
    %mul3A_1 = arith.constant 640 : i32
    %mul3A_2 = arith.muli %arg1, %mul3A_1 : i32
    %multiple_of3A = tpu.assume_multiple %mul3A_2, 8 : i32
    %lt3A = arith.constant 15 : i32
    %lt3A_3 = arith.cmpi slt, %arg1, %lt3A : i32
    %convert_element_type3A = arith.extui %lt3A_3 : i1 to i32
    %cond3A = arith.constant 0 : i32
    %cond3A_4 = arith.cmpi ne, %convert_element_type3A, %cond3A : i32
    scf.if %cond3A_4 {
      "tpu.region"() ({
        %run_scoped3A_32 = tpu.sem_alloc : memref<!tpu.dma_semaphore, #tpu.memory_space<semaphore_mem>>
        %dma_start3A = arith.constant 0 : i32
        %dma_start3A_33 = tpu.memref_slice %arg10[%multiple_of3A, %dma_start3A] : memref<10000x128xf32, #tpu.memory_space<vmem_shared>> -> memref<640x128xf32, #tpu.memory_space<vmem_shared>>
        %dma_start3A_34 = arith.constant 0 : i32
        %dma_start3A_35 = tpu.memref_slice %arg2[%multiple_of3A, %dma_start3A_34] : memref<10000x128xf32, #tpu.memory_space<hbm>> -> memref<640x128xf32, #tpu.memory_space<hbm>>
        tpu.enqueue_dma source(%dma_start3A_35 : memref<640x128xf32, #tpu.memory_space<hbm>>) target(%dma_start3A_33 : memref<640x128xf32, #tpu.memory_space<vmem_shared>>) target_semaphore(%run_scoped3A_32 : memref<!tpu.dma_semaphore, #tpu.memory_space<semaphore_mem>>)
        %dma_wait3A = arith.constant 0 : i32
        %dma_wait3A_36 = tpu.memref_slice %arg10[%multiple_of3A, %dma_wait3A] : memref<10000x128xf32, #tpu.memory_space<vmem_shared>> -> memref<640x128xf32, #tpu.memory_space<vmem_shared>>
        %dma_wait3A_37 = arith.constant 0 : i32
        %dma_wait3A_38 = tpu.memref_slice %arg2[%multiple_of3A, %dma_wait3A_37] : memref<10000x128xf32, #tpu.memory_space<hbm>> -> memref<640x128xf32, #tpu.memory_space<hbm>>
        tpu.wait_dma2 semaphore(%run_scoped3A_32 : memref<!tpu.dma_semaphore, #tpu.memory_space<semaphore_mem>>) src(%dma_wait3A_38 : memref<640x128xf32, #tpu.memory_space<hbm>>) dst(%dma_wait3A_36 : memref<640x128xf32, #tpu.memory_space<vmem_shared>>)
        tpu.yield
      }) : () -> ()
    } else {
    }
    %eq3A = arith.constant 15 : i32
    %eq3A_5 = arith.cmpi eq, %arg1, %eq3A : i32
    %convert_element_type3A_6 = arith.extui %eq3A_5 : i1 to i32
    %cond3A_7 = arith.constant 0 : i32
    %cond3A_8 = arith.cmpi ne, %convert_element_type3A_6, %cond3A_7 : i32
    scf.if %cond3A_8 {
      "tpu.region"() ({
        %run_scoped3A_32 = tpu.sem_alloc : memref<!tpu.dma_semaphore, #tpu.memory_space<semaphore_mem>>
        %dma_start3A = arith.constant 9600 : i32
        %dma_start3A_33 = arith.constant 0 : i32
        %dma_start3A_34 = tpu.memref_slice %arg10[%dma_start3A, %dma_start3A_33] : memref<10000x128xf32, #tpu.memory_space<vmem_shared>> -> memref<400x128xf32, #tpu.memory_space<vmem_shared>>
        %dma_start3A_35 = arith.constant 9600 : i32
        %dma_start3A_36 = arith.constant 0 : i32
        %dma_start3A_37 = tpu.memref_slice %arg2[%dma_start3A_35, %dma_start3A_36] : memref<10000x128xf32, #tpu.memory_space<hbm>> -> memref<400x128xf32, #tpu.memory_space<hbm>>
        tpu.enqueue_dma source(%dma_start3A_37 : memref<400x128xf32, #tpu.memory_space<hbm>>) target(%dma_start3A_34 : memref<400x128xf32, #tpu.memory_space<vmem_shared>>) target_semaphore(%run_scoped3A_32 : memref<!tpu.dma_semaphore, #tpu.memory_space<semaphore_mem>>)
        %dma_wait3A = arith.constant 9600 : i32
        %dma_wait3A_38 = arith.constant 0 : i32
        %dma_wait3A_39 = tpu.memref_slice %arg10[%dma_wait3A, %dma_wait3A_38] : memref<10000x128xf32, #tpu.memory_space<vmem_shared>> -> memref<400x128xf32, #tpu.memory_space<vmem_shared>>
        %dma_wait3A_40 = arith.constant 9600 : i32
        %dma_wait3A_41 = arith.constant 0 : i32
        %dma_wait3A_42 = tpu.memref_slice %arg2[%dma_wait3A_40, %dma_wait3A_41] : memref<10000x128xf32, #tpu.memory_space<hbm>> -> memref<400x128xf32, #tpu.memory_space<hbm>>
        tpu.wait_dma2 semaphore(%run_scoped3A_32 : memref<!tpu.dma_semaphore, #tpu.memory_space<semaphore_mem>>) src(%dma_wait3A_42 : memref<400x128xf32, #tpu.memory_space<hbm>>) dst(%dma_wait3A_39 : memref<400x128xf32, #tpu.memory_space<vmem_shared>>)
        tpu.yield
      }) : () -> ()
    } else {
    }
    %barrier3A = arith.constant 0 : index
    tpu.barrier barrier_id(%barrier3A)
    %run_scoped3A = arith.constant 0 : i32
    "tpu.region"() ({
      %run_scoped3A_32 = tpu.sem_alloc : memref<!tpu.dma_semaphore, #tpu.memory_space<semaphore_mem>>
      %dma_start3A = arith.constant 0 : i32
      %dma_start3A_33 = arith.constant 0 : i32
      %dma_start3A_34 = tpu.memref_slice %arg3[%add3A, %run_scoped3A, %dma_start3A, %dma_start3A_33] : memref<32x2x50x100xi32, #tpu.memory_space<hbm>> -> memref<1x1x50x100xi32, #tpu.memory_space<hbm>>
      %dma_start3A_35 = tpu.memref_squeeze %dma_start3A_34 : memref<1x1x50x100xi32, #tpu.memory_space<hbm>> -> memref<50x100xi32, #tpu.memory_space<hbm>>
      %dma_start3A_36 = arith.constant 0 : i32
      %dma_start3A_37 = arith.constant 0 : i32
      %dma_start3A_38 = tpu.memref_slice %arg3[%add3A, %run_scoped3A, %dma_start3A_36, %dma_start3A_37] : memref<32x2x50x100xi32, #tpu.memory_space<hbm>> -> memref<1x1x50x100xi32, #tpu.memory_space<hbm>>
      %dma_start3A_39 = tpu.memref_squeeze %dma_start3A_38 : memref<1x1x50x100xi32, #tpu.memory_space<hbm>> -> memref<50x100xi32, #tpu.memory_space<hbm>>
      tpu.enqueue_dma source(%dma_start3A_39 : memref<50x100xi32, #tpu.memory_space<hbm>>) target(%arg6 : memref<50x100xi32, #tpu.memory_space<vmem>>) target_semaphore(%run_scoped3A_32 : memref<!tpu.dma_semaphore, #tpu.memory_space<semaphore_mem>>)
      %dma_wait3A = arith.constant 0 : i32
      %dma_wait3A_40 = arith.constant 0 : i32
      %dma_wait3A_41 = tpu.memref_slice %arg3[%add3A, %run_scoped3A, %dma_wait3A, %dma_wait3A_40] : memref<32x2x50x100xi32, #tpu.memory_space<hbm>> -> memref<1x1x50x100xi32, #tpu.memory_space<hbm>>
      %dma_wait3A_42 = tpu.memref_squeeze %dma_wait3A_41 : memref<1x1x50x100xi32, #tpu.memory_space<hbm>> -> memref<50x100xi32, #tpu.memory_space<hbm>>
      %dma_wait3A_43 = arith.constant 0 : i32
      %dma_wait3A_44 = arith.constant 0 : i32
      %dma_wait3A_45 = tpu.memref_slice %arg3[%add3A, %run_scoped3A, %dma_wait3A_43, %dma_wait3A_44] : memref<32x2x50x100xi32, #tpu.memory_space<hbm>> -> memref<1x1x50x100xi32, #tpu.memory_space<hbm>>
      %dma_wait3A_46 = tpu.memref_squeeze %dma_wait3A_45 : memref<1x1x50x100xi32, #tpu.memory_space<hbm>> -> memref<50x100xi32, #tpu.memory_space<hbm>>
      tpu.wait_dma2 semaphore(%run_scoped3A_32 : memref<!tpu.dma_semaphore, #tpu.memory_space<semaphore_mem>>) src(%dma_wait3A_46 : memref<50x100xi32, #tpu.memory_space<hbm>>) dst(%arg6 : memref<50x100xi32, #tpu.memory_space<vmem>>)
      tpu.yield
    }) : () -> ()
    %run_scoped3A_9 = arith.constant 0 : i32
    "tpu.region"() ({
      %run_scoped3A_32 = tpu.sem_alloc : memref<!tpu.dma_semaphore, #tpu.memory_space<semaphore_mem>>
      %dma_start3A = arith.constant 0 : i32
      %dma_start3A_33 = arith.constant 0 : i32
      %dma_start3A_34 = tpu.memref_slice %arg4[%add3A, %run_scoped3A_9, %dma_start3A, %dma_start3A_33] : memref<32x2x50x100xi32, #tpu.memory_space<hbm>> -> memref<1x1x50x100xi32, #tpu.memory_space<hbm>>
      %dma_start3A_35 = tpu.memref_squeeze %dma_start3A_34 : memref<1x1x50x100xi32, #tpu.memory_space<hbm>> -> memref<50x100xi32, #tpu.memory_space<hbm>>
      %dma_start3A_36 = arith.constant 0 : i32
      %dma_start3A_37 = arith.constant 0 : i32
      %dma_start3A_38 = tpu.memref_slice %arg4[%add3A, %run_scoped3A_9, %dma_start3A_36, %dma_start3A_37] : memref<32x2x50x100xi32, #tpu.memory_space<hbm>> -> memref<1x1x50x100xi32, #tpu.memory_space<hbm>>
      %dma_start3A_39 = tpu.memref_squeeze %dma_start3A_38 : memref<1x1x50x100xi32, #tpu.memory_space<hbm>> -> memref<50x100xi32, #tpu.memory_space<hbm>>
      tpu.enqueue_dma source(%dma_start3A_39 : memref<50x100xi32, #tpu.memory_space<hbm>>) target(%arg7 : memref<50x100xi32, #tpu.memory_space<vmem>>) target_semaphore(%run_scoped3A_32 : memref<!tpu.dma_semaphore, #tpu.memory_space<semaphore_mem>>)
      %dma_wait3A = arith.constant 0 : i32
      %dma_wait3A_40 = arith.constant 0 : i32
      %dma_wait3A_41 = tpu.memref_slice %arg4[%add3A, %run_scoped3A_9, %dma_wait3A, %dma_wait3A_40] : memref<32x2x50x100xi32, #tpu.memory_space<hbm>> -> memref<1x1x50x100xi32, #tpu.memory_space<hbm>>
      %dma_wait3A_42 = tpu.memref_squeeze %dma_wait3A_41 : memref<1x1x50x100xi32, #tpu.memory_space<hbm>> -> memref<50x100xi32, #tpu.memory_space<hbm>>
      %dma_wait3A_43 = arith.constant 0 : i32
      %dma_wait3A_44 = arith.constant 0 : i32
      %dma_wait3A_45 = tpu.memref_slice %arg4[%add3A, %run_scoped3A_9, %dma_wait3A_43, %dma_wait3A_44] : memref<32x2x50x100xi32, #tpu.memory_space<hbm>> -> memref<1x1x50x100xi32, #tpu.memory_space<hbm>>
      %dma_wait3A_46 = tpu.memref_squeeze %dma_wait3A_45 : memref<1x1x50x100xi32, #tpu.memory_space<hbm>> -> memref<50x100xi32, #tpu.memory_space<hbm>>
      tpu.wait_dma2 semaphore(%run_scoped3A_32 : memref<!tpu.dma_semaphore, #tpu.memory_space<semaphore_mem>>) src(%dma_wait3A_46 : memref<50x100xi32, #tpu.memory_space<hbm>>) dst(%arg7 : memref<50x100xi32, #tpu.memory_space<vmem>>)
      tpu.yield
    }) : () -> ()
    %scan3A = arith.constant 0 : i32
    %scan3A_10 = arith.constant 25 : i32
    %scan3A_11 = arith.addi %scan3A, %scan3A_10 : i32
    %scan3A_12 = arith.constant 1 : i32
    scf.for %scan3A_32 = %scan3A to %scan3A_11 step %scan3A_12  : i32 {
      %mul3A_33 = arith.constant 2 : i32
      %mul3A_34 = arith.muli %scan3A_32, %mul3A_33 : i32
      %add3A_35 = arith.constant 0 : i32
      %add3A_36 = arith.addi %add3A_35, %mul3A_34 : i32
      %add3A_37 = arith.constant 0 : i32
      %add3A_38 = arith.addi %add3A_36, %add3A_37 : i32
      %dma_start3A = arith.constant 0 : i32
      %dma_start3A_39 = tpu.memref_slice %arg6[%add3A_38, %dma_start3A] : memref<50x100xi32, #tpu.memory_space<vmem>> -> memref<1x100xi32, #tpu.memory_space<vmem>>
      %dma_start3A_40 = tpu.memref_squeeze %dma_start3A_39 : memref<1x100xi32, #tpu.memory_space<vmem>> -> memref<100xi32, #tpu.memory_space<vmem>>
      %dma_start3A_41 = arith.constant 0 : i32
      %dma_start3A_42 = arith.constant 0 : i32
      %dma_start3A_43 = tpu.memref_slice %arg2[%dma_start3A_41, %dma_start3A_42] : memref<10000x128xf32, #tpu.memory_space<hbm>> -> memref<10000x128xf32, #tpu.memory_space<hbm>>
      tpu.enqueue_indirect_dma source(%dma_start3A_43 : memref<10000x128xf32, #tpu.memory_space<hbm>>) target(%arg8 : memref<100x128xf32, #tpu.memory_space<vmem>>) offsets(%dma_start3A_40 : memref<100xi32, #tpu.memory_space<vmem>>) semaphore(%arg11 : memref<!tpu.dma_semaphore, #tpu.memory_space<semaphore_mem>>)
      %add3A_44 = arith.constant 1 : i32
      %add3A_45 = arith.addi %add3A_36, %add3A_44 : i32
      %dma_start3A_46 = arith.constant 0 : i32
      %dma_start3A_47 = tpu.memref_slice %arg6[%add3A_45, %dma_start3A_46] : memref<50x100xi32, #tpu.memory_space<vmem>> -> memref<1x100xi32, #tpu.memory_space<vmem>>
      %dma_start3A_48 = tpu.memref_squeeze %dma_start3A_47 : memref<1x100xi32, #tpu.memory_space<vmem>> -> memref<100xi32, #tpu.memory_space<vmem>>
      %dma_start3A_49 = arith.constant 0 : i32
      %dma_start3A_50 = arith.constant 0 : i32
      %dma_start3A_51 = tpu.memref_slice %arg2[%dma_start3A_49, %dma_start3A_50] : memref<10000x128xf32, #tpu.memory_space<hbm>> -> memref<10000x128xf32, #tpu.memory_space<hbm>>
      tpu.enqueue_indirect_dma source(%dma_start3A_51 : memref<10000x128xf32, #tpu.memory_space<hbm>>) target(%arg9 : memref<100x128xf32, #tpu.memory_space<vmem>>) offsets(%dma_start3A_48 : memref<100xi32, #tpu.memory_space<vmem>>) semaphore(%arg12 : memref<!tpu.dma_semaphore, #tpu.memory_space<semaphore_mem>>)
      %dma_wait3A = arith.constant 0 : i32
      %dma_wait3A_52 = tpu.memref_slice %arg6[%add3A_38, %dma_wait3A] : memref<50x100xi32, #tpu.memory_space<vmem>> -> memref<1x100xi32, #tpu.memory_space<vmem>>
      %dma_wait3A_53 = tpu.memref_squeeze %dma_wait3A_52 : memref<1x100xi32, #tpu.memory_space<vmem>> -> memref<100xi32, #tpu.memory_space<vmem>>
      %dma_wait3A_54 = arith.constant 0 : i32
      %dma_wait3A_55 = arith.constant 0 : i32
      %dma_wait3A_56 = tpu.memref_slice %arg2[%dma_wait3A_54, %dma_wait3A_55] : memref<10000x128xf32, #tpu.memory_space<hbm>> -> memref<10000x128xf32, #tpu.memory_space<hbm>>
      tpu.wait_indirect_dma semaphore(%arg11 : memref<!tpu.dma_semaphore, #tpu.memory_space<semaphore_mem>>) src(%dma_wait3A_56 : memref<10000x128xf32, #tpu.memory_space<hbm>>) dst(%arg8 : memref<100x128xf32, #tpu.memory_space<vmem>>)
      %add3A_57 = arith.constant 0 : i32
      %add3A_58 = arith.addi %add3A_36, %add3A_57 : i32
      "tpu.region"() ({
        %run_scoped3A_67 = tpu.sem_alloc : memref<!tpu.dma_semaphore, #tpu.memory_space<semaphore_mem>>
        %dma_start3A_68 = arith.constant 0 : i32
        %dma_start3A_69 = tpu.memref_slice %arg7[%add3A_58, %dma_start3A_68] : memref<50x100xi32, #tpu.memory_space<vmem>> -> memref<1x100xi32, #tpu.memory_space<vmem>>
        %dma_start3A_70 = tpu.memref_squeeze %dma_start3A_69 : memref<1x100xi32, #tpu.memory_space<vmem>> -> memref<100xi32, #tpu.memory_space<vmem>>
        %dma_start3A_71 = arith.constant 0 : i32
        %dma_start3A_72 = arith.constant 0 : i32
        %dma_start3A_73 = tpu.memref_slice %arg10[%dma_start3A_71, %dma_start3A_72] : memref<10000x128xf32, #tpu.memory_space<vmem_shared>> -> memref<10000x128xf32, #tpu.memory_space<vmem_shared>>
        tpu.enqueue_indirect_dma source(%arg8 : memref<100x128xf32, #tpu.memory_space<vmem>>) target(%dma_start3A_73 : memref<10000x128xf32, #tpu.memory_space<vmem_shared>>) offsets(%dma_start3A_70 : memref<100xi32, #tpu.memory_space<vmem>>) semaphore(%run_scoped3A_67 : memref<!tpu.dma_semaphore, #tpu.memory_space<semaphore_mem>>) {add = true}
        %dma_wait3A_74 = arith.constant 0 : i32
        %dma_wait3A_75 = tpu.memref_slice %arg7[%add3A_58, %dma_wait3A_74] : memref<50x100xi32, #tpu.memory_space<vmem>> -> memref<1x100xi32, #tpu.memory_space<vmem>>
        %dma_wait3A_76 = tpu.memref_squeeze %dma_wait3A_75 : memref<1x100xi32, #tpu.memory_space<vmem>> -> memref<100xi32, #tpu.memory_space<vmem>>
        %dma_wait3A_77 = arith.constant 0 : i32
        %dma_wait3A_78 = arith.constant 0 : i32
        %dma_wait3A_79 = tpu.memref_slice %arg10[%dma_wait3A_77, %dma_wait3A_78] : memref<10000x128xf32, #tpu.memory_space<vmem_shared>> -> memref<10000x128xf32, #tpu.memory_space<vmem_shared>>
        tpu.wait_indirect_dma semaphore(%run_scoped3A_67 : memref<!tpu.dma_semaphore, #tpu.memory_space<semaphore_mem>>) src(%arg8 : memref<100x128xf32, #tpu.memory_space<vmem>>) dst(%dma_wait3A_79 : memref<10000x128xf32, #tpu.memory_space<vmem_shared>>)
        tpu.yield
      }) : () -> ()
      %dma_wait3A_59 = arith.constant 0 : i32
      %dma_wait3A_60 = tpu.memref_slice %arg6[%add3A_45, %dma_wait3A_59] : memref<50x100xi32, #tpu.memory_space<vmem>> -> memref<1x100xi32, #tpu.memory_space<vmem>>
      %dma_wait3A_61 = tpu.memref_squeeze %dma_wait3A_60 : memref<1x100xi32, #tpu.memory_space<vmem>> -> memref<100xi32, #tpu.memory_space<vmem>>
      %dma_wait3A_62 = arith.constant 0 : i32
      %dma_wait3A_63 = arith.constant 0 : i32
      %dma_wait3A_64 = tpu.memref_slice %arg2[%dma_wait3A_62, %dma_wait3A_63] : memref<10000x128xf32, #tpu.memory_space<hbm>> -> memref<10000x128xf32, #tpu.memory_space<hbm>>
      tpu.wait_indirect_dma semaphore(%arg12 : memref<!tpu.dma_semaphore, #tpu.memory_space<semaphore_mem>>) src(%dma_wait3A_64 : memref<10000x128xf32, #tpu.memory_space<hbm>>) dst(%arg9 : memref<100x128xf32, #tpu.memory_space<vmem>>)
      %add3A_65 = arith.constant 1 : i32
      %add3A_66 = arith.addi %add3A_36, %add3A_65 : i32
      "tpu.region"() ({
        %run_scoped3A_67 = tpu.sem_alloc : memref<!tpu.dma_semaphore, #tpu.memory_space<semaphore_mem>>
        %dma_start3A_68 = arith.constant 0 : i32
        %dma_start3A_69 = tpu.memref_slice %arg7[%add3A_66, %dma_start3A_68] : memref<50x100xi32, #tpu.memory_space<vmem>> -> memref<1x100xi32, #tpu.memory_space<vmem>>
        %dma_start3A_70 = tpu.memref_squeeze %dma_start3A_69 : memref<1x100xi32, #tpu.memory_space<vmem>> -> memref<100xi32, #tpu.memory_space<vmem>>
        %dma_start3A_71 = arith.constant 0 : i32
        %dma_start3A_72 = arith.constant 0 : i32
        %dma_start3A_73 = tpu.memref_slice %arg10[%dma_start3A_71, %dma_start3A_72] : memref<10000x128xf32, #tpu.memory_space<vmem_shared>> -> memref<10000x128xf32, #tpu.memory_space<vmem_shared>>
        tpu.enqueue_indirect_dma source(%arg9 : memref<100x128xf32, #tpu.memory_space<vmem>>) target(%dma_start3A_73 : memref<10000x128xf32, #tpu.memory_space<vmem_shared>>) offsets(%dma_start3A_70 : memref<100xi32, #tpu.memory_space<vmem>>) semaphore(%run_scoped3A_67 : memref<!tpu.dma_semaphore, #tpu.memory_space<semaphore_mem>>) {add = true}
        %dma_wait3A_74 = arith.constant 0 : i32
        %dma_wait3A_75 = tpu.memref_slice %arg7[%add3A_66, %dma_wait3A_74] : memref<50x100xi32, #tpu.memory_space<vmem>> -> memref<1x100xi32, #tpu.memory_space<vmem>>
        %dma_wait3A_76 = tpu.memref_squeeze %dma_wait3A_75 : memref<1x100xi32, #tpu.memory_space<vmem>> -> memref<100xi32, #tpu.memory_space<vmem>>
        %dma_wait3A_77 = arith.constant 0 : i32
        %dma_wait3A_78 = arith.constant 0 : i32
        %dma_wait3A_79 = tpu.memref_slice %arg10[%dma_wait3A_77, %dma_wait3A_78] : memref<10000x128xf32, #tpu.memory_space<vmem_shared>> -> memref<10000x128xf32, #tpu.memory_space<vmem_shared>>
        tpu.wait_indirect_dma semaphore(%run_scoped3A_67 : memref<!tpu.dma_semaphore, #tpu.memory_space<semaphore_mem>>) src(%arg9 : memref<100x128xf32, #tpu.memory_space<vmem>>) dst(%dma_wait3A_79 : memref<10000x128xf32, #tpu.memory_space<vmem_shared>>)
        tpu.yield
      }) : () -> ()
    }
    %scan3A_13 = arith.constant 25 : i32
    %run_scoped3A_14 = arith.constant 1 : i32
    "tpu.region"() ({
      %run_scoped3A_32 = tpu.sem_alloc : memref<!tpu.dma_semaphore, #tpu.memory_space<semaphore_mem>>
      %dma_start3A = arith.constant 0 : i32
      %dma_start3A_33 = arith.constant 0 : i32
      %dma_start3A_34 = tpu.memref_slice %arg3[%add3A, %run_scoped3A_14, %dma_start3A, %dma_start3A_33] : memref<32x2x50x100xi32, #tpu.memory_space<hbm>> -> memref<1x1x50x100xi32, #tpu.memory_space<hbm>>
      %dma_start3A_35 = tpu.memref_squeeze %dma_start3A_34 : memref<1x1x50x100xi32, #tpu.memory_space<hbm>> -> memref<50x100xi32, #tpu.memory_space<hbm>>
      %dma_start3A_36 = arith.constant 0 : i32
      %dma_start3A_37 = arith.constant 0 : i32
      %dma_start3A_38 = tpu.memref_slice %arg3[%add3A, %run_scoped3A_14, %dma_start3A_36, %dma_start3A_37] : memref<32x2x50x100xi32, #tpu.memory_space<hbm>> -> memref<1x1x50x100xi32, #tpu.memory_space<hbm>>
      %dma_start3A_39 = tpu.memref_squeeze %dma_start3A_38 : memref<1x1x50x100xi32, #tpu.memory_space<hbm>> -> memref<50x100xi32, #tpu.memory_space<hbm>>
      tpu.enqueue_dma source(%dma_start3A_39 : memref<50x100xi32, #tpu.memory_space<hbm>>) target(%arg6 : memref<50x100xi32, #tpu.memory_space<vmem>>) target_semaphore(%run_scoped3A_32 : memref<!tpu.dma_semaphore, #tpu.memory_space<semaphore_mem>>)
      %dma_wait3A = arith.constant 0 : i32
      %dma_wait3A_40 = arith.constant 0 : i32
      %dma_wait3A_41 = tpu.memref_slice %arg3[%add3A, %run_scoped3A_14, %dma_wait3A, %dma_wait3A_40] : memref<32x2x50x100xi32, #tpu.memory_space<hbm>> -> memref<1x1x50x100xi32, #tpu.memory_space<hbm>>
      %dma_wait3A_42 = tpu.memref_squeeze %dma_wait3A_41 : memref<1x1x50x100xi32, #tpu.memory_space<hbm>> -> memref<50x100xi32, #tpu.memory_space<hbm>>
      %dma_wait3A_43 = arith.constant 0 : i32
      %dma_wait3A_44 = arith.constant 0 : i32
      %dma_wait3A_45 = tpu.memref_slice %arg3[%add3A, %run_scoped3A_14, %dma_wait3A_43, %dma_wait3A_44] : memref<32x2x50x100xi32, #tpu.memory_space<hbm>> -> memref<1x1x50x100xi32, #tpu.memory_space<hbm>>
      %dma_wait3A_46 = tpu.memref_squeeze %dma_wait3A_45 : memref<1x1x50x100xi32, #tpu.memory_space<hbm>> -> memref<50x100xi32, #tpu.memory_space<hbm>>
      tpu.wait_dma2 semaphore(%run_scoped3A_32 : memref<!tpu.dma_semaphore, #tpu.memory_space<semaphore_mem>>) src(%dma_wait3A_46 : memref<50x100xi32, #tpu.memory_space<hbm>>) dst(%arg6 : memref<50x100xi32, #tpu.memory_space<vmem>>)
      tpu.yield
    }) : () -> ()
    %run_scoped3A_15 = arith.constant 1 : i32
    "tpu.region"() ({
      %run_scoped3A_32 = tpu.sem_alloc : memref<!tpu.dma_semaphore, #tpu.memory_space<semaphore_mem>>
      %dma_start3A = arith.constant 0 : i32
      %dma_start3A_33 = arith.constant 0 : i32
      %dma_start3A_34 = tpu.memref_slice %arg4[%add3A, %run_scoped3A_15, %dma_start3A, %dma_start3A_33] : memref<32x2x50x100xi32, #tpu.memory_space<hbm>> -> memref<1x1x50x100xi32, #tpu.memory_space<hbm>>
      %dma_start3A_35 = tpu.memref_squeeze %dma_start3A_34 : memref<1x1x50x100xi32, #tpu.memory_space<hbm>> -> memref<50x100xi32, #tpu.memory_space<hbm>>
      %dma_start3A_36 = arith.constant 0 : i32
      %dma_start3A_37 = arith.constant 0 : i32
      %dma_start3A_38 = tpu.memref_slice %arg4[%add3A, %run_scoped3A_15, %dma_start3A_36, %dma_start3A_37] : memref<32x2x50x100xi32, #tpu.memory_space<hbm>> -> memref<1x1x50x100xi32, #tpu.memory_space<hbm>>
      %dma_start3A_39 = tpu.memref_squeeze %dma_start3A_38 : memref<1x1x50x100xi32, #tpu.memory_space<hbm>> -> memref<50x100xi32, #tpu.memory_space<hbm>>
      tpu.enqueue_dma source(%dma_start3A_39 : memref<50x100xi32, #tpu.memory_space<hbm>>) target(%arg7 : memref<50x100xi32, #tpu.memory_space<vmem>>) target_semaphore(%run_scoped3A_32 : memref<!tpu.dma_semaphore, #tpu.memory_space<semaphore_mem>>)
      %dma_wait3A = arith.constant 0 : i32
      %dma_wait3A_40 = arith.constant 0 : i32
      %dma_wait3A_41 = tpu.memref_slice %arg4[%add3A, %run_scoped3A_15, %dma_wait3A, %dma_wait3A_40] : memref<32x2x50x100xi32, #tpu.memory_space<hbm>> -> memref<1x1x50x100xi32, #tpu.memory_space<hbm>>
      %dma_wait3A_42 = tpu.memref_squeeze %dma_wait3A_41 : memref<1x1x50x100xi32, #tpu.memory_space<hbm>> -> memref<50x100xi32, #tpu.memory_space<hbm>>
      %dma_wait3A_43 = arith.constant 0 : i32
      %dma_wait3A_44 = arith.constant 0 : i32
      %dma_wait3A_45 = tpu.memref_slice %arg4[%add3A, %run_scoped3A_15, %dma_wait3A_43, %dma_wait3A_44] : memref<32x2x50x100xi32, #tpu.memory_space<hbm>> -> memref<1x1x50x100xi32, #tpu.memory_space<hbm>>
      %dma_wait3A_46 = tpu.memref_squeeze %dma_wait3A_45 : memref<1x1x50x100xi32, #tpu.memory_space<hbm>> -> memref<50x100xi32, #tpu.memory_space<hbm>>
      tpu.wait_dma2 semaphore(%run_scoped3A_32 : memref<!tpu.dma_semaphore, #tpu.memory_space<semaphore_mem>>) src(%dma_wait3A_46 : memref<50x100xi32, #tpu.memory_space<hbm>>) dst(%arg7 : memref<50x100xi32, #tpu.memory_space<vmem>>)
      tpu.yield
    }) : () -> ()
    %scan3A_16 = arith.constant 0 : i32
    %scan3A_17 = arith.constant 25 : i32
    %scan3A_18 = arith.addi %scan3A_16, %scan3A_17 : i32
    %scan3A_19 = arith.constant 1 : i32
    scf.for %scan3A_32 = %scan3A_16 to %scan3A_18 step %scan3A_19  : i32 {
      %mul3A_33 = arith.constant 2 : i32
      %mul3A_34 = arith.muli %scan3A_32, %mul3A_33 : i32
      %add3A_35 = arith.constant 0 : i32
      %add3A_36 = arith.addi %add3A_35, %mul3A_34 : i32
      %add3A_37 = arith.constant 0 : i32
      %add3A_38 = arith.addi %add3A_36, %add3A_37 : i32
      %dma_start3A = arith.constant 0 : i32
      %dma_start3A_39 = tpu.memref_slice %arg6[%add3A_38, %dma_start3A] : memref<50x100xi32, #tpu.memory_space<vmem>> -> memref<1x100xi32, #tpu.memory_space<vmem>>
      %dma_start3A_40 = tpu.memref_squeeze %dma_start3A_39 : memref<1x100xi32, #tpu.memory_space<vmem>> -> memref<100xi32, #tpu.memory_space<vmem>>
      %dma_start3A_41 = arith.constant 0 : i32
      %dma_start3A_42 = arith.constant 0 : i32
      %dma_start3A_43 = tpu.memref_slice %arg2[%dma_start3A_41, %dma_start3A_42] : memref<10000x128xf32, #tpu.memory_space<hbm>> -> memref<10000x128xf32, #tpu.memory_space<hbm>>
      tpu.enqueue_indirect_dma source(%dma_start3A_43 : memref<10000x128xf32, #tpu.memory_space<hbm>>) target(%arg8 : memref<100x128xf32, #tpu.memory_space<vmem>>) offsets(%dma_start3A_40 : memref<100xi32, #tpu.memory_space<vmem>>) semaphore(%arg11 : memref<!tpu.dma_semaphore, #tpu.memory_space<semaphore_mem>>)
      %add3A_44 = arith.constant 1 : i32
      %add3A_45 = arith.addi %add3A_36, %add3A_44 : i32
      %dma_start3A_46 = arith.constant 0 : i32
      %dma_start3A_47 = tpu.memref_slice %arg6[%add3A_45, %dma_start3A_46] : memref<50x100xi32, #tpu.memory_space<vmem>> -> memref<1x100xi32, #tpu.memory_space<vmem>>
      %dma_start3A_48 = tpu.memref_squeeze %dma_start3A_47 : memref<1x100xi32, #tpu.memory_space<vmem>> -> memref<100xi32, #tpu.memory_space<vmem>>
      %dma_start3A_49 = arith.constant 0 : i32
      %dma_start3A_50 = arith.constant 0 : i32
      %dma_start3A_51 = tpu.memref_slice %arg2[%dma_start3A_49, %dma_start3A_50] : memref<10000x128xf32, #tpu.memory_space<hbm>> -> memref<10000x128xf32, #tpu.memory_space<hbm>>
      tpu.enqueue_indirect_dma source(%dma_start3A_51 : memref<10000x128xf32, #tpu.memory_space<hbm>>) target(%arg9 : memref<100x128xf32, #tpu.memory_space<vmem>>) offsets(%dma_start3A_48 : memref<100xi32, #tpu.memory_space<vmem>>) semaphore(%arg12 : memref<!tpu.dma_semaphore, #tpu.memory_space<semaphore_mem>>)
      %dma_wait3A = arith.constant 0 : i32
      %dma_wait3A_52 = tpu.memref_slice %arg6[%add3A_38, %dma_wait3A] : memref<50x100xi32, #tpu.memory_space<vmem>> -> memref<1x100xi32, #tpu.memory_space<vmem>>
      %dma_wait3A_53 = tpu.memref_squeeze %dma_wait3A_52 : memref<1x100xi32, #tpu.memory_space<vmem>> -> memref<100xi32, #tpu.memory_space<vmem>>
      %dma_wait3A_54 = arith.constant 0 : i32
      %dma_wait3A_55 = arith.constant 0 : i32
      %dma_wait3A_56 = tpu.memref_slice %arg2[%dma_wait3A_54, %dma_wait3A_55] : memref<10000x128xf32, #tpu.memory_space<hbm>> -> memref<10000x128xf32, #tpu.memory_space<hbm>>
      tpu.wait_indirect_dma semaphore(%arg11 : memref<!tpu.dma_semaphore, #tpu.memory_space<semaphore_mem>>) src(%dma_wait3A_56 : memref<10000x128xf32, #tpu.memory_space<hbm>>) dst(%arg8 : memref<100x128xf32, #tpu.memory_space<vmem>>)
      %add3A_57 = arith.constant 0 : i32
      %add3A_58 = arith.addi %add3A_36, %add3A_57 : i32
      "tpu.region"() ({
        %run_scoped3A_67 = tpu.sem_alloc : memref<!tpu.dma_semaphore, #tpu.memory_space<semaphore_mem>>
        %dma_start3A_68 = arith.constant 0 : i32
        %dma_start3A_69 = tpu.memref_slice %arg7[%add3A_58, %dma_start3A_68] : memref<50x100xi32, #tpu.memory_space<vmem>> -> memref<1x100xi32, #tpu.memory_space<vmem>>
        %dma_start3A_70 = tpu.memref_squeeze %dma_start3A_69 : memref<1x100xi32, #tpu.memory_space<vmem>> -> memref<100xi32, #tpu.memory_space<vmem>>
        %dma_start3A_71 = arith.constant 0 : i32
        %dma_start3A_72 = arith.constant 0 : i32
        %dma_start3A_73 = tpu.memref_slice %arg10[%dma_start3A_71, %dma_start3A_72] : memref<10000x128xf32, #tpu.memory_space<vmem_shared>> -> memref<10000x128xf32, #tpu.memory_space<vmem_shared>>
        tpu.enqueue_indirect_dma source(%arg8 : memref<100x128xf32, #tpu.memory_space<vmem>>) target(%dma_start3A_73 : memref<10000x128xf32, #tpu.memory_space<vmem_shared>>) offsets(%dma_start3A_70 : memref<100xi32, #tpu.memory_space<vmem>>) semaphore(%run_scoped3A_67 : memref<!tpu.dma_semaphore, #tpu.memory_space<semaphore_mem>>) {add = true}
        %dma_wait3A_74 = arith.constant 0 : i32
        %dma_wait3A_75 = tpu.memref_slice %arg7[%add3A_58, %dma_wait3A_74] : memref<50x100xi32, #tpu.memory_space<vmem>> -> memref<1x100xi32, #tpu.memory_space<vmem>>
        %dma_wait3A_76 = tpu.memref_squeeze %dma_wait3A_75 : memref<1x100xi32, #tpu.memory_space<vmem>> -> memref<100xi32, #tpu.memory_space<vmem>>
        %dma_wait3A_77 = arith.constant 0 : i32
        %dma_wait3A_78 = arith.constant 0 : i32
        %dma_wait3A_79 = tpu.memref_slice %arg10[%dma_wait3A_77, %dma_wait3A_78] : memref<10000x128xf32, #tpu.memory_space<vmem_shared>> -> memref<10000x128xf32, #tpu.memory_space<vmem_shared>>
        tpu.wait_indirect_dma semaphore(%run_scoped3A_67 : memref<!tpu.dma_semaphore, #tpu.memory_space<semaphore_mem>>) src(%arg8 : memref<100x128xf32, #tpu.memory_space<vmem>>) dst(%dma_wait3A_79 : memref<10000x128xf32, #tpu.memory_space<vmem_shared>>)
        tpu.yield
      }) : () -> ()
      %dma_wait3A_59 = arith.constant 0 : i32
      %dma_wait3A_60 = tpu.memref_slice %arg6[%add3A_45, %dma_wait3A_59] : memref<50x100xi32, #tpu.memory_space<vmem>> -> memref<1x100xi32, #tpu.memory_space<vmem>>
      %dma_wait3A_61 = tpu.memref_squeeze %dma_wait3A_60 : memref<1x100xi32, #tpu.memory_space<vmem>> -> memref<100xi32, #tpu.memory_space<vmem>>
      %dma_wait3A_62 = arith.constant 0 : i32
      %dma_wait3A_63 = arith.constant 0 : i32
      %dma_wait3A_64 = tpu.memref_slice %arg2[%dma_wait3A_62, %dma_wait3A_63] : memref<10000x128xf32, #tpu.memory_space<hbm>> -> memref<10000x128xf32, #tpu.memory_space<hbm>>
      tpu.wait_indirect_dma semaphore(%arg12 : memref<!tpu.dma_semaphore, #tpu.memory_space<semaphore_mem>>) src(%dma_wait3A_64 : memref<10000x128xf32, #tpu.memory_space<hbm>>) dst(%arg9 : memref<100x128xf32, #tpu.memory_space<vmem>>)
      %add3A_65 = arith.constant 1 : i32
      %add3A_66 = arith.addi %add3A_36, %add3A_65 : i32
      "tpu.region"() ({
        %run_scoped3A_67 = tpu.sem_alloc : memref<!tpu.dma_semaphore, #tpu.memory_space<semaphore_mem>>
        %dma_start3A_68 = arith.constant 0 : i32
        %dma_start3A_69 = tpu.memref_slice %arg7[%add3A_66, %dma_start3A_68] : memref<50x100xi32, #tpu.memory_space<vmem>> -> memref<1x100xi32, #tpu.memory_space<vmem>>
        %dma_start3A_70 = tpu.memref_squeeze %dma_start3A_69 : memref<1x100xi32, #tpu.memory_space<vmem>> -> memref<100xi32, #tpu.memory_space<vmem>>
        %dma_start3A_71 = arith.constant 0 : i32
        %dma_start3A_72 = arith.constant 0 : i32
        %dma_start3A_73 = tpu.memref_slice %arg10[%dma_start3A_71, %dma_start3A_72] : memref<10000x128xf32, #tpu.memory_space<vmem_shared>> -> memref<10000x128xf32, #tpu.memory_space<vmem_shared>>
        tpu.enqueue_indirect_dma source(%arg9 : memref<100x128xf32, #tpu.memory_space<vmem>>) target(%dma_start3A_73 : memref<10000x128xf32, #tpu.memory_space<vmem_shared>>) offsets(%dma_start3A_70 : memref<100xi32, #tpu.memory_space<vmem>>) semaphore(%run_scoped3A_67 : memref<!tpu.dma_semaphore, #tpu.memory_space<semaphore_mem>>) {add = true}
        %dma_wait3A_74 = arith.constant 0 : i32
        %dma_wait3A_75 = tpu.memref_slice %arg7[%add3A_66, %dma_wait3A_74] : memref<50x100xi32, #tpu.memory_space<vmem>> -> memref<1x100xi32, #tpu.memory_space<vmem>>
        %dma_wait3A_76 = tpu.memref_squeeze %dma_wait3A_75 : memref<1x100xi32, #tpu.memory_space<vmem>> -> memref<100xi32, #tpu.memory_space<vmem>>
        %dma_wait3A_77 = arith.constant 0 : i32
        %dma_wait3A_78 = arith.constant 0 : i32
        %dma_wait3A_79 = tpu.memref_slice %arg10[%dma_wait3A_77, %dma_wait3A_78] : memref<10000x128xf32, #tpu.memory_space<vmem_shared>> -> memref<10000x128xf32, #tpu.memory_space<vmem_shared>>
        tpu.wait_indirect_dma semaphore(%run_scoped3A_67 : memref<!tpu.dma_semaphore, #tpu.memory_space<semaphore_mem>>) src(%arg9 : memref<100x128xf32, #tpu.memory_space<vmem>>) dst(%dma_wait3A_79 : memref<10000x128xf32, #tpu.memory_space<vmem_shared>>)
        tpu.yield
      }) : () -> ()
    }
    %scan3A_20 = arith.constant 25 : i32
    %barrier3A_21 = arith.constant 0 : index
    tpu.barrier barrier_id(%barrier3A_21)
    %lt3A_22 = arith.constant 15 : i32
    %lt3A_23 = arith.cmpi slt, %arg1, %lt3A_22 : i32
    %convert_element_type3A_24 = arith.extui %lt3A_23 : i1 to i32
    %cond3A_25 = arith.constant 0 : i32
    %cond3A_26 = arith.cmpi ne, %convert_element_type3A_24, %cond3A_25 : i32
    scf.if %cond3A_26 {
      "tpu.region"() ({
        %run_scoped3A_32 = tpu.sem_alloc : memref<!tpu.dma_semaphore, #tpu.memory_space<semaphore_mem>>
        %dma_start3A = arith.constant 0 : i32
        %dma_start3A_33 = tpu.memref_slice %arg5[%arg0, %multiple_of3A, %dma_start3A] : memref<2x10000x128xf32, #tpu.memory_space<hbm>> -> memref<1x640x128xf32, #tpu.memory_space<hbm>>
        %dma_start3A_34 = tpu.memref_squeeze %dma_start3A_33 : memref<1x640x128xf32, #tpu.memory_space<hbm>> -> memref<640x128xf32, #tpu.memory_space<hbm>>
        %dma_start3A_35 = arith.constant 0 : i32
        %dma_start3A_36 = tpu.memref_slice %arg10[%multiple_of3A, %dma_start3A_35] : memref<10000x128xf32, #tpu.memory_space<vmem_shared>> -> memref<640x128xf32, #tpu.memory_space<vmem_shared>>
        tpu.enqueue_dma source(%dma_start3A_36 : memref<640x128xf32, #tpu.memory_space<vmem_shared>>) target(%dma_start3A_34 : memref<640x128xf32, #tpu.memory_space<hbm>>) target_semaphore(%run_scoped3A_32 : memref<!tpu.dma_semaphore, #tpu.memory_space<semaphore_mem>>)
        %dma_wait3A = arith.constant 0 : i32
        %dma_wait3A_37 = tpu.memref_slice %arg5[%arg0, %multiple_of3A, %dma_wait3A] : memref<2x10000x128xf32, #tpu.memory_space<hbm>> -> memref<1x640x128xf32, #tpu.memory_space<hbm>>
        %dma_wait3A_38 = tpu.memref_squeeze %dma_wait3A_37 : memref<1x640x128xf32, #tpu.memory_space<hbm>> -> memref<640x128xf32, #tpu.memory_space<hbm>>
        %dma_wait3A_39 = arith.constant 0 : i32
        %dma_wait3A_40 = tpu.memref_slice %arg10[%multiple_of3A, %dma_wait3A_39] : memref<10000x128xf32, #tpu.memory_space<vmem_shared>> -> memref<640x128xf32, #tpu.memory_space<vmem_shared>>
        tpu.wait_dma2 semaphore(%run_scoped3A_32 : memref<!tpu.dma_semaphore, #tpu.memory_space<semaphore_mem>>) src(%dma_wait3A_40 : memref<640x128xf32, #tpu.memory_space<vmem_shared>>) dst(%dma_wait3A_38 : memref<640x128xf32, #tpu.memory_space<hbm>>)
        tpu.yield
      }) : () -> ()
    } else {
    }
    %eq3A_27 = arith.constant 15 : i32
    %eq3A_28 = arith.cmpi eq, %arg1, %eq3A_27 : i32
    %convert_element_type3A_29 = arith.extui %eq3A_28 : i1 to i32
    %cond3A_30 = arith.constant 0 : i32
    %cond3A_31 = arith.cmpi ne, %convert_element_type3A_29, %cond3A_30 : i32
    scf.if %cond3A_31 {
      "tpu.region"() ({
        %run_scoped3A_32 = tpu.sem_alloc : memref<!tpu.dma_semaphore, #tpu.memory_space<semaphore_mem>>
        %dma_start3A = arith.constant 9600 : i32
        %dma_start3A_33 = arith.constant 0 : i32
        %dma_start3A_34 = tpu.memref_slice %arg5[%arg0, %dma_start3A, %dma_start3A_33] : memref<2x10000x128xf32, #tpu.memory_space<hbm>> -> memref<1x400x128xf32, #tpu.memory_space<hbm>>
        %dma_start3A_35 = tpu.memref_squeeze %dma_start3A_34 : memref<1x400x128xf32, #tpu.memory_space<hbm>> -> memref<400x128xf32, #tpu.memory_space<hbm>>
        %dma_start3A_36 = arith.constant 9600 : i32
        %dma_start3A_37 = arith.constant 0 : i32
        %dma_start3A_38 = tpu.memref_slice %arg10[%dma_start3A_36, %dma_start3A_37] : memref<10000x128xf32, #tpu.memory_space<vmem_shared>> -> memref<400x128xf32, #tpu.memory_space<vmem_shared>>
        tpu.enqueue_dma source(%dma_start3A_38 : memref<400x128xf32, #tpu.memory_space<vmem_shared>>) target(%dma_start3A_35 : memref<400x128xf32, #tpu.memory_space<hbm>>) target_semaphore(%run_scoped3A_32 : memref<!tpu.dma_semaphore, #tpu.memory_space<semaphore_mem>>)
        %dma_wait3A = arith.constant 9600 : i32
        %dma_wait3A_39 = arith.constant 0 : i32
        %dma_wait3A_40 = tpu.memref_slice %arg5[%arg0, %dma_wait3A, %dma_wait3A_39] : memref<2x10000x128xf32, #tpu.memory_space<hbm>> -> memref<1x400x128xf32, #tpu.memory_space<hbm>>
        %dma_wait3A_41 = tpu.memref_squeeze %dma_wait3A_40 : memref<1x400x128xf32, #tpu.memory_space<hbm>> -> memref<400x128xf32, #tpu.memory_space<hbm>>
        %dma_wait3A_42 = arith.constant 9600 : i32
        %dma_wait3A_43 = arith.constant 0 : i32
        %dma_wait3A_44 = tpu.memref_slice %arg10[%dma_wait3A_42, %dma_wait3A_43] : memref<10000x128xf32, #tpu.memory_space<vmem_shared>> -> memref<400x128xf32, #tpu.memory_space<vmem_shared>>
        tpu.wait_dma2 semaphore(%run_scoped3A_32 : memref<!tpu.dma_semaphore, #tpu.memory_space<semaphore_mem>>) src(%dma_wait3A_44 : memref<400x128xf32, #tpu.memory_space<vmem_shared>>) dst(%dma_wait3A_41 : memref<400x128xf32, #tpu.memory_space<hbm>>)
        tpu.yield
      }) : () -> ()
    } else {
    }
    return
  }
}

module attributes {stable_mosaic.version = 14 : i64} {
  func.func @_lin1_body(%arg0: i32, %arg1: memref<1000x128xf32, #tpu.memory_space<vmem>>, %arg2: memref<128x128xf32, #tpu.memory_space<vmem>>, %arg3: memref<1x128xf32, #tpu.memory_space<vmem>>, %arg4: memref<1000x128xf32, #tpu.memory_space<vmem>>) attributes {dimension_semantics = [#tpu.dimension_semantics<arbitrary>], iteration_bounds = array<i64: 10>, scalar_prefetch = 0 : i64, scratch_operands = 0 : i64, tpu.core_type = #tpu.core_type<tc>, window_params = [{transform_indices = @transform_0, window_bounds = array<i64: 1000, 128>}, {pipeline_mode = #tpu.pipeline_mode<synchronous>, transform_indices = @transform_1, window_bounds = array<i64: 128, 128>}, {pipeline_mode = #tpu.pipeline_mode<synchronous>, transform_indices = @transform_2, window_bounds = array<i64: 1, 128>}, {transform_indices = @transform_3, window_bounds = array<i64: 1000, 128>}]} {
    %get3A = arith.constant 0 : index
    %get3A_0 = arith.constant 0 : index
    %get3A_1 = vector.load %arg1[%get3A, %get3A_0] : memref<1000x128xf32, #tpu.memory_space<vmem>>, vector<1000x128xf32>
    %get3A_2 = arith.constant 0 : index
    %get3A_3 = arith.constant 0 : index
    %get3A_4 = vector.load %arg2[%get3A_2, %get3A_3] : memref<128x128xf32, #tpu.memory_space<vmem>>, vector<128x128xf32>
    %dot_general3A = arith.constant dense<0.000000e+00> : vector<1000x128xf32>
    %dot_general3A_5 = tpu.matmul %get3A_1, %get3A_4, %dot_general3A {dimension_numbers = #tpu.dot_dimension_numbers<[1], [0], [0], [1], [0, 0, 1, 1], [], []>, transpose_lhs_hint = false} : vector<1000x128xf32>, vector<128x128xf32>, vector<1000x128xf32> -> vector<1000x128xf32>
    %get3A_6 = arith.constant 0 : index
    %get3A_7 = arith.constant 0 : index
    %get3A_8 = vector.load %arg3[%get3A_6, %get3A_7] : memref<1x128xf32, #tpu.memory_space<vmem>>, vector<1x128xf32>
    %add3A = vector.broadcast %get3A_8 : vector<1x128xf32> to vector<1000x128xf32>
    %add3A_9 = arith.addf %dot_general3A_5, %add3A : vector<1000x128xf32>
    %swap3A = arith.constant 0 : index
    %swap3A_10 = arith.constant 0 : index
    %swap3A_11 = vector.load %arg4[%swap3A, %swap3A_10] : memref<1000x128xf32, #tpu.memory_space<vmem>>, vector<1000x128xf32>
    tpu.vector_store %arg4[%swap3A, %swap3A_10], %add3A_9 {strides = array<i32>} : memref<1000x128xf32, #tpu.memory_space<vmem>>, vector<1000x128xf32>,
    return
  }
  func.func @transform_0(%arg0: i32) -> (i32, i32) {
    %c0_i32 = arith.constant 0 : i32
    %c0_i32_0 = arith.constant 0 : i32
    return %arg0, %c0_i32 : i32, i32
  }
  func.func @transform_1(%arg0: i32) -> (i32, i32) {
    %c0_i32 = arith.constant 0 : i32
    %c0_i32_0 = arith.constant 0 : i32
    %c0_i32_1 = arith.constant 0 : i32
    return %c0_i32, %c0_i32_0 : i32, i32
  }
  func.func @transform_2(%arg0: i32) -> (i32, i32) {
    %c0_i32 = arith.constant 0 : i32
    %c0_i32_0 = arith.constant 0 : i32
    %c0_i32_1 = arith.constant 0 : i32
    return %c0_i32, %c0_i32_0 : i32, i32
  }
  func.func @transform_3(%arg0: i32) -> (i32, i32) {
    %c0_i32 = arith.constant 0 : i32
    %c0_i32_0 = arith.constant 0 : i32
    return %arg0, %c0_i32 : i32, i32
  }
}

module attributes {stable_mosaic.version = 14 : i64} {
  func.func @_lin_relu_body(%arg0: i32, %arg1: memref<1x1000x128xf32, #tpu.memory_space<vmem>>, %arg2: memref<1x1000x128xf32, #tpu.memory_space<vmem>>, %arg3: memref<1000x128xf32, #tpu.memory_space<vmem>>, %arg4: memref<128x128xf32, #tpu.memory_space<vmem>>, %arg5: memref<1x128xf32, #tpu.memory_space<vmem>>, %arg6: memref<1000x128xf32, #tpu.memory_space<vmem>>) attributes {dimension_semantics = [#tpu.dimension_semantics<arbitrary>], iteration_bounds = array<i64: 10>, scalar_prefetch = 0 : i64, scratch_operands = 0 : i64, tpu.core_type = #tpu.core_type<tc>, window_params = [{transform_indices = @transform_0, window_bounds = array<i64: 1, 1000, 128>}, {transform_indices = @transform_1, window_bounds = array<i64: 1, 1000, 128>}, {transform_indices = @transform_2, window_bounds = array<i64: 1000, 128>}, {pipeline_mode = #tpu.pipeline_mode<synchronous>, transform_indices = @transform_3, window_bounds = array<i64: 128, 128>}, {pipeline_mode = #tpu.pipeline_mode<synchronous>, transform_indices = @transform_4, window_bounds = array<i64: 1, 128>}, {transform_indices = @transform_5, window_bounds = array<i64: 1000, 128>}]} {
    %get3A = arith.constant 0 : index
    %get3A_0 = arith.constant 0 : index
    %get3A_1 = arith.constant 0 : index
    %get3A_2 = vector.load %arg1[%get3A, %get3A_0, %get3A_1] : memref<1x1000x128xf32, #tpu.memory_space<vmem>>, vector<1x1000x128xf32>
    %get3A_3 = vector.shape_cast %get3A_2 : vector<1x1000x128xf32> to vector<1000x128xf32>
    %get3A_4 = arith.constant 0 : index
    %get3A_5 = arith.constant 0 : index
    %get3A_6 = arith.constant 0 : index
    %get3A_7 = vector.load %arg2[%get3A_4, %get3A_5, %get3A_6] : memref<1x1000x128xf32, #tpu.memory_space<vmem>>, vector<1x1000x128xf32>
    %get3A_8 = vector.shape_cast %get3A_7 : vector<1x1000x128xf32> to vector<1000x128xf32>
    %add3A = arith.addf %get3A_3, %get3A_8 : vector<1000x128xf32>
    %get3A_9 = arith.constant 0 : index
    %get3A_10 = arith.constant 0 : index
    %get3A_11 = vector.load %arg3[%get3A_9, %get3A_10] : memref<1000x128xf32, #tpu.memory_space<vmem>>, vector<1000x128xf32>
    %sub3A = arith.subf %add3A, %get3A_11 : vector<1000x128xf32>
    %max3A = arith.constant 0.000000e+00 : f32
    %max3A_12 = vector.broadcast %max3A : f32 to vector<1000x128xf32>
    %max3A_13 = arith.maximumf %sub3A, %max3A_12 : vector<1000x128xf32>
    %get3A_14 = arith.constant 0 : index
    %get3A_15 = arith.constant 0 : index
    %get3A_16 = vector.load %arg4[%get3A_14, %get3A_15] : memref<128x128xf32, #tpu.memory_space<vmem>>, vector<128x128xf32>
    %dot_general3A = arith.constant dense<0.000000e+00> : vector<1000x128xf32>
    %dot_general3A_17 = tpu.matmul %max3A_13, %get3A_16, %dot_general3A {dimension_numbers = #tpu.dot_dimension_numbers<[1], [0], [0], [1], [0, 0, 1, 1], [], []>, transpose_lhs_hint = false} : vector<1000x128xf32>, vector<128x128xf32>, vector<1000x128xf32> -> vector<1000x128xf32>
    %get3A_18 = arith.constant 0 : index
    %get3A_19 = arith.constant 0 : index
    %get3A_20 = vector.load %arg5[%get3A_18, %get3A_19] : memref<1x128xf32, #tpu.memory_space<vmem>>, vector<1x128xf32>
    %add3A_21 = vector.broadcast %get3A_20 : vector<1x128xf32> to vector<1000x128xf32>
    %add3A_22 = arith.addf %dot_general3A_17, %add3A_21 : vector<1000x128xf32>
    %swap3A = arith.constant 0 : index
    %swap3A_23 = arith.constant 0 : index
    %swap3A_24 = vector.load %arg6[%swap3A, %swap3A_23] : memref<1000x128xf32, #tpu.memory_space<vmem>>, vector<1000x128xf32>
    tpu.vector_store %arg6[%swap3A, %swap3A_23], %add3A_22 {strides = array<i32>} : memref<1000x128xf32, #tpu.memory_space<vmem>>, vector<1000x128xf32>,
    return
  }
  func.func @transform_0(%arg0: i32) -> (i32, i32, i32) {
    %c0_i32 = arith.constant 0 : i32
    %c0_i32_0 = arith.constant 0 : i32
    %c0_i32_1 = arith.constant 0 : i32
    return %c0_i32, %arg0, %c0_i32_0 : i32, i32, i32
  }
  func.func @transform_1(%arg0: i32) -> (i32, i32, i32) {
    %c1_i32 = arith.constant 1 : i32
    %c0_i32 = arith.constant 0 : i32
    %c0_i32_0 = arith.constant 0 : i32
    return %c1_i32, %arg0, %c0_i32 : i32, i32, i32
  }
  func.func @transform_2(%arg0: i32) -> (i32, i32) {
    %c0_i32 = arith.constant 0 : i32
    %c0_i32_0 = arith.constant 0 : i32
    return %arg0, %c0_i32 : i32, i32
  }
  func.func @transform_3(%arg0: i32) -> (i32, i32) {
    %c0_i32 = arith.constant 0 : i32
    %c0_i32_0 = arith.constant 0 : i32
    %c0_i32_1 = arith.constant 0 : i32
    return %c0_i32, %c0_i32_0 : i32, i32
  }
  func.func @transform_4(%arg0: i32) -> (i32, i32) {
    %c0_i32 = arith.constant 0 : i32
    %c0_i32_0 = arith.constant 0 : i32
    %c0_i32_1 = arith.constant 0 : i32
    return %c0_i32, %c0_i32_0 : i32, i32
  }
  func.func @transform_5(%arg0: i32) -> (i32, i32) {
    %c0_i32 = arith.constant 0 : i32
    %c0_i32_0 = arith.constant 0 : i32
    return %arg0, %c0_i32 : i32, i32
  }
}

module attributes {stable_mosaic.version = 14 : i64} {
  func.func @_pool_body(%arg0: i32, %arg1: memref<1x10000x128xf32, #tpu.memory_space<vmem>>, %arg2: memref<1x10000x128xf32, #tpu.memory_space<vmem>>, %arg3: memref<10000x128xf32, #tpu.memory_space<vmem>>, %arg4: memref<1x10000xi32, #tpu.memory_space<vmem>>, %arg5: memref<128x1xf32, #tpu.memory_space<vmem>>, %arg6: memref<1x1xf32, #tpu.memory_space<vmem>>, %arg7: memref<32x1xf32, #tpu.memory_space<vmem>>) attributes {dimension_semantics = [#tpu.dimension_semantics<arbitrary>], iteration_bounds = array<i64: 1>, scalar_prefetch = 0 : i64, scratch_operands = 0 : i64, tpu.core_type = #tpu.core_type<tc>, window_params = [{transform_indices = @transform_0, window_bounds = array<i64: 1, 10000, 128>}, {transform_indices = @transform_1, window_bounds = array<i64: 1, 10000, 128>}, {pipeline_mode = #tpu.pipeline_mode<synchronous>, transform_indices = @transform_2, window_bounds = array<i64: 10000, 128>}, {pipeline_mode = #tpu.pipeline_mode<synchronous>, transform_indices = @transform_3, window_bounds = array<i64: 1, 10000>}, {pipeline_mode = #tpu.pipeline_mode<synchronous>, transform_indices = @transform_4, window_bounds = array<i64: 128, 1>}, {pipeline_mode = #tpu.pipeline_mode<synchronous>, transform_indices = @transform_5, window_bounds = array<i64: 1, 1>}, {pipeline_mode = #tpu.pipeline_mode<synchronous>, transform_indices = @transform_6, window_bounds = array<i64: 32, 1>}]} {
    %get3A = arith.constant 0 : index
    %get3A_0 = arith.constant 0 : index
    %get3A_1 = arith.constant 0 : index
    %get3A_2 = vector.load %arg1[%get3A, %get3A_0, %get3A_1] : memref<1x10000x128xf32, #tpu.memory_space<vmem>>, vector<1x10000x128xf32>
    %get3A_3 = vector.shape_cast %get3A_2 : vector<1x10000x128xf32> to vector<10000x128xf32>
    %get3A_4 = arith.constant 0 : index
    %get3A_5 = arith.constant 0 : index
    %get3A_6 = arith.constant 0 : index
    %get3A_7 = vector.load %arg2[%get3A_4, %get3A_5, %get3A_6] : memref<1x10000x128xf32, #tpu.memory_space<vmem>>, vector<1x10000x128xf32>
    %get3A_8 = vector.shape_cast %get3A_7 : vector<1x10000x128xf32> to vector<10000x128xf32>
    %add3A = arith.addf %get3A_3, %get3A_8 : vector<10000x128xf32>
    %get3A_9 = arith.constant 0 : index
    %get3A_10 = arith.constant 0 : index
    %get3A_11 = vector.load %arg3[%get3A_9, %get3A_10] : memref<10000x128xf32, #tpu.memory_space<vmem>>, vector<10000x128xf32>
    %sub3A = arith.subf %add3A, %get3A_11 : vector<10000x128xf32>
    %get3A_12 = arith.constant 0 : index
    %get3A_13 = arith.constant 0 : index
    %get3A_14 = vector.load %arg4[%get3A_12, %get3A_13] : memref<1x10000xi32, #tpu.memory_space<vmem>>, vector<1x10000xi32>
    %iota3A = tpu.iota {dimensions = array<i32: 0>} : vector<32x1xi32>
    %eq3A = vector.broadcast %get3A_14 : vector<1x10000xi32> to vector<32x10000xi32>
    %eq3A_15 = vector.broadcast %iota3A : vector<32x1xi32> to vector<32x10000xi32>
    %eq3A_16 = arith.cmpi eq, %eq3A, %eq3A_15 : vector<32x10000xi32>
    %convert_element_type3A = arith.extui %eq3A_16 : vector<32x10000xi1> to vector<32x10000xi32>
    %convert_element_type3A_17 = arith.sitofp %convert_element_type3A : vector<32x10000xi32> to vector<32x10000xf32>
    %dot_general3A = arith.constant dense<0.000000e+00> : vector<32x128xf32>
    %dot_general3A_18 = tpu.matmul %convert_element_type3A_17, %sub3A, %dot_general3A {dimension_numbers = #tpu.dot_dimension_numbers<[1], [0], [0], [1], [0, 0, 1, 1], [], []>, transpose_lhs_hint = false} : vector<32x10000xf32>, vector<10000x128xf32>, vector<32x128xf32> -> vector<32x128xf32>
    %reduce_sum3A = arith.constant dense<0.000000e+00> : vector<32xf32>
    %reduce_sum3A_19 = vector.multi_reduction <add>, %convert_element_type3A_17, %reduce_sum3A [1] : vector<32x10000xf32> to vector<32xf32>
    %broadcast_in_dim3A = vector.shape_cast %reduce_sum3A_19 : vector<32xf32> to vector<32x1xf32>
    %max3A = arith.constant 1.000000e+00 : f32
    %max3A_20 = vector.broadcast %max3A : f32 to vector<32x1xf32>
    %max3A_21 = arith.maximumf %broadcast_in_dim3A, %max3A_20 : vector<32x1xf32>
    %div3A = vector.broadcast %max3A_21 : vector<32x1xf32> to vector<32x128xf32>
    %div3A_22 = arith.divf %dot_general3A_18, %div3A : vector<32x128xf32>
    %get3A_23 = arith.constant 0 : index
    %get3A_24 = arith.constant 0 : index
    %get3A_25 = vector.load %arg5[%get3A_23, %get3A_24] : memref<128x1xf32, #tpu.memory_space<vmem>>, vector<128x1xf32>
    %dot_general3A_26 = arith.constant dense<0.000000e+00> : vector<32x1xf32>
    %dot_general3A_27 = tpu.matmul %div3A_22, %get3A_25, %dot_general3A_26 {dimension_numbers = #tpu.dot_dimension_numbers<[1], [0], [0], [1], [0, 0, 1, 1], [], []>, transpose_lhs_hint = false} : vector<32x128xf32>, vector<128x1xf32>, vector<32x1xf32> -> vector<32x1xf32>
    %get3A_28 = arith.constant 0 : index
    %get3A_29 = arith.constant 0 : index
    %get3A_30 = vector.load %arg6[%get3A_28, %get3A_29] : memref<1x1xf32, #tpu.memory_space<vmem>>, vector<1x1xf32>
    %add3A_31 = vector.broadcast %get3A_30 : vector<1x1xf32> to vector<32x1xf32>
    %add3A_32 = arith.addf %dot_general3A_27, %add3A_31 : vector<32x1xf32>
    %neg3A = arith.constant 0.000000e+00 : f32
    %neg3A_33 = vector.broadcast %neg3A : f32 to vector<32x1xf32>
    %neg3A_34 = arith.subf %neg3A_33, %add3A_32 : vector<32x1xf32>
    %exp3A = math.exp %neg3A_34 : vector<32x1xf32>
    %add3A_35 = arith.constant 1.000000e+00 : f32
    %add3A_36 = vector.broadcast %add3A_35 : f32 to vector<32x1xf32>
    %add3A_37 = arith.addf %add3A_36, %exp3A : vector<32x1xf32>
    %div3A_38 = arith.constant 1.000000e+00 : f32
    %div3A_39 = vector.broadcast %div3A_38 : f32 to vector<32x1xf32>
    %div3A_40 = arith.divf %div3A_39, %add3A_37 : vector<32x1xf32>
    %swap3A = arith.constant 0 : index
    %swap3A_41 = arith.constant 0 : index
    %swap3A_42 = vector.load %arg7[%swap3A, %swap3A_41] : memref<32x1xf32, #tpu.memory_space<vmem>>, vector<32x1xf32>
    tpu.vector_store %arg7[%swap3A, %swap3A_41], %div3A_40 {strides = array<i32>} : memref<32x1xf32, #tpu.memory_space<vmem>>, vector<32x1xf32>,
    return
  }
  func.func @transform_0(%arg0: i32) -> (i32, i32, i32) {
    %c0_i32 = arith.constant 0 : i32
    %c0_i32_0 = arith.constant 0 : i32
    %c0_i32_1 = arith.constant 0 : i32
    %c0_i32_2 = arith.constant 0 : i32
    return %c0_i32, %c0_i32_0, %c0_i32_1 : i32, i32, i32
  }
  func.func @transform_1(%arg0: i32) -> (i32, i32, i32) {
    %c1_i32 = arith.constant 1 : i32
    %c0_i32 = arith.constant 0 : i32
    %c0_i32_0 = arith.constant 0 : i32
    %c0_i32_1 = arith.constant 0 : i32
    return %c1_i32, %c0_i32, %c0_i32_0 : i32, i32, i32
  }
  func.func @transform_2(%arg0: i32) -> (i32, i32) {
    %c0_i32 = arith.constant 0 : i32
    %c0_i32_0 = arith.constant 0 : i32
    %c0_i32_1 = arith.constant 0 : i32
    return %c0_i32, %c0_i32_0 : i32, i32
  }
  func.func @transform_3(%arg0: i32) -> (i32, i32) {
    %c0_i32 = arith.constant 0 : i32
    %c0_i32_0 = arith.constant 0 : i32
    %c0_i32_1 = arith.constant 0 : i32
    return %c0_i32, %c0_i32_0 : i32, i32
  }
  func.func @transform_4(%arg0: i32) -> (i32, i32) {
    %c0_i32 = arith.constant 0 : i32
    %c0_i32_0 = arith.constant 0 : i32
    %c0_i32_1 = arith.constant 0 : i32
    return %c0_i32, %c0_i32_0 : i32, i32
  }
  func.func @transform_5(%arg0: i32) -> (i32, i32) {
    %c0_i32 = arith.constant 0 : i32
    %c0_i32_0 = arith.constant 0 : i32
    %c0_i32_1 = arith.constant 0 : i32
    return %c0_i32, %c0_i32_0 : i32, i32
  }
  func.func @transform_6(%arg0: i32) -> (i32, i32) {
    %c0_i32 = arith.constant 0 : i32
    %c0_i32_0 = arith.constant 0 : i32
    %c0_i32_1 = arith.constant 0 : i32
    return %c0_i32, %c0_i32_0 : i32, i32
  }
}

</mosaic_0001>

<sc_bundles>
// kernel: kernel.11.cloned.1.call-start
scs
__scs_entry_jumppad:
0x0: {  	(pc) =	sbr.rel $0x88, $3  }
0x1: {  	(tag) =	ssettag $0x0;
	lr =	simm.s32 $0x1  }
0x2: {  	[smem:$0x3F94] =	sst lr;
	_ =	strace $0xD0000000  }
0x3: {  	_ = 	snop  }
0x4: {  	_ = 	snop  }
0x5: {  	_ = 	snop  }
0x6: {  	_ = 	snop  }
0x7: {  	_ = 	snop  }
__scs_overlays_trampoline_lowered:
0x8: {  	[smem:$0x3FA3] =	sst s0  }
0x9: {  	[smem:$0x3FA4] =	sst s1  }
0xa: {  	[smem:$0x3FA5] =	sst s2  }
0xb: {  	[smem:$0x3FA6] =	sst s3  }
0xc: {  	[smem:$0x3FA7] =	sst s4  }
0xd: {  	[smem:$0x3FA8] =	sst s5  }
0xe: {  	[smem:$0x3FA9] =	sst s6  }
0xf: {  	[smem:$0x3FAA] =	sst s7  }
0x10: {  	[smem:$0x3FAB] =	sst s8  }
0x11: {  	[smem:$0x3FAC] =	sst s9;
	s0 =	simm.s32 @!p0 $0x0  }
0x12: {  	s1 =	sld [smem:$0x3F92];
	s0 =	simm.s32 @p0 $0x1  }
0x13: {  	[smem:$0x3FAD] =	sst s0;
	s0 =	simm.s32 @!p1 $0x0  }
0x14: {  	s2 =	sld [smem:$0x3F91];
	s0 =	simm.s32 @p1 $0x1  }
0x15: {  	[smem:$0x3FAE] =	sst s0;
	s0 =	simm.s32 @!p2 $0x0  }
0x16: {  	s3 =	sld [smem:$0x3FDB];
	s0 =	simm.s32 @p2 $0x1  }
0x17: {  	s4 =	simm.s32 $0x1BF5;
	[smem:$0x3FB0] =	sst s0  }
0x18: {  	s0 =	sld [smem:$0x3F93];
	_ =	swait.ge [sflag:s4], $0x0  }
0x19: {  	s7 =	sld [smem:$0x3F94]  }
0x1a: {  	s8 =	sadd.s32 $0xFFFFE003, lr  }
0x1b: {  	s9 =	sadd.s32 $0xFFFFFEF7, lr;
	s5 =	simm.s32 $0xFFFFFFFF;
	p2 =	slt.u32 s8, $0xFFFFF086  }
0x1c: {  	p1 =	slt.u32 s9, $0xF7A;
	s5 =	simm.s32 @!p2 $0x0  }
0x1d: {  	s5 =	simm.s32 @p1 $0x1;
	p0 =	seq.s32 s7, s2  }
0x1e: {  	s7 =	smul.u32 @!p0 $0xF7A, s2;
	p2 =	seq.s32 @!p0 s5, $0x0  }
0x1f: {  	s9 =	smul.u32 $0xF7A, s1;
	s8 =	simm.s32 @!p0 $0x1BF5;
	p2 =	por !p2, p0  }
0x20: {  	[sflag:s8] =	ssyncset.s32 @!p0 $0xFFFFF086;
	s6 =	sadd.s32 @!p0 s3, s7;
	s7 =	simm.s32 @!p0 $0x108  }
0x21: {  	s3 =	sadd.s32 s3, s9;
	s6 =	sadd.s32 @!p0 $0x88, s6;
	s7 =	simm.s32 @p2 $0x1082  }
0x22: {  	[simem:s7], [sflag:s8] =	dma.local @!p0 [hbm:s6], $0xF7A  }
0x23: {  	s9 =	sor.u32 $0xD0000000, s2;
	s6 =	simm.s32 $0x108;
	_ =	swait.ge @!p0 [sflag:s8], $0x0  }
0x24: {  	s3 =	sadd.s32 $0x88, s3;
	s6 =	simm.s32 @!p1 $0x1082;
	[sflag:s4] =	ssyncset.s32 $0xFFFFF086  }
0x25: {  	[simem:s6], [sflag:s4] =	dma.local [hbm:s3], $0xF7A  }
0x26: {  	[smem:$0x3F94] =	sst s1;
	(tag) =	ssettag s2;
	_ =	strace s9  }
0x27: {  	s1 =	sld [smem:$0x3FA4]  }
0x28: {  	s2 =	sld [smem:$0x3FA5]  }
0x29: {  	s4 =	sld [smem:$0x3FA7]  }
0x2a: {  	p0 =	seq.s32 s5, $0x0;
	s5 =	sld [smem:$0x3FA8]  }
0x2b: {  	s6 =	sld [smem:$0x3FA9]  }
0x2c: {  	s7 =	sld [smem:$0x3FAA]  }
0x2d: {  	s3 =	simm.s32 $0x108;
	s8 =	sld [smem:$0x3FAB]  }
0x2e: {  	s3 =	simm.s32 @!p0 $0x1082;
	s9 =	sld [smem:$0x3FAC]  }
0x2f: {  	lr =	sadd.s32 s0, s3;
	s0 =	sld [smem:$0x3FA3]  }
0x30: {  	s3 =	sld [smem:$0x3FA6]  }
0x31: {  	[smem:$0x3FAF] =	sst s10  }
0x32: {  	s10 =	sld [smem:$0x3FAD];
	_ =	sdelay $0x3  }
0x33: {  	p0 =	seq.s32 s10, $0x1;
	s10 =	sld [smem:$0x3FAF];
	_ =	sdelay $0x3  }
0x34: {  	[smem:$0x3FAF] =	sst s10  }
0x35: {  	s10 =	sld [smem:$0x3FAE];
	_ =	sdelay $0x3  }
0x36: {  	p1 =	seq.s32 s10, $0x1;
	s10 =	sld [smem:$0x3FAF];
	_ =	sdelay $0x3  }
0x37: {  	[smem:$0x3FAF] =	sst s10  }
0x38: {  	s10 =	sld [smem:$0x3FB0]  }
0x39: {  	_ = 	snop;
	(pc) =	sbr.ind lr, $3  }
0x3a: {  	_ = 	snop  }
0x3b: {  	_ = 	snop  }
0x3c: {  	p2 =	seq.s32 s10, $0x1;
	s10 =	sld [smem:$0x3FAF]  }
0x3d: {  	_ =	shalt  }
0x3e: {  	_ =	shalt  }
0x3f: {  	_ =	shalt  }
0x40: {  	_ =	shalt  }
0x41: {  	_ =	shalt  }
0x42: {  	_ =	shalt  }
0x43: {  	_ =	shalt  }
0x44: {  	_ =	shalt  }
0x45: {  	_ =	shalt  }
0x46: {  	_ =	shalt  }
0x47: {  	_ =	shalt  }
0x48: {  	_ =	shalt  }
0x49: {  	_ =	shalt  }
0x4a: {  	_ =	shalt  }
0x4b: {  	_ =	shalt  }
0x4c: {  	_ =	shalt  }
0x4d: {  	_ =	shalt  }
0x4e: {  	_ =	shalt  }
0x4f: {  	_ =	shalt  }
0x50: {  	_ =	shalt  }
0x51: {  	_ =	shalt  }
0x52: {  	_ =	shalt  }
0x53: {  	_ =	shalt  }
0x54: {  	_ =	shalt  }
0x55: {  	_ =	shalt  }
0x56: {  	_ =	shalt  }
0x57: {  	_ =	shalt  }
0x58: {  	_ =	shalt  }
0x59: {  	_ =	shalt  }
0x5a: {  	_ =	shalt  }
0x5b: {  	_ =	shalt  }
0x5c: {  	_ =	shalt  }
0x5d: {  	_ =	shalt  }
0x5e: {  	_ =	shalt  }
0x5f: {  	_ =	shalt  }
0x60: {  	_ =	shalt  }
0x61: {  	_ =	shalt  }
0x62: {  	_ =	shalt  }
0x63: {  	_ =	shalt  }
0x64: {  	_ =	shalt  }
0x65: {  	_ =	shalt  }
0x66: {  	_ =	shalt  }
0x67: {  	_ =	shalt  }
0x68: {  	_ =	shalt  }
0x69: {  	_ =	shalt  }
0x6a: {  	_ =	shalt  }
0x6b: {  	_ =	shalt  }
0x6c: {  	_ =	shalt  }
0x6d: {  	_ =	shalt  }
0x6e: {  	_ =	shalt  }
0x6f: {  	_ =	shalt  }
0x70: {  	_ =	shalt  }
0x71: {  	_ =	shalt  }
0x72: {  	_ =	shalt  }
0x73: {  	_ =	shalt  }
0x74: {  	_ =	shalt  }
0x75: {  	_ =	shalt  }
0x76: {  	_ =	shalt  }
0x77: {  	_ =	shalt  }
0x78: {  	_ =	shalt  }
0x79: {  	_ =	shalt  }
0x7a: {  	_ =	shalt  }
0x7b: {  	_ =	shalt  }
0x7c: {  	_ =	shalt  }
0x7d: {  	_ =	shalt  }
0x7e: {  	_ =	shalt  }
0x7f: {  	_ =	shalt  }
0x80: {  	_ =	shalt  }
0x81: {  	_ =	shalt  }
0x82: {  	_ =	shalt  }
0x83: {  	_ =	shalt  }
0x84: {  	_ =	shalt  }
0x85: {  	_ =	shalt  }
0x86: {  	_ =	shalt  }
0x87: {  	_ =	shalt  }
.Lfunc_end0:
.L_simem_size_0:
called_computation_lowered:
.L_overlay_start_0:
0x88: {  	s2 =	sld [smem:$0x3FD9]  }
0x89: {  	s3 =	sld [smem:$0x3FFE];
	_ =	sdelay $0x1  }
0x8a: {  	s1 =	srdreg.scid  }
0x8b: {  	s0 =	sand.u32 $0x1, s1  }
0x8c: {  	s16 =	sshll.u32 s0, $0xA;
	s2 =	sadd.s32 s3, s2  }
0x8d: {  	s2 =	sadd.s32 s2, s16  }
0x8e: {  	[smem:$0x3FBB] =	sst s2  }
0x8f: {  	_ = 	snop  }
0x90: {  	(tm) =	ssettm $0x1  }
0x91: {  	s17 =	sld [smem:$0x3FFB];
	_ =	sdelay $0x3  }
0x92: {  	_ =	strace s17  }
0x93: {  	s2 =	sld [smem:$0x3FFC];
	_ =	sdelay $0x3  }
0x94: {  	_ =	strace s2  }
0x95: {  	s2 =	sld [smem:$0x3FFD];
	_ =	sdelay $0x3  }
0x96: {  	_ =	strace s2  }
0x97: {  	_ =	strace $0x8FFFFFFF  }
0x98: {  	s18 =	sld [smem:$0x3FDB];
	_ =	sdelay $0x1  }
0x99: {  	s19 =	simm.s32 $_scs_section_size  }
0x9a: {  	s4 =	simm.s32 $_size__tile_overlayer_lowered;
	s5 =	simm.s32 $_tile_overlayer_lowered  }
0x9b: {  	s22 =	simm.s32 $0x1BFF;
	s21 =	sshll.u32 s5, $0x1;
	s2 =	sadd.s32 s19, s18  }
0x9c: {  	s6 =	simm.s32 $0x0;
	s20 =	sshll.u32 s4, $0x1;
	s4 =	sadd.s32 s21, s2  }
0x9d: {  	[timem:s6], [sflag:s22] =	dma.local [hbm:s4], s20  }
0x9e: {  	_ =	swait.ge [sflag:s22], s20  }
0x9f: {  	s3 =	ssub.s32 $0x0, s20;
	[sflag:s22] =	ssyncset.done $0x0  }
0xa0: {  	[sflag:s22] =	ssyncadd.s32 s3;
	_ =	sdelay $0x1  }
0xa1: {  	s23 =	simm.s32 $0x1B8B  }
0xa2: {  	_ =	swait.ge [sflag:s23], $0x1  }
0xa3: {  	[sflag:s23] =	ssyncset.done $0x0  }
0xa4: {  	s25 =	simm.s32 $0x1B8E;
	s24 =	sld [smem:$0x3FFE];
	[sflag:s23] =	ssyncadd.s32 $0xFFFFFFFF  }
0xa5: {  	s26 =	simm.s32 $execute0_lowered;
	[smem:$0x3FD2] =	sst s25  }
0xa6: {  	s4 =	sshll.u32 s26, $0x1;
	_ =	strace $0x80000046;
	[dreg:$0x1] =	wrdreg $0xFFFFFFFF  }
0xa7: {  	s28 =	simm.s32 $_size_execute0_lowered;
	s2 =	sadd.s32 s2, s4;
	[dreg:$0x0] =	wrdreg $0x0  }
0xa8: {  	s4 =	sshll.u32 s28, $0x1;
	[dreg:$0x2] =	wrdreg s2  }
0xa9: {  	[dreg:$0x3] =	wrdreg s4  }
0xaa: {  	[dreg:$0x4] =	wrdreg $0xC0  }
0xab: {  	_ =	task [dreg:s6], $0x5FFFF  }
0xac: {  	[dreg:$0x1] =	wrdreg $0xFFFFFFFF  }
0xad: {  	[dreg:$0x0] =	wrdreg $0x60  }
0xae: {  	[dreg:$0x2] =	wrdreg s24  }
0xaf: {  	[dreg:$0x3] =	wrdreg $0xA0000  }
0xb0: {  	[dreg:$0x4] =	wrdreg $0x9  }
0xb1: {  	_ =	task.clear_ibuf [dreg:s6], $0x5FFFF;
	_ =	strace $0x90000046  }
0xb2: {  	s29 =	simm.s32 $0x9;
	_ =	strace $0x80000048  }
0xb3: {  	_ =	swait.ge [sflag:s29], $0x1  }
0xb4: {  	[sflag:s29] =	ssyncadd.s32 $0xFFFFFFFF  }
0xb5: {  	_ =	strace $0x90000048  }
0xb6: {  	_ =	sfence  }
0xb7: {  	s30 =	sld [smem:$0x0];
	_ =	sdelay $0x2  }
0xb8: {  	s31 =	sshll.u32 s1, $0xD;
	s1 =	sshrl.u32 s1, $0x2  }
0xb9: {  	s3 =	sand.u32 $0x4000, s31;
	s1 =	sadd.s32 s1, s30  }
0xba: {  	s0 =	sor.u32 s3, s0;
	s1 =	sshll.u32 s1, $0x11  }
0xbb: {  	s0 =	sor.u32 s1, s0  }
0xbc: {  	s0 =	sadd.s32 $0x8F2B, s0  }
0xbd: {  	[sflag:s0] =	ssyncadd.remote.s32 $0x1  }
0xbe: {  	_ =	sfence.sel $0xFFFF  }
0xbf: {  	[dreg:$0x0] =	wrdreg $0xFFFFFFFF;
	(pc) =	sbr.abs _section_cstart, $3  }
0xc0: {  	[dreg:$0x1] =	wrdreg $0xFFFFFFFF  }
0xc1: {  	_ =	task.clear_ibuf [dreg:s6], $0x2FFFF;
	_ =	strace $0x9FFFFFFF  }
0xc2: {  	(tm) =	ssettm $0x7FFFFFFF  }
0xc3: {  	_ =	shalt  }
tec
execute0_lowered:
.L_overlay_start_1:
0x0: {  	(tag) =	ssettag $0x1  }
0x1: {  	s6 =	rddreg [dreg:$0x0]  }
0x2: {  	s1 =	rddreg [dreg:$0x1]  }
0x3: {  	s0 =	rddreg [dreg:$0x2]  }
0x4: {  	s2 =	simm.s32 $0x0;
	s5 =	srdreg.scid;
	s4 =	stileid.u32  }
0x5: {  	s18 =	simm.s32 $0x1C00;
	s19 =	simm.s32 $0x64;
	s20 =	simm.s32 $0x3800  }
0x6: {  	s21 =	simm.s32 $0x6C00;
	s22 =	simm.s32 $0x1;
	s23 =	simm.s32 $0x2  }
0x7: {  	s24 =	simm.s32 $0x0;
	[smem:$0x7FF] =	sst s2;
	s3 =	sadd.s32 $0x1F600, s6  }
0x8: {  	s9 =	sadd.s32 $0x3600, s6;
	s10 =	sadd.s32 $0x11600, s6;
	s11 =	sadd.s32 $0x46800, s6  }
0x9: {  	s7 =	sand.u32 $0x1, s5;
	s25 =	sshll.u32 s4, $0x1;
	s8 =	smul.u32 $0x50000, s4  }
0xa: {  	s13 =	smul.u32 $0x2800, s4;
	s17 =	sadd.s32 $0x12C000, s1;
	s6 =	sadd.s32 $0x44E00, s6  }
0xb: {  	s30 =	smul.u32 $0x14000, s4;
	p0 =	seq.s32 s4, $0xF;
	_ =	strace $0x80000047  }
0xc: {  	s12 =	ssub.s32 $0x2, s7;
	s5 =	sor.u32 s7, s25;
	s28 =	smul.u32 $0x138800, s7  }
0xd: {  	s14 =	sshrl.u32 s12, $0x1;
	s8 =	sshrl.u32 s8, $0x2;
	s15 =	smul.u32 $0x3800, s5  }
0xe: {  	s5 =	sadd.s32 s3, s13;
	s14 =	ssub.s32 s12, s14;
	s16 =	sadd.s32 s8, s1  }
0xf: {  	s31 =	sadd.s32 s30, s28;
	s12 =	sshrl.u32 s28, $0x3;
	s26 =	sshrl.u32 s15, $0x3  }
0x10: {  	s13 =	sshrl.u32 s31, $0x3;
	s12 =	sadd.s32 s11, s12;
	s15 =	sshll.u32 @!p0 s4, $0x6  }
0x11: {  	s16 =	sshrl.u32 @!p0 s16, $0x3;
	s29 =	sadd.s32 $0x380, s26;
	s7 =	sadd.s32 s9, s26  }
0x12: {  	s8 =	sadd.s32 s10, s26;
	s11 =	sadd.s32 s11, s13;
	s12 =	sadd.s32 $0x25800, s12  }
0x13: {  	s13 =	smax.u32 s14, $0x1;
	s14 =	sshrl.u32 @p0 s17, $0x3;
	s15 =	sor.u32 @!p0 $0x1C03, s15  }
0x14: {  	s17 =	simm.s32 $0x3;
	s9 =	sadd.s32 s9, s29;
	s10 =	sadd.s32 s10, s29  }
.LBB2_1:
0x15: {  	s25 =	simm.s32 @p0 $0x1FC3  }
0x16: {  	[spmem:s14], [sflag:s25] =	dma.local @p0 [hbm:s6], $0x1900  }
0x17: {  	s25 =	simm.s32 @p0 $0x3  }
0x18: {  	_ =	swait.ge @p0 [sflag:s25], $0x1900  }
0x19: {  	[sflag:s25] =	ssyncset.done @p0 $0x0  }
0x1a: {  	[sflag:s25] =	ssyncadd.s32 @p0 $0xFFFFE700;
	s25 =	simm.s32 @!p0 $0x3  }
0x1b: {  	[spmem:s16], [sflag:s15] =	dma.local @!p0 [hbm:s5], $0x2800  }
0x1c: {  	_ =	swait.ge @!p0 [sflag:s25], $0x2800  }
0x1d: {  	[sflag:s25] =	ssyncset.done @!p0 $0x0  }
0x1e: {  	[sflag:s25] =	ssyncadd.s32 @!p0 $0xFFFFD800  }
0x1f: {  	[bflag:$0x0] =	sbarrier.arrive $0xFFFF  }
0x20: {  	[tilespmem:s2], [sflag:$0x3] =	stream.linear.gather [hbm4b:s7+s2], $0x1900, $0x38;
	[tilespmem:$0x1D880] =	vst v63  }
0x21: {  	_ =	swait.ge [sflag:s17], $0x1900  }
0x22: {  	[sflag:s17] =	ssyncset.done $0x0  }
0x23: {  	[sflag:s17] =	ssyncadd.s32 $0xFFFFE700  }
0x24: {  	[tilespmem:s18], [sflag:$0x3] =	stream.linear.gather [hbm4b:s8+s2], $0x1900, $0x38;
	[tilespmem:$0x1D880] =	vst v63  }
0x25: {  	_ =	swait.ge [sflag:s17], $0x1900  }
0x26: {  	[sflag:s17] =	ssyncset.done $0x0  }
0x27: {  	s28 =	simm.s32 $0x0;
	[sflag:s17] =	ssyncadd.s32 $0xFFFFE700  }
0x28: {  	[tilespmem:s20], [sflag:$0x1] =	stream.indirect.gather [hbm4b:s3+s19], $0x80, s28, s19, $0xb8;
	[tilespmem:$0x1D880] =	vst v63  }
0x29: {  	s29 =	simm.s32 $0x80  }
0x2a: {  	[tilespmem:s21], [sflag:$0x2] =	stream.indirect.gather [hbm4b:s3+s19], $0x80, s29, s19, $0xb8;
	[tilespmem:$0x1D880] =	vst v63  }
0x2b: {  	_ =	swait.ge [sflag:s22], $0x3200  }
0x2c: {  	[sflag:s22] =	ssyncset.done $0x0  }
0x2d: {  	s30 =	simm.s32 $0x1C00;
	[sflag:s22] =	ssyncadd.s32 $0xFFFFCE00  }
0x2e: {  	[spmem:s1] =	stream.indirect.scatter.add.f32 [tilespmem:s20], [sflag:$0x3], $0x80, s30, s19, $0xb8;
	[tilespmem:$0x1D880] =	vst v63  }
0x2f: {  	_ =	swait.ge [sflag:s17], $0x3200  }
0x30: {  	[sflag:s17] =	ssyncset.done $0x0  }
0x31: {  	[sflag:s17] =	ssyncadd.s32 $0xFFFFCE00  }
0x32: {  	_ =	swait.ge [sflag:s23], $0x3200  }
0x33: {  	[sflag:s23] =	ssyncset.done $0x0  }
0x34: {  	s31 =	simm.s32 $0x1C80;
	[sflag:s23] =	ssyncadd.s32 $0xFFFFCE00  }
0x35: {  	[spmem:s1] =	stream.indirect.scatter.add.f32 [tilespmem:s21], [sflag:$0x3], $0x80, s31, s19, $0xb8;
	[tilespmem:$0x1D880] =	vst v63  }
0x36: {  	_ =	swait.ge [sflag:s17], $0x3200  }
0x37: {  	s26 =	simm.s32 $0x800;
	s25 =	simm.s32 $0x400;
	[sflag:s17] =	ssyncset.done $0x0  }
.LBB2_2:
0x38: {  	s28 =	sshra.s32 s25, $0x2  }
0x39: {  	[sflag:s17] =	ssyncadd.s32 $0xFFFFCE00;
	s25 =	smov.u32 s26;
	s29 =	sadd.s32 $0x400, s26  }
0x3a: {  	[tilespmem:s20], [sflag:$0x1] =	stream.indirect.gather [hbm4b:s3+s19], $0x80, s28, s19, $0xb8;
	[tilespmem:$0x1D880] =	vst v63  }
0x3b: {  	p1 =	sne.s32 s26, $0x6000;
	s26 =	sadd.s32 $0x80, s28  }
0x3c: {  	[tilespmem:s21], [sflag:$0x2] =	stream.indirect.gather [hbm4b:s3+s19], $0x80, s26, s19, $0xb8;
	[tilespmem:$0x1D880] =	vst v63  }
0x3d: {  	_ =	swait.ge [sflag:s22], $0x3200  }
0x3e: {  	[sflag:s22] =	ssyncset.done $0x0  }
0x3f: {  	s26 =	sadd.s32 $0x1C00, s28;
	[sflag:s22] =	ssyncadd.s32 $0xFFFFCE00  }
0x40: {  	[spmem:s1] =	stream.indirect.scatter.add.f32 [tilespmem:s20], [sflag:$0x3], $0x80, s26, s19, $0xb8;
	[tilespmem:$0x1D880] =	vst v63  }
0x41: {  	_ =	swait.ge [sflag:s17], $0x3200  }
0x42: {  	[sflag:s17] =	ssyncset.done $0x0  }
0x43: {  	[sflag:s17] =	ssyncadd.s32 $0xFFFFCE00  }
0x44: {  	_ =	swait.ge [sflag:s23], $0x3200  }
.Ltmp0:
0x45: {  	[sflag:s23] =	ssyncset.done $0x0;
	(pc) =	sbr.rel @p1 .LBB2_2-.Ltmp0, $4  }
0x46: {  	s26 =	sadd.s32 $0x1C80, s28;
	[sflag:s23] =	ssyncadd.s32 $0xFFFFCE00  }
0x47: {  	[spmem:s1] =	stream.indirect.scatter.add.f32 [tilespmem:s21], [sflag:$0x3], $0x80, s26, s19, $0xb8;
	[tilespmem:$0x1D880] =	vst v63  }
0x48: {  	_ =	swait.ge [sflag:s17], $0x3200  }
0x49: {  	s26 =	smov.u32 s29;
	[sflag:s17] =	ssyncset.done $0x0  }
0x4a: {  	s25 =	sshra.s32 s25, $0x2;
	[sflag:s17] =	ssyncadd.s32 $0xFFFFCE00  }
0x4b: {  	[tilespmem:s20], [sflag:$0x1] =	stream.indirect.gather [hbm4b:s3+s19], $0x80, s25, s19, $0xb8;
	[tilespmem:$0x1D880] =	vst v63  }
0x4c: {  	s26 =	sadd.s32 $0x80, s25  }
0x4d: {  	[tilespmem:s21], [sflag:$0x2] =	stream.indirect.gather [hbm4b:s3+s19], $0x80, s26, s19, $0xb8;
	[tilespmem:$0x1D880] =	vst v63  }
0x4e: {  	_ =	swait.ge [sflag:s22], $0x3200  }
0x4f: {  	[sflag:s22] =	ssyncset.done $0x0  }
0x50: {  	s31 =	sadd.s32 $0x1C00, s25;
	[sflag:s22] =	ssyncadd.s32 $0xFFFFCE00  }
0x51: {  	[spmem:s1] =	stream.indirect.scatter.add.f32 [tilespmem:s20], [sflag:$0x3], $0x80, s31, s19, $0xb8;
	[tilespmem:$0x1D880] =	vst v63  }
0x52: {  	_ =	swait.ge [sflag:s17], $0x3200  }
0x53: {  	[sflag:s17] =	ssyncset.done $0x0  }
0x54: {  	[sflag:s17] =	ssyncadd.s32 $0xFFFFCE00  }
0x55: {  	_ =	swait.ge [sflag:s23], $0x3200  }
0x56: {  	[sflag:s23] =	ssyncset.done $0x0  }
0x57: {  	s25 =	sadd.s32 $0x1C80, s25;
	[sflag:s23] =	ssyncadd.s32 $0xFFFFCE00  }
0x58: {  	[spmem:s1] =	stream.indirect.scatter.add.f32 [tilespmem:s21], [sflag:$0x3], $0x80, s25, s19, $0xb8;
	[tilespmem:$0x1D880] =	vst v63  }
0x59: {  	_ =	swait.ge [sflag:s17], $0x3200  }
0x5a: {  	[sflag:s17] =	ssyncset.done $0x0  }
0x5b: {  	s26 =	simm.s32 $0x0;
	[sflag:s17] =	ssyncadd.s32 $0xFFFFCE00  }
0x5c: {  	[tilespmem:s26], [sflag:$0x3] =	stream.linear.gather [hbm4b:s9+s26], $0x1900, $0x38;
	[tilespmem:$0x1D880] =	vst v63  }
0x5d: {  	_ =	swait.ge [sflag:s17], $0x1900  }
0x5e: {  	[sflag:s17] =	ssyncset.done $0x0  }
0x5f: {  	[sflag:s17] =	ssyncadd.s32 $0xFFFFE700  }
0x60: {  	[tilespmem:s18], [sflag:$0x3] =	stream.linear.gather [hbm4b:s10+s26], $0x1900, $0x38;
	[tilespmem:$0x1D880] =	vst v63  }
0x61: {  	_ =	swait.ge [sflag:s17], $0x1900  }
0x62: {  	[sflag:s17] =	ssyncset.done $0x0  }
0x63: {  	s28 =	simm.s32 $0x0;
	[sflag:s17] =	ssyncadd.s32 $0xFFFFE700  }
0x64: {  	[tilespmem:s20], [sflag:$0x1] =	stream.indirect.gather [hbm4b:s3+s19], $0x80, s28, s19, $0xb8;
	[tilespmem:$0x1D880] =	vst v63  }
0x65: {  	s29 =	simm.s32 $0x80  }
0x66: {  	[tilespmem:s21], [sflag:$0x2] =	stream.indirect.gather [hbm4b:s3+s19], $0x80, s29, s19, $0xb8;
	[tilespmem:$0x1D880] =	vst v63  }
0x67: {  	_ =	swait.ge [sflag:s22], $0x3200  }
0x68: {  	[sflag:s22] =	ssyncset.done $0x0  }
0x69: {  	s30 =	simm.s32 $0x1C00;
	[sflag:s22] =	ssyncadd.s32 $0xFFFFCE00  }
0x6a: {  	[spmem:s1] =	stream.indirect.scatter.add.f32 [tilespmem:s20], [sflag:$0x3], $0x80, s30, s19, $0xb8;
	[tilespmem:$0x1D880] =	vst v63  }
0x6b: {  	_ =	swait.ge [sflag:s17], $0x3200  }
0x6c: {  	[sflag:s17] =	ssyncset.done $0x0  }
0x6d: {  	[sflag:s17] =	ssyncadd.s32 $0xFFFFCE00  }
0x6e: {  	_ =	swait.ge [sflag:s23], $0x3200  }
0x6f: {  	[sflag:s23] =	ssyncset.done $0x0  }
0x70: {  	s31 =	simm.s32 $0x1C80;
	[sflag:s23] =	ssyncadd.s32 $0xFFFFCE00  }
0x71: {  	[spmem:s1] =	stream.indirect.scatter.add.f32 [tilespmem:s21], [sflag:$0x3], $0x80, s31, s19, $0xb8;
	[tilespmem:$0x1D880] =	vst v63  }
0x72: {  	_ =	swait.ge [sflag:s17], $0x3200  }
0x73: {  	s25 =	simm.s32 $0x400;
	s26 =	simm.s32 $0x800;
	[sflag:s17] =	ssyncset.done $0x0  }
.LBB2_4:
0x74: {  	s28 =	sshra.s32 s25, $0x2  }
0x75: {  	[sflag:s17] =	ssyncadd.s32 $0xFFFFCE00;
	s25 =	smov.u32 s26;
	s29 =	sadd.s32 $0x400, s26  }
0x76: {  	[tilespmem:s20], [sflag:$0x1] =	stream.indirect.gather [hbm4b:s3+s19], $0x80, s28, s19, $0xb8;
	[tilespmem:$0x1D880] =	vst v63  }
0x77: {  	p1 =	sne.s32 s26, $0x6000;
	s26 =	sadd.s32 $0x80, s28  }
0x78: {  	[tilespmem:s21], [sflag:$0x2] =	stream.indirect.gather [hbm4b:s3+s19], $0x80, s26, s19, $0xb8;
	[tilespmem:$0x1D880] =	vst v63  }
0x79: {  	_ =	swait.ge [sflag:s22], $0x3200  }
0x7a: {  	[sflag:s22] =	ssyncset.done $0x0  }
0x7b: {  	s26 =	sadd.s32 $0x1C00, s28;
	[sflag:s22] =	ssyncadd.s32 $0xFFFFCE00  }
0x7c: {  	[spmem:s1] =	stream.indirect.scatter.add.f32 [tilespmem:s20], [sflag:$0x3], $0x80, s26, s19, $0xb8;
	[tilespmem:$0x1D880] =	vst v63  }
0x7d: {  	_ =	swait.ge [sflag:s17], $0x3200  }
0x7e: {  	[sflag:s17] =	ssyncset.done $0x0  }
0x7f: {  	[sflag:s17] =	ssyncadd.s32 $0xFFFFCE00  }
0x80: {  	_ =	swait.ge [sflag:s23], $0x3200  }
.Ltmp1:
0x81: {  	[sflag:s23] =	ssyncset.done $0x0;
	(pc) =	sbr.rel @p1 .LBB2_4-.Ltmp1, $4  }
0x82: {  	s26 =	sadd.s32 $0x1C80, s28;
	[sflag:s23] =	ssyncadd.s32 $0xFFFFCE00  }
0x83: {  	[spmem:s1] =	stream.indirect.scatter.add.f32 [tilespmem:s21], [sflag:$0x3], $0x80, s26, s19, $0xb8;
	[tilespmem:$0x1D880] =	vst v63  }
0x84: {  	_ =	swait.ge [sflag:s17], $0x3200  }
0x85: {  	s26 =	smov.u32 s29;
	[sflag:s17] =	ssyncset.done $0x0  }
0x86: {  	s25 =	sshra.s32 s25, $0x2;
	[sflag:s17] =	ssyncadd.s32 $0xFFFFCE00  }
0x87: {  	[tilespmem:s20], [sflag:$0x1] =	stream.indirect.gather [hbm4b:s3+s19], $0x80, s25, s19, $0xb8;
	[tilespmem:$0x1D880] =	vst v63  }
0x88: {  	s26 =	sadd.s32 $0x80, s25  }
0x89: {  	[tilespmem:s21], [sflag:$0x2] =	stream.indirect.gather [hbm4b:s3+s19], $0x80, s26, s19, $0xb8;
	[tilespmem:$0x1D880] =	vst v63  }
0x8a: {  	_ =	swait.ge [sflag:s22], $0x3200  }
0x8b: {  	[sflag:s22] =	ssyncset.done $0x0  }
0x8c: {  	s31 =	sadd.s32 $0x1C00, s25;
	[sflag:s22] =	ssyncadd.s32 $0xFFFFCE00  }
0x8d: {  	[spmem:s1] =	stream.indirect.scatter.add.f32 [tilespmem:s20], [sflag:$0x3], $0x80, s31, s19, $0xb8;
	[tilespmem:$0x1D880] =	vst v63  }
0x8e: {  	_ =	swait.ge [sflag:s17], $0x3200  }
0x8f: {  	[sflag:s17] =	ssyncset.done $0x0  }
0x90: {  	[sflag:s17] =	ssyncadd.s32 $0xFFFFCE00  }
0x91: {  	_ =	swait.ge [sflag:s23], $0x3200  }
0x92: {  	[sflag:s23] =	ssyncset.done $0x0  }
0x93: {  	s25 =	sadd.s32 $0x1C80, s25;
	[sflag:s23] =	ssyncadd.s32 $0xFFFFCE00  }
0x94: {  	[spmem:s1] =	stream.indirect.scatter.add.f32 [tilespmem:s21], [sflag:$0x3], $0x80, s25, s19, $0xb8;
	[tilespmem:$0x1D880] =	vst v63  }
0x95: {  	_ =	swait.ge [sflag:s17], $0x3200  }
0x96: {  	[sflag:s17] =	ssyncset.done $0x0  }
0x97: {  	[sflag:s17] =	ssyncadd.s32 $0xFFFFCE00  }
0x98: {  	s25 =	simm.s32 @p0 $0x1FC3;
	[bflag:$0x0] =	sbarrier.arrive $0xFFFF  }
0x99: {  	[hbm:s12], [sflag:s25] =	dma.local @p0 [spmem:s14], $0x1900  }
0x9a: {  	s25 =	simm.s32 @p0 $0x3  }
0x9b: {  	s24 =	sadd.s32 $0x1, s24;
	_ =	swait.ge @p0 [sflag:s25], $0x1900  }
0x9c: {  	p1 =	sne.s32 s24, s13;
	[sflag:s25] =	ssyncset.done @p0 $0x0  }
.Ltmp2:
0x9d: {  	[sflag:s25] =	ssyncadd.s32 @p0 $0xFFFFE700;
	s25 =	simm.s32 @!p0 $0x3;
	(pc) =	sbr.rel @p1 .LBB2_1-.Ltmp2, $4  }
0x9e: {  	[hbm:s11], [sflag:s15] =	dma.local @!p0 [spmem:s16], $0x2800  }
0x9f: {  	_ =	swait.ge @!p0 [sflag:s25], $0x2800  }
0xa0: {  	[sflag:s25] =	ssyncset.done @!p0 $0x0  }
0xa1: {  	[sflag:s25] =	ssyncadd.s32 @!p0 $0xFFFFD800  }
0xa2: {  	_ =	sfence.sel $0x180000  }
0xa3: {  	[bflag:$0x0] =	sbarrier.arrive $0xFFFF  }
0xa4: {  	p0 =	sne.s32 s4, $0x0;
	_ =	strace $0x90000047  }
0xa5: {  	s0 =	sadd.s32 @!p0 $0x100000, s0;
	[bflag:$0x2] =	sbarrier.arrive $0xFFFF  }
0xa6: {  	[sflag:s0] =	ssyncadd.tile.s32 @!p0 $0x1;
	_ =	shalt  }
.Lfunc_end2:
_tile_overlayer_lowered:
.L_overlay_start_2:
0xa7: {  	(tag) =	ssettag $0x2  }
0xa8: {  	s0 =	rddreg [dreg:$0x0];
	s2 =	stileid.u32  }
0xa9: {  	s1 =	rddreg [dreg:$0x1];
	p0 =	sne.s32 s2, $0x0  }
0xaa: {  	s3 =	rddreg [dreg:$0x2];
	[bflag:$0x3] =	sbarrier.arrive $0xFFFF;
	s2 =	simm.s32 @!p0 $0x1C03  }
0xab: {  	[timem:s3], [sflag:s2] =	dma.local @!p0 [hbm:s0], s1  }
0xac: {  	s0 =	simm.s32 @!p0 $0x3  }
0xad: {  	_ =	swait.ge @!p0 [sflag:s0], s1  }
0xae: {  	s1 =	ssub.s32 @!p0 $0x0, s1;
	[sflag:s0] =	ssyncset.done @!p0 $0x0  }
0xaf: {  	[sflag:s0] =	ssyncadd.s32 @!p0 s1  }
0xb0: {  	[bflag:$0x3] =	sbarrier.arrive $0xFFFF  }
0xb1: {  	_ =	shalt  }

// kernel: kernel.14.cloned.1.call-start
scs
__scs_entry_jumppad:
0x0: {  	(pc) =	sbr.rel $0x88, $3  }
0x1: {  	(tag) =	ssettag $0x0;
	lr =	simm.s32 $0x1  }
0x2: {  	[smem:$0x3F94] =	sst lr;
	_ =	strace $0xD0000000  }
0x3: {  	_ = 	snop  }
0x4: {  	_ = 	snop  }
0x5: {  	_ = 	snop  }
0x6: {  	_ = 	snop  }
0x7: {  	_ = 	snop  }
__scs_overlays_trampoline_lowered:
0x8: {  	[smem:$0x3FA3] =	sst s0  }
0x9: {  	[smem:$0x3FA4] =	sst s1  }
0xa: {  	[smem:$0x3FA5] =	sst s2  }
0xb: {  	[smem:$0x3FA6] =	sst s3  }
0xc: {  	[smem:$0x3FA7] =	sst s4  }
0xd: {  	[smem:$0x3FA8] =	sst s5  }
0xe: {  	[smem:$0x3FA9] =	sst s6  }
0xf: {  	[smem:$0x3FAA] =	sst s7  }
0x10: {  	[smem:$0x3FAB] =	sst s8  }
0x11: {  	[smem:$0x3FAC] =	sst s9;
	s0 =	simm.s32 @!p0 $0x0  }
0x12: {  	s1 =	sld [smem:$0x3F92];
	s0 =	simm.s32 @p0 $0x1  }
0x13: {  	[smem:$0x3FAD] =	sst s0;
	s0 =	simm.s32 @!p1 $0x0  }
0x14: {  	s2 =	sld [smem:$0x3F91];
	s0 =	simm.s32 @p1 $0x1  }
0x15: {  	[smem:$0x3FAE] =	sst s0;
	s0 =	simm.s32 @!p2 $0x0  }
0x16: {  	s3 =	sld [smem:$0x3FDB];
	s0 =	simm.s32 @p2 $0x1  }
0x17: {  	s4 =	simm.s32 $0x1BF5;
	[smem:$0x3FB0] =	sst s0  }
0x18: {  	s0 =	sld [smem:$0x3F93];
	_ =	swait.ge [sflag:s4], $0x0  }
0x19: {  	s7 =	sld [smem:$0x3F94]  }
0x1a: {  	s8 =	sadd.s32 $0xFFFFE003, lr  }
0x1b: {  	s9 =	sadd.s32 $0xFFFFFEF7, lr;
	s5 =	simm.s32 $0xFFFFFFFF;
	p2 =	slt.u32 s8, $0xFFFFF086  }
0x1c: {  	p1 =	slt.u32 s9, $0xF7A;
	s5 =	simm.s32 @!p2 $0x0  }
0x1d: {  	s5 =	simm.s32 @p1 $0x1;
	p0 =	seq.s32 s7, s2  }
0x1e: {  	s7 =	smul.u32 @!p0 $0xF7A, s2;
	p2 =	seq.s32 @!p0 s5, $0x0  }
0x1f: {  	s9 =	smul.u32 $0xF7A, s1;
	s8 =	simm.s32 @!p0 $0x1BF5;
	p2 =	por !p2, p0  }
0x20: {  	[sflag:s8] =	ssyncset.s32 @!p0 $0xFFFFF086;
	s6 =	sadd.s32 @!p0 s3, s7;
	s7 =	simm.s32 @!p0 $0x108  }
0x21: {  	s3 =	sadd.s32 s3, s9;
	s6 =	sadd.s32 @!p0 $0x88, s6;
	s7 =	simm.s32 @p2 $0x1082  }
0x22: {  	[simem:s7], [sflag:s8] =	dma.local @!p0 [hbm:s6], $0xF7A  }
0x23: {  	s9 =	sor.u32 $0xD0000000, s2;
	s6 =	simm.s32 $0x108;
	_ =	swait.ge @!p0 [sflag:s8], $0x0  }
0x24: {  	s3 =	sadd.s32 $0x88, s3;
	s6 =	simm.s32 @!p1 $0x1082;
	[sflag:s4] =	ssyncset.s32 $0xFFFFF086  }
0x25: {  	[simem:s6], [sflag:s4] =	dma.local [hbm:s3], $0xF7A  }
0x26: {  	[smem:$0x3F94] =	sst s1;
	(tag) =	ssettag s2;
	_ =	strace s9  }
0x27: {  	s1 =	sld [smem:$0x3FA4]  }
0x28: {  	s2 =	sld [smem:$0x3FA5]  }
0x29: {  	s4 =	sld [smem:$0x3FA7]  }
0x2a: {  	p0 =	seq.s32 s5, $0x0;
	s5 =	sld [smem:$0x3FA8]  }
0x2b: {  	s6 =	sld [smem:$0x3FA9]  }
0x2c: {  	s7 =	sld [smem:$0x3FAA]  }
0x2d: {  	s3 =	simm.s32 $0x108;
	s8 =	sld [smem:$0x3FAB]  }
0x2e: {  	s3 =	simm.s32 @!p0 $0x1082;
	s9 =	sld [smem:$0x3FAC]  }
0x2f: {  	lr =	sadd.s32 s0, s3;
	s0 =	sld [smem:$0x3FA3]  }
0x30: {  	s3 =	sld [smem:$0x3FA6]  }
0x31: {  	[smem:$0x3FAF] =	sst s10  }
0x32: {  	s10 =	sld [smem:$0x3FAD];
	_ =	sdelay $0x3  }
0x33: {  	p0 =	seq.s32 s10, $0x1;
	s10 =	sld [smem:$0x3FAF];
	_ =	sdelay $0x3  }
0x34: {  	[smem:$0x3FAF] =	sst s10  }
0x35: {  	s10 =	sld [smem:$0x3FAE];
	_ =	sdelay $0x3  }
0x36: {  	p1 =	seq.s32 s10, $0x1;
	s10 =	sld [smem:$0x3FAF];
	_ =	sdelay $0x3  }
0x37: {  	[smem:$0x3FAF] =	sst s10  }
0x38: {  	s10 =	sld [smem:$0x3FB0]  }
0x39: {  	_ = 	snop;
	(pc) =	sbr.ind lr, $3  }
0x3a: {  	_ = 	snop  }
0x3b: {  	_ = 	snop  }
0x3c: {  	p2 =	seq.s32 s10, $0x1;
	s10 =	sld [smem:$0x3FAF]  }
0x3d: {  	_ =	shalt  }
0x3e: {  	_ =	shalt  }
0x3f: {  	_ =	shalt  }
0x40: {  	_ =	shalt  }
0x41: {  	_ =	shalt  }
0x42: {  	_ =	shalt  }
0x43: {  	_ =	shalt  }
0x44: {  	_ =	shalt  }
0x45: {  	_ =	shalt  }
0x46: {  	_ =	shalt  }
0x47: {  	_ =	shalt  }
0x48: {  	_ =	shalt  }
0x49: {  	_ =	shalt  }
0x4a: {  	_ =	shalt  }
0x4b: {  	_ =	shalt  }
0x4c: {  	_ =	shalt  }
0x4d: {  	_ =	shalt  }
0x4e: {  	_ =	shalt  }
0x4f: {  	_ =	shalt  }
0x50: {  	_ =	shalt  }
0x51: {  	_ =	shalt  }
0x52: {  	_ =	shalt  }
0x53: {  	_ =	shalt  }
0x54: {  	_ =	shalt  }
0x55: {  	_ =	shalt  }
0x56: {  	_ =	shalt  }
0x57: {  	_ =	shalt  }
0x58: {  	_ =	shalt  }
0x59: {  	_ =	shalt  }
0x5a: {  	_ =	shalt  }
0x5b: {  	_ =	shalt  }
0x5c: {  	_ =	shalt  }
0x5d: {  	_ =	shalt  }
0x5e: {  	_ =	shalt  }
0x5f: {  	_ =	shalt  }
0x60: {  	_ =	shalt  }
0x61: {  	_ =	shalt  }
0x62: {  	_ =	shalt  }
0x63: {  	_ =	shalt  }
0x64: {  	_ =	shalt  }
0x65: {  	_ =	shalt  }
0x66: {  	_ =	shalt  }
0x67: {  	_ =	shalt  }
0x68: {  	_ =	shalt  }
0x69: {  	_ =	shalt  }
0x6a: {  	_ =	shalt  }
0x6b: {  	_ =	shalt  }
0x6c: {  	_ =	shalt  }
0x6d: {  	_ =	shalt  }
0x6e: {  	_ =	shalt  }
0x6f: {  	_ =	shalt  }
0x70: {  	_ =	shalt  }
0x71: {  	_ =	shalt  }
0x72: {  	_ =	shalt  }
0x73: {  	_ =	shalt  }
0x74: {  	_ =	shalt  }
0x75: {  	_ =	shalt  }
0x76: {  	_ =	shalt  }
0x77: {  	_ =	shalt  }
0x78: {  	_ =	shalt  }
0x79: {  	_ =	shalt  }
0x7a: {  	_ =	shalt  }
0x7b: {  	_ =	shalt  }
0x7c: {  	_ =	shalt  }
0x7d: {  	_ =	shalt  }
0x7e: {  	_ =	shalt  }
0x7f: {  	_ =	shalt  }
0x80: {  	_ =	shalt  }
0x81: {  	_ =	shalt  }
0x82: {  	_ =	shalt  }
0x83: {  	_ =	shalt  }
0x84: {  	_ =	shalt  }
0x85: {  	_ =	shalt  }
0x86: {  	_ =	shalt  }
0x87: {  	_ =	shalt  }
.Lfunc_end0:
.L_simem_size_0:
called_computation.1_lowered:
.L_overlay_start_0:
0x88: {  	s2 =	sld [smem:$0x3FD9]  }
0x89: {  	s3 =	sld [smem:$0x3FFE];
	_ =	sdelay $0x1  }
0x8a: {  	s1 =	srdreg.scid  }
0x8b: {  	s0 =	sand.u32 $0x1, s1  }
0x8c: {  	s16 =	sshll.u32 s0, $0xA;
	s2 =	sadd.s32 s3, s2  }
0x8d: {  	s2 =	sadd.s32 s2, s16  }
0x8e: {  	[smem:$0x3FBB] =	sst s2  }
0x8f: {  	_ = 	snop  }
0x90: {  	(tm) =	ssettm $0x1  }
0x91: {  	s17 =	sld [smem:$0x3FFB];
	_ =	sdelay $0x3  }
0x92: {  	_ =	strace s17  }
0x93: {  	s2 =	sld [smem:$0x3FFC];
	_ =	sdelay $0x3  }
0x94: {  	_ =	strace s2  }
0x95: {  	s2 =	sld [smem:$0x3FFD];
	_ =	sdelay $0x3  }
0x96: {  	_ =	strace s2  }
0x97: {  	_ =	strace $0x8FFFFFFF  }
0x98: {  	s18 =	sld [smem:$0x3FDB];
	_ =	sdelay $0x1  }
0x99: {  	s19 =	simm.s32 $_scs_section_size  }
0x9a: {  	s4 =	simm.s32 $_size__tile_overlayer_lowered;
	s5 =	simm.s32 $_tile_overlayer_lowered  }
0x9b: {  	s22 =	simm.s32 $0x1BFF;
	s21 =	sshll.u32 s5, $0x1;
	s2 =	sadd.s32 s19, s18  }
0x9c: {  	s6 =	simm.s32 $0x0;
	s20 =	sshll.u32 s4, $0x1;
	s4 =	sadd.s32 s21, s2  }
0x9d: {  	[timem:s6], [sflag:s22] =	dma.local [hbm:s4], s20  }
0x9e: {  	_ =	swait.ge [sflag:s22], s20  }
0x9f: {  	s3 =	ssub.s32 $0x0, s20;
	[sflag:s22] =	ssyncset.done $0x0  }
0xa0: {  	[sflag:s22] =	ssyncadd.s32 s3;
	_ =	sdelay $0x1  }
0xa1: {  	s23 =	simm.s32 $0x1B8B  }
0xa2: {  	_ =	swait.ge [sflag:s23], $0x1  }
0xa3: {  	[sflag:s23] =	ssyncset.done $0x0  }
0xa4: {  	s25 =	simm.s32 $0x1B8E;
	s24 =	sld [smem:$0x3FFE];
	[sflag:s23] =	ssyncadd.s32 $0xFFFFFFFF  }
0xa5: {  	s26 =	simm.s32 $execute0_lowered;
	[smem:$0x3FD2] =	sst s25  }
0xa6: {  	s4 =	sshll.u32 s26, $0x1;
	_ =	strace $0x80000049;
	[dreg:$0x1] =	wrdreg $0xFFFFFFFF  }
0xa7: {  	s28 =	simm.s32 $_size_execute0_lowered;
	s2 =	sadd.s32 s2, s4;
	[dreg:$0x0] =	wrdreg $0x0  }
0xa8: {  	s4 =	sshll.u32 s28, $0x1;
	[dreg:$0x2] =	wrdreg s2  }
0xa9: {  	[dreg:$0x3] =	wrdreg s4  }
0xaa: {  	[dreg:$0x4] =	wrdreg $0xC0  }
0xab: {  	_ =	task [dreg:s6], $0x5FFFF  }
0xac: {  	[dreg:$0x1] =	wrdreg $0xFFFFFFFF  }
0xad: {  	[dreg:$0x0] =	wrdreg $0x60  }
0xae: {  	[dreg:$0x2] =	wrdreg s24  }
0xaf: {  	[dreg:$0x3] =	wrdreg $0xA0000  }
0xb0: {  	[dreg:$0x4] =	wrdreg $0x9  }
0xb1: {  	_ =	task.clear_ibuf [dreg:s6], $0x5FFFF;
	_ =	strace $0x90000049  }
0xb2: {  	s29 =	simm.s32 $0x9;
	_ =	strace $0x8000004B  }
0xb3: {  	_ =	swait.ge [sflag:s29], $0x1  }
0xb4: {  	[sflag:s29] =	ssyncadd.s32 $0xFFFFFFFF  }
0xb5: {  	_ =	strace $0x9000004B  }
0xb6: {  	_ =	sfence  }
0xb7: {  	s30 =	sld [smem:$0x0];
	_ =	sdelay $0x2  }
0xb8: {  	s31 =	sshll.u32 s1, $0xD;
	s1 =	sshrl.u32 s1, $0x2  }
0xb9: {  	s3 =	sand.u32 $0x4000, s31;
	s1 =	sadd.s32 s1, s30  }
0xba: {  	s0 =	sor.u32 s3, s0;
	s1 =	sshll.u32 s1, $0x11  }
0xbb: {  	s0 =	sor.u32 s1, s0  }
0xbc: {  	s0 =	sadd.s32 $0x8F2B, s0  }
0xbd: {  	[sflag:s0] =	ssyncadd.remote.s32 $0x1  }
0xbe: {  	_ =	sfence.sel $0xFFFF  }
0xbf: {  	[dreg:$0x0] =	wrdreg $0xFFFFFFFF;
	(pc) =	sbr.abs _section_cstart, $3  }
0xc0: {  	[dreg:$0x1] =	wrdreg $0xFFFFFFFF  }
0xc1: {  	_ =	task.clear_ibuf [dreg:s6], $0x2FFFF;
	_ =	strace $0x9FFFFFFF  }
0xc2: {  	(tm) =	ssettm $0x7FFFFFFF  }
0xc3: {  	_ =	shalt  }
tec
execute0_lowered:
.L_overlay_start_1:
0x0: {  	(tag) =	ssettag $0x1  }
0x1: {  	s6 =	rddreg [dreg:$0x0]  }
0x2: {  	s1 =	rddreg [dreg:$0x1]  }
0x3: {  	s0 =	rddreg [dreg:$0x2]  }
0x4: {  	s2 =	simm.s32 $0x0;
	s5 =	srdreg.scid;
	s4 =	stileid.u32  }
0x5: {  	s18 =	simm.s32 $0x1C00;
	s19 =	simm.s32 $0x64;
	s20 =	simm.s32 $0x3800  }
0x6: {  	s21 =	simm.s32 $0x6C00;
	s22 =	simm.s32 $0x1;
	s23 =	simm.s32 $0x2  }
0x7: {  	s24 =	simm.s32 $0x0;
	[smem:$0x7FF] =	sst s2;
	s3 =	sadd.s32 $0x1F600, s6  }
0x8: {  	s9 =	sadd.s32 $0x3600, s6;
	s10 =	sadd.s32 $0x11600, s6;
	s11 =	sadd.s32 $0x46800, s6  }
0x9: {  	s7 =	sand.u32 $0x1, s5;
	s25 =	sshll.u32 s4, $0x1;
	s8 =	smul.u32 $0x50000, s4  }
0xa: {  	s13 =	smul.u32 $0x2800, s4;
	s17 =	sadd.s32 $0x12C000, s1;
	s6 =	sadd.s32 $0x44E00, s6  }
0xb: {  	s30 =	smul.u32 $0x14000, s4;
	p0 =	seq.s32 s4, $0xF;
	_ =	strace $0x8000004A  }
0xc: {  	s12 =	ssub.s32 $0x2, s7;
	s5 =	sor.u32 s7, s25;
	s28 =	smul.u32 $0x138800, s7  }
0xd: {  	s14 =	sshrl.u32 s12, $0x1;
	s8 =	sshrl.u32 s8, $0x2;
	s15 =	smul.u32 $0x3800, s5  }
0xe: {  	s5 =	sadd.s32 s3, s13;
	s14 =	ssub.s32 s12, s14;
	s16 =	sadd.s32 s8, s1  }
0xf: {  	s31 =	sadd.s32 s30, s28;
	s12 =	sshrl.u32 s28, $0x3;
	s26 =	sshrl.u32 s15, $0x3  }
0x10: {  	s13 =	sshrl.u32 s31, $0x3;
	s12 =	sadd.s32 s11, s12;
	s15 =	sshll.u32 @!p0 s4, $0x6  }
0x11: {  	s16 =	sshrl.u32 @!p0 s16, $0x3;
	s29 =	sadd.s32 $0x380, s26;
	s7 =	sadd.s32 s9, s26  }
0x12: {  	s8 =	sadd.s32 s10, s26;
	s11 =	sadd.s32 s11, s13;
	s12 =	sadd.s32 $0x25800, s12  }
0x13: {  	s13 =	smax.u32 s14, $0x1;
	s14 =	sshrl.u32 @p0 s17, $0x3;
	s15 =	sor.u32 @!p0 $0x1C03, s15  }
0x14: {  	s17 =	simm.s32 $0x3;
	s9 =	sadd.s32 s9, s29;
	s10 =	sadd.s32 s10, s29  }
.LBB2_1:
0x15: {  	s25 =	simm.s32 @p0 $0x1FC3  }
0x16: {  	[spmem:s14], [sflag:s25] =	dma.local @p0 [hbm:s6], $0x1900  }
0x17: {  	s25 =	simm.s32 @p0 $0x3  }
0x18: {  	_ =	swait.ge @p0 [sflag:s25], $0x1900  }
0x19: {  	[sflag:s25] =	ssyncset.done @p0 $0x0  }
0x1a: {  	[sflag:s25] =	ssyncadd.s32 @p0 $0xFFFFE700;
	s25 =	simm.s32 @!p0 $0x3  }
0x1b: {  	[spmem:s16], [sflag:s15] =	dma.local @!p0 [hbm:s5], $0x2800  }
0x1c: {  	_ =	swait.ge @!p0 [sflag:s25], $0x2800  }
0x1d: {  	[sflag:s25] =	ssyncset.done @!p0 $0x0  }
0x1e: {  	[sflag:s25] =	ssyncadd.s32 @!p0 $0xFFFFD800  }
0x1f: {  	[bflag:$0x0] =	sbarrier.arrive $0xFFFF  }
0x20: {  	[tilespmem:s2], [sflag:$0x3] =	stream.linear.gather [hbm4b:s7+s2], $0x1900, $0x38;
	[tilespmem:$0x1D880] =	vst v63  }
0x21: {  	_ =	swait.ge [sflag:s17], $0x1900  }
0x22: {  	[sflag:s17] =	ssyncset.done $0x0  }
0x23: {  	[sflag:s17] =	ssyncadd.s32 $0xFFFFE700  }
0x24: {  	[tilespmem:s18], [sflag:$0x3] =	stream.linear.gather [hbm4b:s8+s2], $0x1900, $0x38;
	[tilespmem:$0x1D880] =	vst v63  }
0x25: {  	_ =	swait.ge [sflag:s17], $0x1900  }
0x26: {  	[sflag:s17] =	ssyncset.done $0x0  }
0x27: {  	s28 =	simm.s32 $0x0;
	[sflag:s17] =	ssyncadd.s32 $0xFFFFE700  }
0x28: {  	[tilespmem:s20], [sflag:$0x1] =	stream.indirect.gather [hbm4b:s3+s19], $0x80, s28, s19, $0xb8;
	[tilespmem:$0x1D880] =	vst v63  }
0x29: {  	s29 =	simm.s32 $0x80  }
0x2a: {  	[tilespmem:s21], [sflag:$0x2] =	stream.indirect.gather [hbm4b:s3+s19], $0x80, s29, s19, $0xb8;
	[tilespmem:$0x1D880] =	vst v63  }
0x2b: {  	_ =	swait.ge [sflag:s22], $0x3200  }
0x2c: {  	[sflag:s22] =	ssyncset.done $0x0  }
0x2d: {  	s30 =	simm.s32 $0x1C00;
	[sflag:s22] =	ssyncadd.s32 $0xFFFFCE00  }
0x2e: {  	[spmem:s1] =	stream.indirect.scatter.add.f32 [tilespmem:s20], [sflag:$0x3], $0x80, s30, s19, $0xb8;
	[tilespmem:$0x1D880] =	vst v63  }
0x2f: {  	_ =	swait.ge [sflag:s17], $0x3200  }
0x30: {  	[sflag:s17] =	ssyncset.done $0x0  }
0x31: {  	[sflag:s17] =	ssyncadd.s32 $0xFFFFCE00  }
0x32: {  	_ =	swait.ge [sflag:s23], $0x3200  }
0x33: {  	[sflag:s23] =	ssyncset.done $0x0  }
0x34: {  	s31 =	simm.s32 $0x1C80;
	[sflag:s23] =	ssyncadd.s32 $0xFFFFCE00  }
0x35: {  	[spmem:s1] =	stream.indirect.scatter.add.f32 [tilespmem:s21], [sflag:$0x3], $0x80, s31, s19, $0xb8;
	[tilespmem:$0x1D880] =	vst v63  }
0x36: {  	_ =	swait.ge [sflag:s17], $0x3200  }
0x37: {  	s26 =	simm.s32 $0x800;
	s25 =	simm.s32 $0x400;
	[sflag:s17] =	ssyncset.done $0x0  }
.LBB2_2:
0x38: {  	s28 =	sshra.s32 s25, $0x2  }
0x39: {  	[sflag:s17] =	ssyncadd.s32 $0xFFFFCE00;
	s25 =	smov.u32 s26;
	s29 =	sadd.s32 $0x400, s26  }
0x3a: {  	[tilespmem:s20], [sflag:$0x1] =	stream.indirect.gather [hbm4b:s3+s19], $0x80, s28, s19, $0xb8;
	[tilespmem:$0x1D880] =	vst v63  }
0x3b: {  	p1 =	sne.s32 s26, $0x6000;
	s26 =	sadd.s32 $0x80, s28  }
0x3c: {  	[tilespmem:s21], [sflag:$0x2] =	stream.indirect.gather [hbm4b:s3+s19], $0x80, s26, s19, $0xb8;
	[tilespmem:$0x1D880] =	vst v63  }
0x3d: {  	_ =	swait.ge [sflag:s22], $0x3200  }
0x3e: {  	[sflag:s22] =	ssyncset.done $0x0  }
0x3f: {  	s26 =	sadd.s32 $0x1C00, s28;
	[sflag:s22] =	ssyncadd.s32 $0xFFFFCE00  }
0x40: {  	[spmem:s1] =	stream.indirect.scatter.add.f32 [tilespmem:s20], [sflag:$0x3], $0x80, s26, s19, $0xb8;
	[tilespmem:$0x1D880] =	vst v63  }
0x41: {  	_ =	swait.ge [sflag:s17], $0x3200  }
0x42: {  	[sflag:s17] =	ssyncset.done $0x0  }
0x43: {  	[sflag:s17] =	ssyncadd.s32 $0xFFFFCE00  }
0x44: {  	_ =	swait.ge [sflag:s23], $0x3200  }
.Ltmp0:
0x45: {  	[sflag:s23] =	ssyncset.done $0x0;
	(pc) =	sbr.rel @p1 .LBB2_2-.Ltmp0, $4  }
0x46: {  	s26 =	sadd.s32 $0x1C80, s28;
	[sflag:s23] =	ssyncadd.s32 $0xFFFFCE00  }
0x47: {  	[spmem:s1] =	stream.indirect.scatter.add.f32 [tilespmem:s21], [sflag:$0x3], $0x80, s26, s19, $0xb8;
	[tilespmem:$0x1D880] =	vst v63  }
0x48: {  	_ =	swait.ge [sflag:s17], $0x3200  }
0x49: {  	s26 =	smov.u32 s29;
	[sflag:s17] =	ssyncset.done $0x0  }
0x4a: {  	s25 =	sshra.s32 s25, $0x2;
	[sflag:s17] =	ssyncadd.s32 $0xFFFFCE00  }
0x4b: {  	[tilespmem:s20], [sflag:$0x1] =	stream.indirect.gather [hbm4b:s3+s19], $0x80, s25, s19, $0xb8;
	[tilespmem:$0x1D880] =	vst v63  }
0x4c: {  	s26 =	sadd.s32 $0x80, s25  }
0x4d: {  	[tilespmem:s21], [sflag:$0x2] =	stream.indirect.gather [hbm4b:s3+s19], $0x80, s26, s19, $0xb8;
	[tilespmem:$0x1D880] =	vst v63  }
0x4e: {  	_ =	swait.ge [sflag:s22], $0x3200  }
0x4f: {  	[sflag:s22] =	ssyncset.done $0x0  }
0x50: {  	s31 =	sadd.s32 $0x1C00, s25;
	[sflag:s22] =	ssyncadd.s32 $0xFFFFCE00  }
0x51: {  	[spmem:s1] =	stream.indirect.scatter.add.f32 [tilespmem:s20], [sflag:$0x3], $0x80, s31, s19, $0xb8;
	[tilespmem:$0x1D880] =	vst v63  }
0x52: {  	_ =	swait.ge [sflag:s17], $0x3200  }
0x53: {  	[sflag:s17] =	ssyncset.done $0x0  }
0x54: {  	[sflag:s17] =	ssyncadd.s32 $0xFFFFCE00  }
0x55: {  	_ =	swait.ge [sflag:s23], $0x3200  }
0x56: {  	[sflag:s23] =	ssyncset.done $0x0  }
0x57: {  	s25 =	sadd.s32 $0x1C80, s25;
	[sflag:s23] =	ssyncadd.s32 $0xFFFFCE00  }
0x58: {  	[spmem:s1] =	stream.indirect.scatter.add.f32 [tilespmem:s21], [sflag:$0x3], $0x80, s25, s19, $0xb8;
	[tilespmem:$0x1D880] =	vst v63  }
0x59: {  	_ =	swait.ge [sflag:s17], $0x3200  }
0x5a: {  	[sflag:s17] =	ssyncset.done $0x0  }
0x5b: {  	s26 =	simm.s32 $0x0;
	[sflag:s17] =	ssyncadd.s32 $0xFFFFCE00  }
0x5c: {  	[tilespmem:s26], [sflag:$0x3] =	stream.linear.gather [hbm4b:s9+s26], $0x1900, $0x38;
	[tilespmem:$0x1D880] =	vst v63  }
0x5d: {  	_ =	swait.ge [sflag:s17], $0x1900  }
0x5e: {  	[sflag:s17] =	ssyncset.done $0x0  }
0x5f: {  	[sflag:s17] =	ssyncadd.s32 $0xFFFFE700  }
0x60: {  	[tilespmem:s18], [sflag:$0x3] =	stream.linear.gather [hbm4b:s10+s26], $0x1900, $0x38;
	[tilespmem:$0x1D880] =	vst v63  }
0x61: {  	_ =	swait.ge [sflag:s17], $0x1900  }
0x62: {  	[sflag:s17] =	ssyncset.done $0x0  }
0x63: {  	s28 =	simm.s32 $0x0;
	[sflag:s17] =	ssyncadd.s32 $0xFFFFE700  }
0x64: {  	[tilespmem:s20], [sflag:$0x1] =	stream.indirect.gather [hbm4b:s3+s19], $0x80, s28, s19, $0xb8;
	[tilespmem:$0x1D880] =	vst v63  }
0x65: {  	s29 =	simm.s32 $0x80  }
0x66: {  	[tilespmem:s21], [sflag:$0x2] =	stream.indirect.gather [hbm4b:s3+s19], $0x80, s29, s19, $0xb8;
	[tilespmem:$0x1D880] =	vst v63  }
0x67: {  	_ =	swait.ge [sflag:s22], $0x3200  }
0x68: {  	[sflag:s22] =	ssyncset.done $0x0  }
0x69: {  	s30 =	simm.s32 $0x1C00;
	[sflag:s22] =	ssyncadd.s32 $0xFFFFCE00  }
0x6a: {  	[spmem:s1] =	stream.indirect.scatter.add.f32 [tilespmem:s20], [sflag:$0x3], $0x80, s30, s19, $0xb8;
	[tilespmem:$0x1D880] =	vst v63  }
0x6b: {  	_ =	swait.ge [sflag:s17], $0x3200  }
0x6c: {  	[sflag:s17] =	ssyncset.done $0x0  }
0x6d: {  	[sflag:s17] =	ssyncadd.s32 $0xFFFFCE00  }
0x6e: {  	_ =	swait.ge [sflag:s23], $0x3200  }
0x6f: {  	[sflag:s23] =	ssyncset.done $0x0  }
0x70: {  	s31 =	simm.s32 $0x1C80;
	[sflag:s23] =	ssyncadd.s32 $0xFFFFCE00  }
0x71: {  	[spmem:s1] =	stream.indirect.scatter.add.f32 [tilespmem:s21], [sflag:$0x3], $0x80, s31, s19, $0xb8;
	[tilespmem:$0x1D880] =	vst v63  }
0x72: {  	_ =	swait.ge [sflag:s17], $0x3200  }
0x73: {  	s25 =	simm.s32 $0x400;
	s26 =	simm.s32 $0x800;
	[sflag:s17] =	ssyncset.done $0x0  }
.LBB2_4:
0x74: {  	s28 =	sshra.s32 s25, $0x2  }
0x75: {  	[sflag:s17] =	ssyncadd.s32 $0xFFFFCE00;
	s25 =	smov.u32 s26;
	s29 =	sadd.s32 $0x400, s26  }
0x76: {  	[tilespmem:s20], [sflag:$0x1] =	stream.indirect.gather [hbm4b:s3+s19], $0x80, s28, s19, $0xb8;
	[tilespmem:$0x1D880] =	vst v63  }
0x77: {  	p1 =	sne.s32 s26, $0x6000;
	s26 =	sadd.s32 $0x80, s28  }
0x78: {  	[tilespmem:s21], [sflag:$0x2] =	stream.indirect.gather [hbm4b:s3+s19], $0x80, s26, s19, $0xb8;
	[tilespmem:$0x1D880] =	vst v63  }
0x79: {  	_ =	swait.ge [sflag:s22], $0x3200  }
0x7a: {  	[sflag:s22] =	ssyncset.done $0x0  }
0x7b: {  	s26 =	sadd.s32 $0x1C00, s28;
	[sflag:s22] =	ssyncadd.s32 $0xFFFFCE00  }
0x7c: {  	[spmem:s1] =	stream.indirect.scatter.add.f32 [tilespmem:s20], [sflag:$0x3], $0x80, s26, s19, $0xb8;
	[tilespmem:$0x1D880] =	vst v63  }
0x7d: {  	_ =	swait.ge [sflag:s17], $0x3200  }
0x7e: {  	[sflag:s17] =	ssyncset.done $0x0  }
0x7f: {  	[sflag:s17] =	ssyncadd.s32 $0xFFFFCE00  }
0x80: {  	_ =	swait.ge [sflag:s23], $0x3200  }
.Ltmp1:
0x81: {  	[sflag:s23] =	ssyncset.done $0x0;
	(pc) =	sbr.rel @p1 .LBB2_4-.Ltmp1, $4  }
0x82: {  	s26 =	sadd.s32 $0x1C80, s28;
	[sflag:s23] =	ssyncadd.s32 $0xFFFFCE00  }
0x83: {  	[spmem:s1] =	stream.indirect.scatter.add.f32 [tilespmem:s21], [sflag:$0x3], $0x80, s26, s19, $0xb8;
	[tilespmem:$0x1D880] =	vst v63  }
0x84: {  	_ =	swait.ge [sflag:s17], $0x3200  }
0x85: {  	s26 =	smov.u32 s29;
	[sflag:s17] =	ssyncset.done $0x0  }
0x86: {  	s25 =	sshra.s32 s25, $0x2;
	[sflag:s17] =	ssyncadd.s32 $0xFFFFCE00  }
0x87: {  	[tilespmem:s20], [sflag:$0x1] =	stream.indirect.gather [hbm4b:s3+s19], $0x80, s25, s19, $0xb8;
	[tilespmem:$0x1D880] =	vst v63  }
0x88: {  	s26 =	sadd.s32 $0x80, s25  }
0x89: {  	[tilespmem:s21], [sflag:$0x2] =	stream.indirect.gather [hbm4b:s3+s19], $0x80, s26, s19, $0xb8;
	[tilespmem:$0x1D880] =	vst v63  }
0x8a: {  	_ =	swait.ge [sflag:s22], $0x3200  }
0x8b: {  	[sflag:s22] =	ssyncset.done $0x0  }
0x8c: {  	s31 =	sadd.s32 $0x1C00, s25;
	[sflag:s22] =	ssyncadd.s32 $0xFFFFCE00  }
0x8d: {  	[spmem:s1] =	stream.indirect.scatter.add.f32 [tilespmem:s20], [sflag:$0x3], $0x80, s31, s19, $0xb8;
	[tilespmem:$0x1D880] =	vst v63  }
0x8e: {  	_ =	swait.ge [sflag:s17], $0x3200  }
0x8f: {  	[sflag:s17] =	ssyncset.done $0x0  }
0x90: {  	[sflag:s17] =	ssyncadd.s32 $0xFFFFCE00  }
0x91: {  	_ =	swait.ge [sflag:s23], $0x3200  }
0x92: {  	[sflag:s23] =	ssyncset.done $0x0  }
0x93: {  	s25 =	sadd.s32 $0x1C80, s25;
	[sflag:s23] =	ssyncadd.s32 $0xFFFFCE00  }
0x94: {  	[spmem:s1] =	stream.indirect.scatter.add.f32 [tilespmem:s21], [sflag:$0x3], $0x80, s25, s19, $0xb8;
	[tilespmem:$0x1D880] =	vst v63  }
0x95: {  	_ =	swait.ge [sflag:s17], $0x3200  }
0x96: {  	[sflag:s17] =	ssyncset.done $0x0  }
0x97: {  	[sflag:s17] =	ssyncadd.s32 $0xFFFFCE00  }
0x98: {  	s25 =	simm.s32 @p0 $0x1FC3;
	[bflag:$0x0] =	sbarrier.arrive $0xFFFF  }
0x99: {  	[hbm:s12], [sflag:s25] =	dma.local @p0 [spmem:s14], $0x1900  }
0x9a: {  	s25 =	simm.s32 @p0 $0x3  }
0x9b: {  	s24 =	sadd.s32 $0x1, s24;
	_ =	swait.ge @p0 [sflag:s25], $0x1900  }
0x9c: {  	p1 =	sne.s32 s24, s13;
	[sflag:s25] =	ssyncset.done @p0 $0x0  }
.Ltmp2:
0x9d: {  	[sflag:s25] =	ssyncadd.s32 @p0 $0xFFFFE700;
	s25 =	simm.s32 @!p0 $0x3;
	(pc) =	sbr.rel @p1 .LBB2_1-.Ltmp2, $4  }
0x9e: {  	[hbm:s11], [sflag:s15] =	dma.local @!p0 [spmem:s16], $0x2800  }
0x9f: {  	_ =	swait.ge @!p0 [sflag:s25], $0x2800  }
0xa0: {  	[sflag:s25] =	ssyncset.done @!p0 $0x0  }
0xa1: {  	[sflag:s25] =	ssyncadd.s32 @!p0 $0xFFFFD800  }
0xa2: {  	_ =	sfence.sel $0x180000  }
0xa3: {  	[bflag:$0x0] =	sbarrier.arrive $0xFFFF  }
0xa4: {  	p0 =	sne.s32 s4, $0x0;
	_ =	strace $0x9000004A  }
0xa5: {  	s0 =	sadd.s32 @!p0 $0x100000, s0;
	[bflag:$0x2] =	sbarrier.arrive $0xFFFF  }
0xa6: {  	[sflag:s0] =	ssyncadd.tile.s32 @!p0 $0x1;
	_ =	shalt  }
.Lfunc_end2:
_tile_overlayer_lowered:
.L_overlay_start_2:
0xa7: {  	(tag) =	ssettag $0x2  }
0xa8: {  	s0 =	rddreg [dreg:$0x0];
	s2 =	stileid.u32  }
0xa9: {  	s1 =	rddreg [dreg:$0x1];
	p0 =	sne.s32 s2, $0x0  }
0xaa: {  	s3 =	rddreg [dreg:$0x2];
	[bflag:$0x3] =	sbarrier.arrive $0xFFFF;
	s2 =	simm.s32 @!p0 $0x1C03  }
0xab: {  	[timem:s3], [sflag:s2] =	dma.local @!p0 [hbm:s0], s1  }
0xac: {  	s0 =	simm.s32 @!p0 $0x3  }
0xad: {  	_ =	swait.ge @!p0 [sflag:s0], s1  }
0xae: {  	s1 =	ssub.s32 @!p0 $0x0, s1;
	[sflag:s0] =	ssyncset.done @!p0 $0x0  }
0xaf: {  	[sflag:s0] =	ssyncadd.s32 @!p0 s1  }
0xb0: {  	[bflag:$0x3] =	sbarrier.arrive $0xFFFF  }
0xb1: {  	_ =	shalt  }

// kernel: kernel.17.cloned.1.call-start
scs
__scs_entry_jumppad:
0x0: {  	(pc) =	sbr.rel $0x88, $3  }
0x1: {  	(tag) =	ssettag $0x0;
	lr =	simm.s32 $0x1  }
0x2: {  	[smem:$0x3F94] =	sst lr;
	_ =	strace $0xD0000000  }
0x3: {  	_ = 	snop  }
0x4: {  	_ = 	snop  }
0x5: {  	_ = 	snop  }
0x6: {  	_ = 	snop  }
0x7: {  	_ = 	snop  }
__scs_overlays_trampoline_lowered:
0x8: {  	[smem:$0x3FA3] =	sst s0  }
0x9: {  	[smem:$0x3FA4] =	sst s1  }
0xa: {  	[smem:$0x3FA5] =	sst s2  }
0xb: {  	[smem:$0x3FA6] =	sst s3  }
0xc: {  	[smem:$0x3FA7] =	sst s4  }
0xd: {  	[smem:$0x3FA8] =	sst s5  }
0xe: {  	[smem:$0x3FA9] =	sst s6  }
0xf: {  	[smem:$0x3FAA] =	sst s7  }
0x10: {  	[smem:$0x3FAB] =	sst s8  }
0x11: {  	[smem:$0x3FAC] =	sst s9;
	s0 =	simm.s32 @!p0 $0x0  }
0x12: {  	s1 =	sld [smem:$0x3F92];
	s0 =	simm.s32 @p0 $0x1  }
0x13: {  	[smem:$0x3FAD] =	sst s0;
	s0 =	simm.s32 @!p1 $0x0  }
0x14: {  	s2 =	sld [smem:$0x3F91];
	s0 =	simm.s32 @p1 $0x1  }
0x15: {  	[smem:$0x3FAE] =	sst s0;
	s0 =	simm.s32 @!p2 $0x0  }
0x16: {  	s3 =	sld [smem:$0x3FDB];
	s0 =	simm.s32 @p2 $0x1  }
0x17: {  	s4 =	simm.s32 $0x1BF5;
	[smem:$0x3FB0] =	sst s0  }
0x18: {  	s0 =	sld [smem:$0x3F93];
	_ =	swait.ge [sflag:s4], $0x0  }
0x19: {  	s7 =	sld [smem:$0x3F94]  }
0x1a: {  	s8 =	sadd.s32 $0xFFFFE003, lr  }
0x1b: {  	s9 =	sadd.s32 $0xFFFFFEF7, lr;
	s5 =	simm.s32 $0xFFFFFFFF;
	p2 =	slt.u32 s8, $0xFFFFF086  }
0x1c: {  	p1 =	slt.u32 s9, $0xF7A;
	s5 =	simm.s32 @!p2 $0x0  }
0x1d: {  	s5 =	simm.s32 @p1 $0x1;
	p0 =	seq.s32 s7, s2  }
0x1e: {  	s7 =	smul.u32 @!p0 $0xF7A, s2;
	p2 =	seq.s32 @!p0 s5, $0x0  }
0x1f: {  	s9 =	smul.u32 $0xF7A, s1;
	s8 =	simm.s32 @!p0 $0x1BF5;
	p2 =	por !p2, p0  }
0x20: {  	[sflag:s8] =	ssyncset.s32 @!p0 $0xFFFFF086;
	s6 =	sadd.s32 @!p0 s3, s7;
	s7 =	simm.s32 @!p0 $0x108  }
0x21: {  	s3 =	sadd.s32 s3, s9;
	s6 =	sadd.s32 @!p0 $0x88, s6;
	s7 =	simm.s32 @p2 $0x1082  }
0x22: {  	[simem:s7], [sflag:s8] =	dma.local @!p0 [hbm:s6], $0xF7A  }
0x23: {  	s9 =	sor.u32 $0xD0000000, s2;
	s6 =	simm.s32 $0x108;
	_ =	swait.ge @!p0 [sflag:s8], $0x0  }
0x24: {  	s3 =	sadd.s32 $0x88, s3;
	s6 =	simm.s32 @!p1 $0x1082;
	[sflag:s4] =	ssyncset.s32 $0xFFFFF086  }
0x25: {  	[simem:s6], [sflag:s4] =	dma.local [hbm:s3], $0xF7A  }
0x26: {  	[smem:$0x3F94] =	sst s1;
	(tag) =	ssettag s2;
	_ =	strace s9  }
0x27: {  	s1 =	sld [smem:$0x3FA4]  }
0x28: {  	s2 =	sld [smem:$0x3FA5]  }
0x29: {  	s4 =	sld [smem:$0x3FA7]  }
0x2a: {  	p0 =	seq.s32 s5, $0x0;
	s5 =	sld [smem:$0x3FA8]  }
0x2b: {  	s6 =	sld [smem:$0x3FA9]  }
0x2c: {  	s7 =	sld [smem:$0x3FAA]  }
0x2d: {  	s3 =	simm.s32 $0x108;
	s8 =	sld [smem:$0x3FAB]  }
0x2e: {  	s3 =	simm.s32 @!p0 $0x1082;
	s9 =	sld [smem:$0x3FAC]  }
0x2f: {  	lr =	sadd.s32 s0, s3;
	s0 =	sld [smem:$0x3FA3]  }
0x30: {  	s3 =	sld [smem:$0x3FA6]  }
0x31: {  	[smem:$0x3FAF] =	sst s10  }
0x32: {  	s10 =	sld [smem:$0x3FAD];
	_ =	sdelay $0x3  }
0x33: {  	p0 =	seq.s32 s10, $0x1;
	s10 =	sld [smem:$0x3FAF];
	_ =	sdelay $0x3  }
0x34: {  	[smem:$0x3FAF] =	sst s10  }
0x35: {  	s10 =	sld [smem:$0x3FAE];
	_ =	sdelay $0x3  }
0x36: {  	p1 =	seq.s32 s10, $0x1;
	s10 =	sld [smem:$0x3FAF];
	_ =	sdelay $0x3  }
0x37: {  	[smem:$0x3FAF] =	sst s10  }
0x38: {  	s10 =	sld [smem:$0x3FB0]  }
0x39: {  	_ = 	snop;
	(pc) =	sbr.ind lr, $3  }
0x3a: {  	_ = 	snop  }
0x3b: {  	_ = 	snop  }
0x3c: {  	p2 =	seq.s32 s10, $0x1;
	s10 =	sld [smem:$0x3FAF]  }
0x3d: {  	_ =	shalt  }
0x3e: {  	_ =	shalt  }
0x3f: {  	_ =	shalt  }
0x40: {  	_ =	shalt  }
0x41: {  	_ =	shalt  }
0x42: {  	_ =	shalt  }
0x43: {  	_ =	shalt  }
0x44: {  	_ =	shalt  }
0x45: {  	_ =	shalt  }
0x46: {  	_ =	shalt  }
0x47: {  	_ =	shalt  }
0x48: {  	_ =	shalt  }
0x49: {  	_ =	shalt  }
0x4a: {  	_ =	shalt  }
0x4b: {  	_ =	shalt  }
0x4c: {  	_ =	shalt  }
0x4d: {  	_ =	shalt  }
0x4e: {  	_ =	shalt  }
0x4f: {  	_ =	shalt  }
0x50: {  	_ =	shalt  }
0x51: {  	_ =	shalt  }
0x52: {  	_ =	shalt  }
0x53: {  	_ =	shalt  }
0x54: {  	_ =	shalt  }
0x55: {  	_ =	shalt  }
0x56: {  	_ =	shalt  }
0x57: {  	_ =	shalt  }
0x58: {  	_ =	shalt  }
0x59: {  	_ =	shalt  }
0x5a: {  	_ =	shalt  }
0x5b: {  	_ =	shalt  }
0x5c: {  	_ =	shalt  }
0x5d: {  	_ =	shalt  }
0x5e: {  	_ =	shalt  }
0x5f: {  	_ =	shalt  }
0x60: {  	_ =	shalt  }
0x61: {  	_ =	shalt  }
0x62: {  	_ =	shalt  }
0x63: {  	_ =	shalt  }
0x64: {  	_ =	shalt  }
0x65: {  	_ =	shalt  }
0x66: {  	_ =	shalt  }
0x67: {  	_ =	shalt  }
0x68: {  	_ =	shalt  }
0x69: {  	_ =	shalt  }
0x6a: {  	_ =	shalt  }
0x6b: {  	_ =	shalt  }
0x6c: {  	_ =	shalt  }
0x6d: {  	_ =	shalt  }
0x6e: {  	_ =	shalt  }
0x6f: {  	_ =	shalt  }
0x70: {  	_ =	shalt  }
0x71: {  	_ =	shalt  }
0x72: {  	_ =	shalt  }
0x73: {  	_ =	shalt  }
0x74: {  	_ =	shalt  }
0x75: {  	_ =	shalt  }
0x76: {  	_ =	shalt  }
0x77: {  	_ =	shalt  }
0x78: {  	_ =	shalt  }
0x79: {  	_ =	shalt  }
0x7a: {  	_ =	shalt  }
0x7b: {  	_ =	shalt  }
0x7c: {  	_ =	shalt  }
0x7d: {  	_ =	shalt  }
0x7e: {  	_ =	shalt  }
0x7f: {  	_ =	shalt  }
0x80: {  	_ =	shalt  }
0x81: {  	_ =	shalt  }
0x82: {  	_ =	shalt  }
0x83: {  	_ =	shalt  }
0x84: {  	_ =	shalt  }
0x85: {  	_ =	shalt  }
0x86: {  	_ =	shalt  }
0x87: {  	_ =	shalt  }
.Lfunc_end0:
.L_simem_size_0:
called_computation.2_lowered:
.L_overlay_start_0:
0x88: {  	s2 =	sld [smem:$0x3FD9]  }
0x89: {  	s3 =	sld [smem:$0x3FFE];
	_ =	sdelay $0x1  }
0x8a: {  	s1 =	srdreg.scid  }
0x8b: {  	s0 =	sand.u32 $0x1, s1  }
0x8c: {  	s16 =	sshll.u32 s0, $0xA;
	s2 =	sadd.s32 s3, s2  }
0x8d: {  	s2 =	sadd.s32 s2, s16  }
0x8e: {  	[smem:$0x3FBB] =	sst s2  }
0x8f: {  	_ = 	snop  }
0x90: {  	(tm) =	ssettm $0x1  }
0x91: {  	s17 =	sld [smem:$0x3FFB];
	_ =	sdelay $0x3  }
0x92: {  	_ =	strace s17  }
0x93: {  	s2 =	sld [smem:$0x3FFC];
	_ =	sdelay $0x3  }
0x94: {  	_ =	strace s2  }
0x95: {  	s2 =	sld [smem:$0x3FFD];
	_ =	sdelay $0x3  }
0x96: {  	_ =	strace s2  }
0x97: {  	_ =	strace $0x8FFFFFFF  }
0x98: {  	s18 =	sld [smem:$0x3FDB];
	_ =	sdelay $0x1  }
0x99: {  	s19 =	simm.s32 $_scs_section_size  }
0x9a: {  	s4 =	simm.s32 $_size__tile_overlayer_lowered;
	s5 =	simm.s32 $_tile_overlayer_lowered  }
0x9b: {  	s22 =	simm.s32 $0x1BFF;
	s21 =	sshll.u32 s5, $0x1;
	s2 =	sadd.s32 s19, s18  }
0x9c: {  	s6 =	simm.s32 $0x0;
	s20 =	sshll.u32 s4, $0x1;
	s4 =	sadd.s32 s21, s2  }
0x9d: {  	[timem:s6], [sflag:s22] =	dma.local [hbm:s4], s20  }
0x9e: {  	_ =	swait.ge [sflag:s22], s20  }
0x9f: {  	s3 =	ssub.s32 $0x0, s20;
	[sflag:s22] =	ssyncset.done $0x0  }
0xa0: {  	[sflag:s22] =	ssyncadd.s32 s3;
	_ =	sdelay $0x1  }
0xa1: {  	s23 =	simm.s32 $0x1B8B  }
0xa2: {  	_ =	swait.ge [sflag:s23], $0x1  }
0xa3: {  	[sflag:s23] =	ssyncset.done $0x0  }
0xa4: {  	s25 =	simm.s32 $0x1B8E;
	s24 =	sld [smem:$0x3FFE];
	[sflag:s23] =	ssyncadd.s32 $0xFFFFFFFF  }
0xa5: {  	s26 =	simm.s32 $execute0_lowered;
	[smem:$0x3FD2] =	sst s25  }
0xa6: {  	s4 =	sshll.u32 s26, $0x1;
	_ =	strace $0x8000004C;
	[dreg:$0x1] =	wrdreg $0xFFFFFFFF  }
0xa7: {  	s28 =	simm.s32 $_size_execute0_lowered;
	s2 =	sadd.s32 s2, s4;
	[dreg:$0x0] =	wrdreg $0x0  }
0xa8: {  	s4 =	sshll.u32 s28, $0x1;
	[dreg:$0x2] =	wrdreg s2  }
0xa9: {  	[dreg:$0x3] =	wrdreg s4  }
0xaa: {  	[dreg:$0x4] =	wrdreg $0xC0  }
0xab: {  	_ =	task [dreg:s6], $0x5FFFF  }
0xac: {  	[dreg:$0x1] =	wrdreg $0xFFFFFFFF  }
0xad: {  	[dreg:$0x0] =	wrdreg $0x60  }
0xae: {  	[dreg:$0x2] =	wrdreg s24  }
0xaf: {  	[dreg:$0x3] =	wrdreg $0xA0000  }
0xb0: {  	[dreg:$0x4] =	wrdreg $0x9  }
0xb1: {  	_ =	task.clear_ibuf [dreg:s6], $0x5FFFF;
	_ =	strace $0x9000004C  }
0xb2: {  	s29 =	simm.s32 $0x9;
	_ =	strace $0x8000004E  }
0xb3: {  	_ =	swait.ge [sflag:s29], $0x1  }
0xb4: {  	[sflag:s29] =	ssyncadd.s32 $0xFFFFFFFF  }
0xb5: {  	_ =	strace $0x9000004E  }
0xb6: {  	_ =	sfence  }
0xb7: {  	s30 =	sld [smem:$0x0];
	_ =	sdelay $0x2  }
0xb8: {  	s31 =	sshll.u32 s1, $0xD;
	s1 =	sshrl.u32 s1, $0x2  }
0xb9: {  	s3 =	sand.u32 $0x4000, s31;
	s1 =	sadd.s32 s1, s30  }
0xba: {  	s0 =	sor.u32 s3, s0;
	s1 =	sshll.u32 s1, $0x11  }
0xbb: {  	s0 =	sor.u32 s1, s0  }
0xbc: {  	s0 =	sadd.s32 $0x8F2B, s0  }
0xbd: {  	[sflag:s0] =	ssyncadd.remote.s32 $0x1  }
0xbe: {  	_ =	sfence.sel $0xFFFF  }
0xbf: {  	[dreg:$0x0] =	wrdreg $0xFFFFFFFF;
	(pc) =	sbr.abs _section_cstart, $3  }
0xc0: {  	[dreg:$0x1] =	wrdreg $0xFFFFFFFF  }
0xc1: {  	_ =	task.clear_ibuf [dreg:s6], $0x2FFFF;
	_ =	strace $0x9FFFFFFF  }
0xc2: {  	(tm) =	ssettm $0x7FFFFFFF  }
0xc3: {  	_ =	shalt  }
tec
execute0_lowered:
.L_overlay_start_1:
0x0: {  	(tag) =	ssettag $0x1  }
0x1: {  	s6 =	rddreg [dreg:$0x0]  }
0x2: {  	s1 =	rddreg [dreg:$0x1]  }
0x3: {  	s0 =	rddreg [dreg:$0x2]  }
0x4: {  	s2 =	simm.s32 $0x0;
	s5 =	srdreg.scid;
	s4 =	stileid.u32  }
0x5: {  	s18 =	simm.s32 $0x1C00;
	s19 =	simm.s32 $0x64;
	s20 =	simm.s32 $0x3800  }
0x6: {  	s21 =	simm.s32 $0x6C00;
	s22 =	simm.s32 $0x1;
	s23 =	simm.s32 $0x2  }
0x7: {  	s24 =	simm.s32 $0x0;
	[smem:$0x7FF] =	sst s2;
	s3 =	sadd.s32 $0x1F600, s6  }
0x8: {  	s9 =	sadd.s32 $0x3600, s6;
	s10 =	sadd.s32 $0x11600, s6;
	s11 =	sadd.s32 $0x46800, s6  }
0x9: {  	s7 =	sand.u32 $0x1, s5;
	s25 =	sshll.u32 s4, $0x1;
	s8 =	smul.u32 $0x50000, s4  }
0xa: {  	s13 =	smul.u32 $0x2800, s4;
	s17 =	sadd.s32 $0x12C000, s1;
	s6 =	sadd.s32 $0x44E00, s6  }
0xb: {  	s30 =	smul.u32 $0x14000, s4;
	p0 =	seq.s32 s4, $0xF;
	_ =	strace $0x8000004D  }
0xc: {  	s12 =	ssub.s32 $0x2, s7;
	s5 =	sor.u32 s7, s25;
	s28 =	smul.u32 $0x138800, s7  }
0xd: {  	s14 =	sshrl.u32 s12, $0x1;
	s8 =	sshrl.u32 s8, $0x2;
	s15 =	smul.u32 $0x3800, s5  }
0xe: {  	s5 =	sadd.s32 s3, s13;
	s14 =	ssub.s32 s12, s14;
	s16 =	sadd.s32 s8, s1  }
0xf: {  	s31 =	sadd.s32 s30, s28;
	s12 =	sshrl.u32 s28, $0x3;
	s26 =	sshrl.u32 s15, $0x3  }
0x10: {  	s13 =	sshrl.u32 s31, $0x3;
	s12 =	sadd.s32 s11, s12;
	s15 =	sshll.u32 @!p0 s4, $0x6  }
0x11: {  	s16 =	sshrl.u32 @!p0 s16, $0x3;
	s29 =	sadd.s32 $0x380, s26;
	s7 =	sadd.s32 s9, s26  }
0x12: {  	s8 =	sadd.s32 s10, s26;
	s11 =	sadd.s32 s11, s13;
	s12 =	sadd.s32 $0x25800, s12  }
0x13: {  	s13 =	smax.u32 s14, $0x1;
	s14 =	sshrl.u32 @p0 s17, $0x3;
	s15 =	sor.u32 @!p0 $0x1C03, s15  }
0x14: {  	s17 =	simm.s32 $0x3;
	s9 =	sadd.s32 s9, s29;
	s10 =	sadd.s32 s10, s29  }
.LBB2_1:
0x15: {  	s25 =	simm.s32 @p0 $0x1FC3  }
0x16: {  	[spmem:s14], [sflag:s25] =	dma.local @p0 [hbm:s6], $0x1900  }
0x17: {  	s25 =	simm.s32 @p0 $0x3  }
0x18: {  	_ =	swait.ge @p0 [sflag:s25], $0x1900  }
0x19: {  	[sflag:s25] =	ssyncset.done @p0 $0x0  }
0x1a: {  	[sflag:s25] =	ssyncadd.s32 @p0 $0xFFFFE700;
	s25 =	simm.s32 @!p0 $0x3  }
0x1b: {  	[spmem:s16], [sflag:s15] =	dma.local @!p0 [hbm:s5], $0x2800  }
0x1c: {  	_ =	swait.ge @!p0 [sflag:s25], $0x2800  }
0x1d: {  	[sflag:s25] =	ssyncset.done @!p0 $0x0  }
0x1e: {  	[sflag:s25] =	ssyncadd.s32 @!p0 $0xFFFFD800  }
0x1f: {  	[bflag:$0x0] =	sbarrier.arrive $0xFFFF  }
0x20: {  	[tilespmem:s2], [sflag:$0x3] =	stream.linear.gather [hbm4b:s7+s2], $0x1900, $0x38;
	[tilespmem:$0x1D880] =	vst v63  }
0x21: {  	_ =	swait.ge [sflag:s17], $0x1900  }
0x22: {  	[sflag:s17] =	ssyncset.done $0x0  }
0x23: {  	[sflag:s17] =	ssyncadd.s32 $0xFFFFE700  }
0x24: {  	[tilespmem:s18], [sflag:$0x3] =	stream.linear.gather [hbm4b:s8+s2], $0x1900, $0x38;
	[tilespmem:$0x1D880] =	vst v63  }
0x25: {  	_ =	swait.ge [sflag:s17], $0x1900  }
0x26: {  	[sflag:s17] =	ssyncset.done $0x0  }
0x27: {  	s28 =	simm.s32 $0x0;
	[sflag:s17] =	ssyncadd.s32 $0xFFFFE700  }
0x28: {  	[tilespmem:s20], [sflag:$0x1] =	stream.indirect.gather [hbm4b:s3+s19], $0x80, s28, s19, $0xb8;
	[tilespmem:$0x1D880] =	vst v63  }
0x29: {  	s29 =	simm.s32 $0x80  }
0x2a: {  	[tilespmem:s21], [sflag:$0x2] =	stream.indirect.gather [hbm4b:s3+s19], $0x80, s29, s19, $0xb8;
	[tilespmem:$0x1D880] =	vst v63  }
0x2b: {  	_ =	swait.ge [sflag:s22], $0x3200  }
0x2c: {  	[sflag:s22] =	ssyncset.done $0x0  }
0x2d: {  	s30 =	simm.s32 $0x1C00;
	[sflag:s22] =	ssyncadd.s32 $0xFFFFCE00  }
0x2e: {  	[spmem:s1] =	stream.indirect.scatter.add.f32 [tilespmem:s20], [sflag:$0x3], $0x80, s30, s19, $0xb8;
	[tilespmem:$0x1D880] =	vst v63  }
0x2f: {  	_ =	swait.ge [sflag:s17], $0x3200  }
0x30: {  	[sflag:s17] =	ssyncset.done $0x0  }
0x31: {  	[sflag:s17] =	ssyncadd.s32 $0xFFFFCE00  }
0x32: {  	_ =	swait.ge [sflag:s23], $0x3200  }
0x33: {  	[sflag:s23] =	ssyncset.done $0x0  }
0x34: {  	s31 =	simm.s32 $0x1C80;
	[sflag:s23] =	ssyncadd.s32 $0xFFFFCE00  }
0x35: {  	[spmem:s1] =	stream.indirect.scatter.add.f32 [tilespmem:s21], [sflag:$0x3], $0x80, s31, s19, $0xb8;
	[tilespmem:$0x1D880] =	vst v63  }
0x36: {  	_ =	swait.ge [sflag:s17], $0x3200  }
0x37: {  	s26 =	simm.s32 $0x800;
	s25 =	simm.s32 $0x400;
	[sflag:s17] =	ssyncset.done $0x0  }
.LBB2_2:
0x38: {  	s28 =	sshra.s32 s25, $0x2  }
0x39: {  	[sflag:s17] =	ssyncadd.s32 $0xFFFFCE00;
	s25 =	smov.u32 s26;
	s29 =	sadd.s32 $0x400, s26  }
0x3a: {  	[tilespmem:s20], [sflag:$0x1] =	stream.indirect.gather [hbm4b:s3+s19], $0x80, s28, s19, $0xb8;
	[tilespmem:$0x1D880] =	vst v63  }
0x3b: {  	p1 =	sne.s32 s26, $0x6000;
	s26 =	sadd.s32 $0x80, s28  }
0x3c: {  	[tilespmem:s21], [sflag:$0x2] =	stream.indirect.gather [hbm4b:s3+s19], $0x80, s26, s19, $0xb8;
	[tilespmem:$0x1D880] =	vst v63  }
0x3d: {  	_ =	swait.ge [sflag:s22], $0x3200  }
0x3e: {  	[sflag:s22] =	ssyncset.done $0x0  }
0x3f: {  	s26 =	sadd.s32 $0x1C00, s28;
	[sflag:s22] =	ssyncadd.s32 $0xFFFFCE00  }
0x40: {  	[spmem:s1] =	stream.indirect.scatter.add.f32 [tilespmem:s20], [sflag:$0x3], $0x80, s26, s19, $0xb8;
	[tilespmem:$0x1D880] =	vst v63  }
0x41: {  	_ =	swait.ge [sflag:s17], $0x3200  }
0x42: {  	[sflag:s17] =	ssyncset.done $0x0  }
0x43: {  	[sflag:s17] =	ssyncadd.s32 $0xFFFFCE00  }
0x44: {  	_ =	swait.ge [sflag:s23], $0x3200  }
.Ltmp0:
0x45: {  	[sflag:s23] =	ssyncset.done $0x0;
	(pc) =	sbr.rel @p1 .LBB2_2-.Ltmp0, $4  }
0x46: {  	s26 =	sadd.s32 $0x1C80, s28;
	[sflag:s23] =	ssyncadd.s32 $0xFFFFCE00  }
0x47: {  	[spmem:s1] =	stream.indirect.scatter.add.f32 [tilespmem:s21], [sflag:$0x3], $0x80, s26, s19, $0xb8;
	[tilespmem:$0x1D880] =	vst v63  }
0x48: {  	_ =	swait.ge [sflag:s17], $0x3200  }
0x49: {  	s26 =	smov.u32 s29;
	[sflag:s17] =	ssyncset.done $0x0  }
0x4a: {  	s25 =	sshra.s32 s25, $0x2;
	[sflag:s17] =	ssyncadd.s32 $0xFFFFCE00  }
0x4b: {  	[tilespmem:s20], [sflag:$0x1] =	stream.indirect.gather [hbm4b:s3+s19], $0x80, s25, s19, $0xb8;
	[tilespmem:$0x1D880] =	vst v63  }
0x4c: {  	s26 =	sadd.s32 $0x80, s25  }
0x4d: {  	[tilespmem:s21], [sflag:$0x2] =	stream.indirect.gather [hbm4b:s3+s19], $0x80, s26, s19, $0xb8;
	[tilespmem:$0x1D880] =	vst v63  }
0x4e: {  	_ =	swait.ge [sflag:s22], $0x3200  }
0x4f: {  	[sflag:s22] =	ssyncset.done $0x0  }
0x50: {  	s31 =	sadd.s32 $0x1C00, s25;
	[sflag:s22] =	ssyncadd.s32 $0xFFFFCE00  }
0x51: {  	[spmem:s1] =	stream.indirect.scatter.add.f32 [tilespmem:s20], [sflag:$0x3], $0x80, s31, s19, $0xb8;
	[tilespmem:$0x1D880] =	vst v63  }
0x52: {  	_ =	swait.ge [sflag:s17], $0x3200  }
0x53: {  	[sflag:s17] =	ssyncset.done $0x0  }
0x54: {  	[sflag:s17] =	ssyncadd.s32 $0xFFFFCE00  }
0x55: {  	_ =	swait.ge [sflag:s23], $0x3200  }
0x56: {  	[sflag:s23] =	ssyncset.done $0x0  }
0x57: {  	s25 =	sadd.s32 $0x1C80, s25;
	[sflag:s23] =	ssyncadd.s32 $0xFFFFCE00  }
0x58: {  	[spmem:s1] =	stream.indirect.scatter.add.f32 [tilespmem:s21], [sflag:$0x3], $0x80, s25, s19, $0xb8;
	[tilespmem:$0x1D880] =	vst v63  }
0x59: {  	_ =	swait.ge [sflag:s17], $0x3200  }
0x5a: {  	[sflag:s17] =	ssyncset.done $0x0  }
0x5b: {  	s26 =	simm.s32 $0x0;
	[sflag:s17] =	ssyncadd.s32 $0xFFFFCE00  }
0x5c: {  	[tilespmem:s26], [sflag:$0x3] =	stream.linear.gather [hbm4b:s9+s26], $0x1900, $0x38;
	[tilespmem:$0x1D880] =	vst v63  }
0x5d: {  	_ =	swait.ge [sflag:s17], $0x1900  }
0x5e: {  	[sflag:s17] =	ssyncset.done $0x0  }
0x5f: {  	[sflag:s17] =	ssyncadd.s32 $0xFFFFE700  }
0x60: {  	[tilespmem:s18], [sflag:$0x3] =	stream.linear.gather [hbm4b:s10+s26], $0x1900, $0x38;
	[tilespmem:$0x1D880] =	vst v63  }
0x61: {  	_ =	swait.ge [sflag:s17], $0x1900  }
0x62: {  	[sflag:s17] =	ssyncset.done $0x0  }
0x63: {  	s28 =	simm.s32 $0x0;
	[sflag:s17] =	ssyncadd.s32 $0xFFFFE700  }
0x64: {  	[tilespmem:s20], [sflag:$0x1] =	stream.indirect.gather [hbm4b:s3+s19], $0x80, s28, s19, $0xb8;
	[tilespmem:$0x1D880] =	vst v63  }
0x65: {  	s29 =	simm.s32 $0x80  }
0x66: {  	[tilespmem:s21], [sflag:$0x2] =	stream.indirect.gather [hbm4b:s3+s19], $0x80, s29, s19, $0xb8;
	[tilespmem:$0x1D880] =	vst v63  }
0x67: {  	_ =	swait.ge [sflag:s22], $0x3200  }
0x68: {  	[sflag:s22] =	ssyncset.done $0x0  }
0x69: {  	s30 =	simm.s32 $0x1C00;
	[sflag:s22] =	ssyncadd.s32 $0xFFFFCE00  }
0x6a: {  	[spmem:s1] =	stream.indirect.scatter.add.f32 [tilespmem:s20], [sflag:$0x3], $0x80, s30, s19, $0xb8;
	[tilespmem:$0x1D880] =	vst v63  }
0x6b: {  	_ =	swait.ge [sflag:s17], $0x3200  }
0x6c: {  	[sflag:s17] =	ssyncset.done $0x0  }
0x6d: {  	[sflag:s17] =	ssyncadd.s32 $0xFFFFCE00  }
0x6e: {  	_ =	swait.ge [sflag:s23], $0x3200  }
0x6f: {  	[sflag:s23] =	ssyncset.done $0x0  }
0x70: {  	s31 =	simm.s32 $0x1C80;
	[sflag:s23] =	ssyncadd.s32 $0xFFFFCE00  }
0x71: {  	[spmem:s1] =	stream.indirect.scatter.add.f32 [tilespmem:s21], [sflag:$0x3], $0x80, s31, s19, $0xb8;
	[tilespmem:$0x1D880] =	vst v63  }
0x72: {  	_ =	swait.ge [sflag:s17], $0x3200  }
0x73: {  	s25 =	simm.s32 $0x400;
	s26 =	simm.s32 $0x800;
	[sflag:s17] =	ssyncset.done $0x0  }
.LBB2_4:
0x74: {  	s28 =	sshra.s32 s25, $0x2  }
0x75: {  	[sflag:s17] =	ssyncadd.s32 $0xFFFFCE00;
	s25 =	smov.u32 s26;
	s29 =	sadd.s32 $0x400, s26  }
0x76: {  	[tilespmem:s20], [sflag:$0x1] =	stream.indirect.gather [hbm4b:s3+s19], $0x80, s28, s19, $0xb8;
	[tilespmem:$0x1D880] =	vst v63  }
0x77: {  	p1 =	sne.s32 s26, $0x6000;
	s26 =	sadd.s32 $0x80, s28  }
0x78: {  	[tilespmem:s21], [sflag:$0x2] =	stream.indirect.gather [hbm4b:s3+s19], $0x80, s26, s19, $0xb8;
	[tilespmem:$0x1D880] =	vst v63  }
0x79: {  	_ =	swait.ge [sflag:s22], $0x3200  }
0x7a: {  	[sflag:s22] =	ssyncset.done $0x0  }
0x7b: {  	s26 =	sadd.s32 $0x1C00, s28;
	[sflag:s22] =	ssyncadd.s32 $0xFFFFCE00  }
0x7c: {  	[spmem:s1] =	stream.indirect.scatter.add.f32 [tilespmem:s20], [sflag:$0x3], $0x80, s26, s19, $0xb8;
	[tilespmem:$0x1D880] =	vst v63  }
0x7d: {  	_ =	swait.ge [sflag:s17], $0x3200  }
0x7e: {  	[sflag:s17] =	ssyncset.done $0x0  }
0x7f: {  	[sflag:s17] =	ssyncadd.s32 $0xFFFFCE00  }
0x80: {  	_ =	swait.ge [sflag:s23], $0x3200  }
.Ltmp1:
0x81: {  	[sflag:s23] =	ssyncset.done $0x0;
	(pc) =	sbr.rel @p1 .LBB2_4-.Ltmp1, $4  }
0x82: {  	s26 =	sadd.s32 $0x1C80, s28;
	[sflag:s23] =	ssyncadd.s32 $0xFFFFCE00  }
0x83: {  	[spmem:s1] =	stream.indirect.scatter.add.f32 [tilespmem:s21], [sflag:$0x3], $0x80, s26, s19, $0xb8;
	[tilespmem:$0x1D880] =	vst v63  }
0x84: {  	_ =	swait.ge [sflag:s17], $0x3200  }
0x85: {  	s26 =	smov.u32 s29;
	[sflag:s17] =	ssyncset.done $0x0  }
0x86: {  	s25 =	sshra.s32 s25, $0x2;
	[sflag:s17] =	ssyncadd.s32 $0xFFFFCE00  }
0x87: {  	[tilespmem:s20], [sflag:$0x1] =	stream.indirect.gather [hbm4b:s3+s19], $0x80, s25, s19, $0xb8;
	[tilespmem:$0x1D880] =	vst v63  }
0x88: {  	s26 =	sadd.s32 $0x80, s25  }
0x89: {  	[tilespmem:s21], [sflag:$0x2] =	stream.indirect.gather [hbm4b:s3+s19], $0x80, s26, s19, $0xb8;
	[tilespmem:$0x1D880] =	vst v63  }
0x8a: {  	_ =	swait.ge [sflag:s22], $0x3200  }
0x8b: {  	[sflag:s22] =	ssyncset.done $0x0  }
0x8c: {  	s31 =	sadd.s32 $0x1C00, s25;
	[sflag:s22] =	ssyncadd.s32 $0xFFFFCE00  }
0x8d: {  	[spmem:s1] =	stream.indirect.scatter.add.f32 [tilespmem:s20], [sflag:$0x3], $0x80, s31, s19, $0xb8;
	[tilespmem:$0x1D880] =	vst v63  }
0x8e: {  	_ =	swait.ge [sflag:s17], $0x3200  }
0x8f: {  	[sflag:s17] =	ssyncset.done $0x0  }
0x90: {  	[sflag:s17] =	ssyncadd.s32 $0xFFFFCE00  }
0x91: {  	_ =	swait.ge [sflag:s23], $0x3200  }
0x92: {  	[sflag:s23] =	ssyncset.done $0x0  }
0x93: {  	s25 =	sadd.s32 $0x1C80, s25;
	[sflag:s23] =	ssyncadd.s32 $0xFFFFCE00  }
0x94: {  	[spmem:s1] =	stream.indirect.scatter.add.f32 [tilespmem:s21], [sflag:$0x3], $0x80, s25, s19, $0xb8;
	[tilespmem:$0x1D880] =	vst v63  }
0x95: {  	_ =	swait.ge [sflag:s17], $0x3200  }
0x96: {  	[sflag:s17] =	ssyncset.done $0x0  }
0x97: {  	[sflag:s17] =	ssyncadd.s32 $0xFFFFCE00  }
0x98: {  	s25 =	simm.s32 @p0 $0x1FC3;
	[bflag:$0x0] =	sbarrier.arrive $0xFFFF  }
0x99: {  	[hbm:s12], [sflag:s25] =	dma.local @p0 [spmem:s14], $0x1900  }
0x9a: {  	s25 =	simm.s32 @p0 $0x3  }
0x9b: {  	s24 =	sadd.s32 $0x1, s24;
	_ =	swait.ge @p0 [sflag:s25], $0x1900  }
0x9c: {  	p1 =	sne.s32 s24, s13;
	[sflag:s25] =	ssyncset.done @p0 $0x0  }
.Ltmp2:
0x9d: {  	[sflag:s25] =	ssyncadd.s32 @p0 $0xFFFFE700;
	s25 =	simm.s32 @!p0 $0x3;
	(pc) =	sbr.rel @p1 .LBB2_1-.Ltmp2, $4  }
0x9e: {  	[hbm:s11], [sflag:s15] =	dma.local @!p0 [spmem:s16], $0x2800  }
0x9f: {  	_ =	swait.ge @!p0 [sflag:s25], $0x2800  }
0xa0: {  	[sflag:s25] =	ssyncset.done @!p0 $0x0  }
0xa1: {  	[sflag:s25] =	ssyncadd.s32 @!p0 $0xFFFFD800  }
0xa2: {  	_ =	sfence.sel $0x180000  }
0xa3: {  	[bflag:$0x0] =	sbarrier.arrive $0xFFFF  }
0xa4: {  	p0 =	sne.s32 s4, $0x0;
	_ =	strace $0x9000004D  }
0xa5: {  	s0 =	sadd.s32 @!p0 $0x100000, s0;
	[bflag:$0x2] =	sbarrier.arrive $0xFFFF  }
0xa6: {  	[sflag:s0] =	ssyncadd.tile.s32 @!p0 $0x1;
	_ =	shalt  }
.Lfunc_end2:
_tile_overlayer_lowered:
.L_overlay_start_2:
0xa7: {  	(tag) =	ssettag $0x2  }
0xa8: {  	s0 =	rddreg [dreg:$0x0];
	s2 =	stileid.u32  }
0xa9: {  	s1 =	rddreg [dreg:$0x1];
	p0 =	sne.s32 s2, $0x0  }
0xaa: {  	s3 =	rddreg [dreg:$0x2];
	[bflag:$0x3] =	sbarrier.arrive $0xFFFF;
	s2 =	simm.s32 @!p0 $0x1C03  }
0xab: {  	[timem:s3], [sflag:s2] =	dma.local @!p0 [hbm:s0], s1  }
0xac: {  	s0 =	simm.s32 @!p0 $0x3  }
0xad: {  	_ =	swait.ge @!p0 [sflag:s0], s1  }
0xae: {  	s1 =	ssub.s32 @!p0 $0x0, s1;
	[sflag:s0] =	ssyncset.done @!p0 $0x0  }
0xaf: {  	[sflag:s0] =	ssyncadd.s32 @!p0 s1  }
0xb0: {  	[bflag:$0x3] =	sbarrier.arrive $0xFFFF  }
0xb1: {  	_ =	shalt  }

// kernel: kernel.20.cloned.1.call-start
scs
__scs_entry_jumppad:
0x0: {  	(pc) =	sbr.rel $0x88, $3  }
0x1: {  	(tag) =	ssettag $0x0;
	lr =	simm.s32 $0x1  }
0x2: {  	[smem:$0x3F94] =	sst lr;
	_ =	strace $0xD0000000  }
0x3: {  	_ = 	snop  }
0x4: {  	_ = 	snop  }
0x5: {  	_ = 	snop  }
0x6: {  	_ = 	snop  }
0x7: {  	_ = 	snop  }
__scs_overlays_trampoline_lowered:
0x8: {  	[smem:$0x3FA3] =	sst s0  }
0x9: {  	[smem:$0x3FA4] =	sst s1  }
0xa: {  	[smem:$0x3FA5] =	sst s2  }
0xb: {  	[smem:$0x3FA6] =	sst s3  }
0xc: {  	[smem:$0x3FA7] =	sst s4  }
0xd: {  	[smem:$0x3FA8] =	sst s5  }
0xe: {  	[smem:$0x3FA9] =	sst s6  }
0xf: {  	[smem:$0x3FAA] =	sst s7  }
0x10: {  	[smem:$0x3FAB] =	sst s8  }
0x11: {  	[smem:$0x3FAC] =	sst s9;
	s0 =	simm.s32 @!p0 $0x0  }
0x12: {  	s1 =	sld [smem:$0x3F92];
	s0 =	simm.s32 @p0 $0x1  }
0x13: {  	[smem:$0x3FAD] =	sst s0;
	s0 =	simm.s32 @!p1 $0x0  }
0x14: {  	s2 =	sld [smem:$0x3F91];
	s0 =	simm.s32 @p1 $0x1  }
0x15: {  	[smem:$0x3FAE] =	sst s0;
	s0 =	simm.s32 @!p2 $0x0  }
0x16: {  	s3 =	sld [smem:$0x3FDB];
	s0 =	simm.s32 @p2 $0x1  }
0x17: {  	s4 =	simm.s32 $0x1BF5;
	[smem:$0x3FB0] =	sst s0  }
0x18: {  	s0 =	sld [smem:$0x3F93];
	_ =	swait.ge [sflag:s4], $0x0  }
0x19: {  	s7 =	sld [smem:$0x3F94]  }
0x1a: {  	s8 =	sadd.s32 $0xFFFFE003, lr  }
0x1b: {  	s9 =	sadd.s32 $0xFFFFFEF7, lr;
	s5 =	simm.s32 $0xFFFFFFFF;
	p2 =	slt.u32 s8, $0xFFFFF086  }
0x1c: {  	p1 =	slt.u32 s9, $0xF7A;
	s5 =	simm.s32 @!p2 $0x0  }
0x1d: {  	s5 =	simm.s32 @p1 $0x1;
	p0 =	seq.s32 s7, s2  }
0x1e: {  	s7 =	smul.u32 @!p0 $0xF7A, s2;
	p2 =	seq.s32 @!p0 s5, $0x0  }
0x1f: {  	s9 =	smul.u32 $0xF7A, s1;
	s8 =	simm.s32 @!p0 $0x1BF5;
	p2 =	por !p2, p0  }
0x20: {  	[sflag:s8] =	ssyncset.s32 @!p0 $0xFFFFF086;
	s6 =	sadd.s32 @!p0 s3, s7;
	s7 =	simm.s32 @!p0 $0x108  }
0x21: {  	s3 =	sadd.s32 s3, s9;
	s6 =	sadd.s32 @!p0 $0x88, s6;
	s7 =	simm.s32 @p2 $0x1082  }
0x22: {  	[simem:s7], [sflag:s8] =	dma.local @!p0 [hbm:s6], $0xF7A  }
0x23: {  	s9 =	sor.u32 $0xD0000000, s2;
	s6 =	simm.s32 $0x108;
	_ =	swait.ge @!p0 [sflag:s8], $0x0  }
0x24: {  	s3 =	sadd.s32 $0x88, s3;
	s6 =	simm.s32 @!p1 $0x1082;
	[sflag:s4] =	ssyncset.s32 $0xFFFFF086  }
0x25: {  	[simem:s6], [sflag:s4] =	dma.local [hbm:s3], $0xF7A  }
0x26: {  	[smem:$0x3F94] =	sst s1;
	(tag) =	ssettag s2;
	_ =	strace s9  }
0x27: {  	s1 =	sld [smem:$0x3FA4]  }
0x28: {  	s2 =	sld [smem:$0x3FA5]  }
0x29: {  	s4 =	sld [smem:$0x3FA7]  }
0x2a: {  	p0 =	seq.s32 s5, $0x0;
	s5 =	sld [smem:$0x3FA8]  }
0x2b: {  	s6 =	sld [smem:$0x3FA9]  }
0x2c: {  	s7 =	sld [smem:$0x3FAA]  }
0x2d: {  	s3 =	simm.s32 $0x108;
	s8 =	sld [smem:$0x3FAB]  }
0x2e: {  	s3 =	simm.s32 @!p0 $0x1082;
	s9 =	sld [smem:$0x3FAC]  }
0x2f: {  	lr =	sadd.s32 s0, s3;
	s0 =	sld [smem:$0x3FA3]  }
0x30: {  	s3 =	sld [smem:$0x3FA6]  }
0x31: {  	[smem:$0x3FAF] =	sst s10  }
0x32: {  	s10 =	sld [smem:$0x3FAD];
	_ =	sdelay $0x3  }
0x33: {  	p0 =	seq.s32 s10, $0x1;
	s10 =	sld [smem:$0x3FAF];
	_ =	sdelay $0x3  }
0x34: {  	[smem:$0x3FAF] =	sst s10  }
0x35: {  	s10 =	sld [smem:$0x3FAE];
	_ =	sdelay $0x3  }
0x36: {  	p1 =	seq.s32 s10, $0x1;
	s10 =	sld [smem:$0x3FAF];
	_ =	sdelay $0x3  }
0x37: {  	[smem:$0x3FAF] =	sst s10  }
0x38: {  	s10 =	sld [smem:$0x3FB0]  }
0x39: {  	_ = 	snop;
	(pc) =	sbr.ind lr, $3  }
0x3a: {  	_ = 	snop  }
0x3b: {  	_ = 	snop  }
0x3c: {  	p2 =	seq.s32 s10, $0x1;
	s10 =	sld [smem:$0x3FAF]  }
0x3d: {  	_ =	shalt  }
0x3e: {  	_ =	shalt  }
0x3f: {  	_ =	shalt  }
0x40: {  	_ =	shalt  }
0x41: {  	_ =	shalt  }
0x42: {  	_ =	shalt  }
0x43: {  	_ =	shalt  }
0x44: {  	_ =	shalt  }
0x45: {  	_ =	shalt  }
0x46: {  	_ =	shalt  }
0x47: {  	_ =	shalt  }
0x48: {  	_ =	shalt  }
0x49: {  	_ =	shalt  }
0x4a: {  	_ =	shalt  }
0x4b: {  	_ =	shalt  }
0x4c: {  	_ =	shalt  }
0x4d: {  	_ =	shalt  }
0x4e: {  	_ =	shalt  }
0x4f: {  	_ =	shalt  }
0x50: {  	_ =	shalt  }
0x51: {  	_ =	shalt  }
0x52: {  	_ =	shalt  }
0x53: {  	_ =	shalt  }
0x54: {  	_ =	shalt  }
0x55: {  	_ =	shalt  }
0x56: {  	_ =	shalt  }
0x57: {  	_ =	shalt  }
0x58: {  	_ =	shalt  }
0x59: {  	_ =	shalt  }
0x5a: {  	_ =	shalt  }
0x5b: {  	_ =	shalt  }
0x5c: {  	_ =	shalt  }
0x5d: {  	_ =	shalt  }
0x5e: {  	_ =	shalt  }
0x5f: {  	_ =	shalt  }
0x60: {  	_ =	shalt  }
0x61: {  	_ =	shalt  }
0x62: {  	_ =	shalt  }
0x63: {  	_ =	shalt  }
0x64: {  	_ =	shalt  }
0x65: {  	_ =	shalt  }
0x66: {  	_ =	shalt  }
0x67: {  	_ =	shalt  }
0x68: {  	_ =	shalt  }
0x69: {  	_ =	shalt  }
0x6a: {  	_ =	shalt  }
0x6b: {  	_ =	shalt  }
0x6c: {  	_ =	shalt  }
0x6d: {  	_ =	shalt  }
0x6e: {  	_ =	shalt  }
0x6f: {  	_ =	shalt  }
0x70: {  	_ =	shalt  }
0x71: {  	_ =	shalt  }
0x72: {  	_ =	shalt  }
0x73: {  	_ =	shalt  }
0x74: {  	_ =	shalt  }
0x75: {  	_ =	shalt  }
0x76: {  	_ =	shalt  }
0x77: {  	_ =	shalt  }
0x78: {  	_ =	shalt  }
0x79: {  	_ =	shalt  }
0x7a: {  	_ =	shalt  }
0x7b: {  	_ =	shalt  }
0x7c: {  	_ =	shalt  }
0x7d: {  	_ =	shalt  }
0x7e: {  	_ =	shalt  }
0x7f: {  	_ =	shalt  }
0x80: {  	_ =	shalt  }
0x81: {  	_ =	shalt  }
0x82: {  	_ =	shalt  }
0x83: {  	_ =	shalt  }
0x84: {  	_ =	shalt  }
0x85: {  	_ =	shalt  }
0x86: {  	_ =	shalt  }
0x87: {  	_ =	shalt  }
.Lfunc_end0:
.L_simem_size_0:
called_computation.3_lowered:
.L_overlay_start_0:
0x88: {  	s2 =	sld [smem:$0x3FD9]  }
0x89: {  	s3 =	sld [smem:$0x3FFE];
	_ =	sdelay $0x1  }
0x8a: {  	s1 =	srdreg.scid  }
0x8b: {  	s0 =	sand.u32 $0x1, s1  }
0x8c: {  	s16 =	sshll.u32 s0, $0xA;
	s2 =	sadd.s32 s3, s2  }
0x8d: {  	s2 =	sadd.s32 s2, s16  }
0x8e: {  	[smem:$0x3FBB] =	sst s2  }
0x8f: {  	_ = 	snop  }
0x90: {  	(tm) =	ssettm $0x1  }
0x91: {  	s17 =	sld [smem:$0x3FFB];
	_ =	sdelay $0x3  }
0x92: {  	_ =	strace s17  }
0x93: {  	s2 =	sld [smem:$0x3FFC];
	_ =	sdelay $0x3  }
0x94: {  	_ =	strace s2  }
0x95: {  	s2 =	sld [smem:$0x3FFD];
	_ =	sdelay $0x3  }
0x96: {  	_ =	strace s2  }
0x97: {  	_ =	strace $0x8FFFFFFF  }
0x98: {  	s18 =	sld [smem:$0x3FDB];
	_ =	sdelay $0x1  }
0x99: {  	s19 =	simm.s32 $_scs_section_size  }
0x9a: {  	s4 =	simm.s32 $_size__tile_overlayer_lowered;
	s5 =	simm.s32 $_tile_overlayer_lowered  }
0x9b: {  	s22 =	simm.s32 $0x1BFF;
	s21 =	sshll.u32 s5, $0x1;
	s2 =	sadd.s32 s19, s18  }
0x9c: {  	s6 =	simm.s32 $0x0;
	s20 =	sshll.u32 s4, $0x1;
	s4 =	sadd.s32 s21, s2  }
0x9d: {  	[timem:s6], [sflag:s22] =	dma.local [hbm:s4], s20  }
0x9e: {  	_ =	swait.ge [sflag:s22], s20  }
0x9f: {  	s3 =	ssub.s32 $0x0, s20;
	[sflag:s22] =	ssyncset.done $0x0  }
0xa0: {  	[sflag:s22] =	ssyncadd.s32 s3;
	_ =	sdelay $0x1  }
0xa1: {  	s23 =	simm.s32 $0x1B8B  }
0xa2: {  	_ =	swait.ge [sflag:s23], $0x1  }
0xa3: {  	[sflag:s23] =	ssyncset.done $0x0  }
0xa4: {  	s25 =	simm.s32 $0x1B8E;
	s24 =	sld [smem:$0x3FFE];
	[sflag:s23] =	ssyncadd.s32 $0xFFFFFFFF  }
0xa5: {  	s26 =	simm.s32 $execute0_lowered;
	[smem:$0x3FD2] =	sst s25  }
0xa6: {  	s4 =	sshll.u32 s26, $0x1;
	_ =	strace $0x8000004F;
	[dreg:$0x1] =	wrdreg $0xFFFFFFFF  }
0xa7: {  	s28 =	simm.s32 $_size_execute0_lowered;
	s2 =	sadd.s32 s2, s4;
	[dreg:$0x0] =	wrdreg $0x0  }
0xa8: {  	s4 =	sshll.u32 s28, $0x1;
	[dreg:$0x2] =	wrdreg s2  }
0xa9: {  	[dreg:$0x3] =	wrdreg s4  }
0xaa: {  	[dreg:$0x4] =	wrdreg $0xC0  }
0xab: {  	_ =	task [dreg:s6], $0x5FFFF  }
0xac: {  	[dreg:$0x1] =	wrdreg $0xFFFFFFFF  }
0xad: {  	[dreg:$0x0] =	wrdreg $0x60  }
0xae: {  	[dreg:$0x2] =	wrdreg s24  }
0xaf: {  	[dreg:$0x3] =	wrdreg $0xA0000  }
0xb0: {  	[dreg:$0x4] =	wrdreg $0x9  }
0xb1: {  	_ =	task.clear_ibuf [dreg:s6], $0x5FFFF;
	_ =	strace $0x9000004F  }
0xb2: {  	s29 =	simm.s32 $0x9;
	_ =	strace $0x80000051  }
0xb3: {  	_ =	swait.ge [sflag:s29], $0x1  }
0xb4: {  	[sflag:s29] =	ssyncadd.s32 $0xFFFFFFFF  }
0xb5: {  	_ =	strace $0x90000051  }
0xb6: {  	_ =	sfence  }
0xb7: {  	s30 =	sld [smem:$0x0];
	_ =	sdelay $0x2  }
0xb8: {  	s31 =	sshll.u32 s1, $0xD;
	s1 =	sshrl.u32 s1, $0x2  }
0xb9: {  	s3 =	sand.u32 $0x4000, s31;
	s1 =	sadd.s32 s1, s30  }
0xba: {  	s0 =	sor.u32 s3, s0;
	s1 =	sshll.u32 s1, $0x11  }
0xbb: {  	s0 =	sor.u32 s1, s0  }
0xbc: {  	s0 =	sadd.s32 $0x8F2B, s0  }
0xbd: {  	[sflag:s0] =	ssyncadd.remote.s32 $0x1  }
0xbe: {  	_ =	sfence.sel $0xFFFF  }
0xbf: {  	[dreg:$0x0] =	wrdreg $0xFFFFFFFF;
	(pc) =	sbr.abs _section_cstart, $3  }
0xc0: {  	[dreg:$0x1] =	wrdreg $0xFFFFFFFF  }
0xc1: {  	_ =	task.clear_ibuf [dreg:s6], $0x2FFFF;
	_ =	strace $0x9FFFFFFF  }
0xc2: {  	(tm) =	ssettm $0x7FFFFFFF  }
0xc3: {  	_ =	shalt  }
tec
execute0_lowered:
.L_overlay_start_1:
0x0: {  	(tag) =	ssettag $0x1  }
0x1: {  	s6 =	rddreg [dreg:$0x0]  }
0x2: {  	s1 =	rddreg [dreg:$0x1]  }
0x3: {  	s0 =	rddreg [dreg:$0x2]  }
0x4: {  	s2 =	simm.s32 $0x0;
	s5 =	srdreg.scid;
	s4 =	stileid.u32  }
0x5: {  	s18 =	simm.s32 $0x1C00;
	s19 =	simm.s32 $0x64;
	s20 =	simm.s32 $0x3800  }
0x6: {  	s21 =	simm.s32 $0x6C00;
	s22 =	simm.s32 $0x1;
	s23 =	simm.s32 $0x2  }
0x7: {  	s24 =	simm.s32 $0x0;
	[smem:$0x7FF] =	sst s2;
	s3 =	sadd.s32 $0x1F600, s6  }
0x8: {  	s9 =	sadd.s32 $0x3600, s6;
	s10 =	sadd.s32 $0x11600, s6;
	s11 =	sadd.s32 $0x46800, s6  }
0x9: {  	s7 =	sand.u32 $0x1, s5;
	s25 =	sshll.u32 s4, $0x1;
	s8 =	smul.u32 $0x50000, s4  }
0xa: {  	s13 =	smul.u32 $0x2800, s4;
	s17 =	sadd.s32 $0x12C000, s1;
	s6 =	sadd.s32 $0x44E00, s6  }
0xb: {  	s30 =	smul.u32 $0x14000, s4;
	p0 =	seq.s32 s4, $0xF;
	_ =	strace $0x80000050  }
0xc: {  	s12 =	ssub.s32 $0x2, s7;
	s5 =	sor.u32 s7, s25;
	s28 =	smul.u32 $0x138800, s7  }
0xd: {  	s14 =	sshrl.u32 s12, $0x1;
	s8 =	sshrl.u32 s8, $0x2;
	s15 =	smul.u32 $0x3800, s5  }
0xe: {  	s5 =	sadd.s32 s3, s13;
	s14 =	ssub.s32 s12, s14;
	s16 =	sadd.s32 s8, s1  }
0xf: {  	s31 =	sadd.s32 s30, s28;
	s12 =	sshrl.u32 s28, $0x3;
	s26 =	sshrl.u32 s15, $0x3  }
0x10: {  	s13 =	sshrl.u32 s31, $0x3;
	s12 =	sadd.s32 s11, s12;
	s15 =	sshll.u32 @!p0 s4, $0x6  }
0x11: {  	s16 =	sshrl.u32 @!p0 s16, $0x3;
	s29 =	sadd.s32 $0x380, s26;
	s7 =	sadd.s32 s9, s26  }
0x12: {  	s8 =	sadd.s32 s10, s26;
	s11 =	sadd.s32 s11, s13;
	s12 =	sadd.s32 $0x25800, s12  }
0x13: {  	s13 =	smax.u32 s14, $0x1;
	s14 =	sshrl.u32 @p0 s17, $0x3;
	s15 =	sor.u32 @!p0 $0x1C03, s15  }
0x14: {  	s17 =	simm.s32 $0x3;
	s9 =	sadd.s32 s9, s29;
	s10 =	sadd.s32 s10, s29  }
.LBB2_1:
0x15: {  	s25 =	simm.s32 @p0 $0x1FC3  }
0x16: {  	[spmem:s14], [sflag:s25] =	dma.local @p0 [hbm:s6], $0x1900  }
0x17: {  	s25 =	simm.s32 @p0 $0x3  }
0x18: {  	_ =	swait.ge @p0 [sflag:s25], $0x1900  }
0x19: {  	[sflag:s25] =	ssyncset.done @p0 $0x0  }
0x1a: {  	[sflag:s25] =	ssyncadd.s32 @p0 $0xFFFFE700;
	s25 =	simm.s32 @!p0 $0x3  }
0x1b: {  	[spmem:s16], [sflag:s15] =	dma.local @!p0 [hbm:s5], $0x2800  }
0x1c: {  	_ =	swait.ge @!p0 [sflag:s25], $0x2800  }
0x1d: {  	[sflag:s25] =	ssyncset.done @!p0 $0x0  }
0x1e: {  	[sflag:s25] =	ssyncadd.s32 @!p0 $0xFFFFD800  }
0x1f: {  	[bflag:$0x0] =	sbarrier.arrive $0xFFFF  }
0x20: {  	[tilespmem:s2], [sflag:$0x3] =	stream.linear.gather [hbm4b:s7+s2], $0x1900, $0x38;
	[tilespmem:$0x1D880] =	vst v63  }
0x21: {  	_ =	swait.ge [sflag:s17], $0x1900  }
0x22: {  	[sflag:s17] =	ssyncset.done $0x0  }
0x23: {  	[sflag:s17] =	ssyncadd.s32 $0xFFFFE700  }
0x24: {  	[tilespmem:s18], [sflag:$0x3] =	stream.linear.gather [hbm4b:s8+s2], $0x1900, $0x38;
	[tilespmem:$0x1D880] =	vst v63  }
0x25: {  	_ =	swait.ge [sflag:s17], $0x1900  }
0x26: {  	[sflag:s17] =	ssyncset.done $0x0  }
0x27: {  	s28 =	simm.s32 $0x0;
	[sflag:s17] =	ssyncadd.s32 $0xFFFFE700  }
0x28: {  	[tilespmem:s20], [sflag:$0x1] =	stream.indirect.gather [hbm4b:s3+s19], $0x80, s28, s19, $0xb8;
	[tilespmem:$0x1D880] =	vst v63  }
0x29: {  	s29 =	simm.s32 $0x80  }
0x2a: {  	[tilespmem:s21], [sflag:$0x2] =	stream.indirect.gather [hbm4b:s3+s19], $0x80, s29, s19, $0xb8;
	[tilespmem:$0x1D880] =	vst v63  }
0x2b: {  	_ =	swait.ge [sflag:s22], $0x3200  }
0x2c: {  	[sflag:s22] =	ssyncset.done $0x0  }
0x2d: {  	s30 =	simm.s32 $0x1C00;
	[sflag:s22] =	ssyncadd.s32 $0xFFFFCE00  }
0x2e: {  	[spmem:s1] =	stream.indirect.scatter.add.f32 [tilespmem:s20], [sflag:$0x3], $0x80, s30, s19, $0xb8;
	[tilespmem:$0x1D880] =	vst v63  }
0x2f: {  	_ =	swait.ge [sflag:s17], $0x3200  }
0x30: {  	[sflag:s17] =	ssyncset.done $0x0  }
0x31: {  	[sflag:s17] =	ssyncadd.s32 $0xFFFFCE00  }
0x32: {  	_ =	swait.ge [sflag:s23], $0x3200  }
0x33: {  	[sflag:s23] =	ssyncset.done $0x0  }
0x34: {  	s31 =	simm.s32 $0x1C80;
	[sflag:s23] =	ssyncadd.s32 $0xFFFFCE00  }
0x35: {  	[spmem:s1] =	stream.indirect.scatter.add.f32 [tilespmem:s21], [sflag:$0x3], $0x80, s31, s19, $0xb8;
	[tilespmem:$0x1D880] =	vst v63  }
0x36: {  	_ =	swait.ge [sflag:s17], $0x3200  }
0x37: {  	s26 =	simm.s32 $0x800;
	s25 =	simm.s32 $0x400;
	[sflag:s17] =	ssyncset.done $0x0  }
.LBB2_2:
0x38: {  	s28 =	sshra.s32 s25, $0x2  }
0x39: {  	[sflag:s17] =	ssyncadd.s32 $0xFFFFCE00;
	s25 =	smov.u32 s26;
	s29 =	sadd.s32 $0x400, s26  }
0x3a: {  	[tilespmem:s20], [sflag:$0x1] =	stream.indirect.gather [hbm4b:s3+s19], $0x80, s28, s19, $0xb8;
	[tilespmem:$0x1D880] =	vst v63  }
0x3b: {  	p1 =	sne.s32 s26, $0x6000;
	s26 =	sadd.s32 $0x80, s28  }
0x3c: {  	[tilespmem:s21], [sflag:$0x2] =	stream.indirect.gather [hbm4b:s3+s19], $0x80, s26, s19, $0xb8;
	[tilespmem:$0x1D880] =	vst v63  }
0x3d: {  	_ =	swait.ge [sflag:s22], $0x3200  }
0x3e: {  	[sflag:s22] =	ssyncset.done $0x0  }
0x3f: {  	s26 =	sadd.s32 $0x1C00, s28;
	[sflag:s22] =	ssyncadd.s32 $0xFFFFCE00  }
0x40: {  	[spmem:s1] =	stream.indirect.scatter.add.f32 [tilespmem:s20], [sflag:$0x3], $0x80, s26, s19, $0xb8;
	[tilespmem:$0x1D880] =	vst v63  }
0x41: {  	_ =	swait.ge [sflag:s17], $0x3200  }
0x42: {  	[sflag:s17] =	ssyncset.done $0x0  }
0x43: {  	[sflag:s17] =	ssyncadd.s32 $0xFFFFCE00  }
0x44: {  	_ =	swait.ge [sflag:s23], $0x3200  }
.Ltmp0:
0x45: {  	[sflag:s23] =	ssyncset.done $0x0;
	(pc) =	sbr.rel @p1 .LBB2_2-.Ltmp0, $4  }
0x46: {  	s26 =	sadd.s32 $0x1C80, s28;
	[sflag:s23] =	ssyncadd.s32 $0xFFFFCE00  }
0x47: {  	[spmem:s1] =	stream.indirect.scatter.add.f32 [tilespmem:s21], [sflag:$0x3], $0x80, s26, s19, $0xb8;
	[tilespmem:$0x1D880] =	vst v63  }
0x48: {  	_ =	swait.ge [sflag:s17], $0x3200  }
0x49: {  	s26 =	smov.u32 s29;
	[sflag:s17] =	ssyncset.done $0x0  }
0x4a: {  	s25 =	sshra.s32 s25, $0x2;
	[sflag:s17] =	ssyncadd.s32 $0xFFFFCE00  }
0x4b: {  	[tilespmem:s20], [sflag:$0x1] =	stream.indirect.gather [hbm4b:s3+s19], $0x80, s25, s19, $0xb8;
	[tilespmem:$0x1D880] =	vst v63  }
0x4c: {  	s26 =	sadd.s32 $0x80, s25  }
0x4d: {  	[tilespmem:s21], [sflag:$0x2] =	stream.indirect.gather [hbm4b:s3+s19], $0x80, s26, s19, $0xb8;
	[tilespmem:$0x1D880] =	vst v63  }
0x4e: {  	_ =	swait.ge [sflag:s22], $0x3200  }
0x4f: {  	[sflag:s22] =	ssyncset.done $0x0  }
0x50: {  	s31 =	sadd.s32 $0x1C00, s25;
	[sflag:s22] =	ssyncadd.s32 $0xFFFFCE00  }
0x51: {  	[spmem:s1] =	stream.indirect.scatter.add.f32 [tilespmem:s20], [sflag:$0x3], $0x80, s31, s19, $0xb8;
	[tilespmem:$0x1D880] =	vst v63  }
0x52: {  	_ =	swait.ge [sflag:s17], $0x3200  }
0x53: {  	[sflag:s17] =	ssyncset.done $0x0  }
0x54: {  	[sflag:s17] =	ssyncadd.s32 $0xFFFFCE00  }
0x55: {  	_ =	swait.ge [sflag:s23], $0x3200  }
0x56: {  	[sflag:s23] =	ssyncset.done $0x0  }
0x57: {  	s25 =	sadd.s32 $0x1C80, s25;
	[sflag:s23] =	ssyncadd.s32 $0xFFFFCE00  }
0x58: {  	[spmem:s1] =	stream.indirect.scatter.add.f32 [tilespmem:s21], [sflag:$0x3], $0x80, s25, s19, $0xb8;
	[tilespmem:$0x1D880] =	vst v63  }
0x59: {  	_ =	swait.ge [sflag:s17], $0x3200  }
0x5a: {  	[sflag:s17] =	ssyncset.done $0x0  }
0x5b: {  	s26 =	simm.s32 $0x0;
	[sflag:s17] =	ssyncadd.s32 $0xFFFFCE00  }
0x5c: {  	[tilespmem:s26], [sflag:$0x3] =	stream.linear.gather [hbm4b:s9+s26], $0x1900, $0x38;
	[tilespmem:$0x1D880] =	vst v63  }
0x5d: {  	_ =	swait.ge [sflag:s17], $0x1900  }
0x5e: {  	[sflag:s17] =	ssyncset.done $0x0  }
0x5f: {  	[sflag:s17] =	ssyncadd.s32 $0xFFFFE700  }
0x60: {  	[tilespmem:s18], [sflag:$0x3] =	stream.linear.gather [hbm4b:s10+s26], $0x1900, $0x38;
	[tilespmem:$0x1D880] =	vst v63  }
0x61: {  	_ =	swait.ge [sflag:s17], $0x1900  }
0x62: {  	[sflag:s17] =	ssyncset.done $0x0  }
0x63: {  	s28 =	simm.s32 $0x0;
	[sflag:s17] =	ssyncadd.s32 $0xFFFFE700  }
0x64: {  	[tilespmem:s20], [sflag:$0x1] =	stream.indirect.gather [hbm4b:s3+s19], $0x80, s28, s19, $0xb8;
	[tilespmem:$0x1D880] =	vst v63  }
0x65: {  	s29 =	simm.s32 $0x80  }
0x66: {  	[tilespmem:s21], [sflag:$0x2] =	stream.indirect.gather [hbm4b:s3+s19], $0x80, s29, s19, $0xb8;
	[tilespmem:$0x1D880] =	vst v63  }
0x67: {  	_ =	swait.ge [sflag:s22], $0x3200  }
0x68: {  	[sflag:s22] =	ssyncset.done $0x0  }
0x69: {  	s30 =	simm.s32 $0x1C00;
	[sflag:s22] =	ssyncadd.s32 $0xFFFFCE00  }
0x6a: {  	[spmem:s1] =	stream.indirect.scatter.add.f32 [tilespmem:s20], [sflag:$0x3], $0x80, s30, s19, $0xb8;
	[tilespmem:$0x1D880] =	vst v63  }
0x6b: {  	_ =	swait.ge [sflag:s17], $0x3200  }
0x6c: {  	[sflag:s17] =	ssyncset.done $0x0  }
0x6d: {  	[sflag:s17] =	ssyncadd.s32 $0xFFFFCE00  }
0x6e: {  	_ =	swait.ge [sflag:s23], $0x3200  }
0x6f: {  	[sflag:s23] =	ssyncset.done $0x0  }
0x70: {  	s31 =	simm.s32 $0x1C80;
	[sflag:s23] =	ssyncadd.s32 $0xFFFFCE00  }
0x71: {  	[spmem:s1] =	stream.indirect.scatter.add.f32 [tilespmem:s21], [sflag:$0x3], $0x80, s31, s19, $0xb8;
	[tilespmem:$0x1D880] =	vst v63  }
0x72: {  	_ =	swait.ge [sflag:s17], $0x3200  }
0x73: {  	s25 =	simm.s32 $0x400;
	s26 =	simm.s32 $0x800;
	[sflag:s17] =	ssyncset.done $0x0  }
.LBB2_4:
0x74: {  	s28 =	sshra.s32 s25, $0x2  }
0x75: {  	[sflag:s17] =	ssyncadd.s32 $0xFFFFCE00;
	s25 =	smov.u32 s26;
	s29 =	sadd.s32 $0x400, s26  }
0x76: {  	[tilespmem:s20], [sflag:$0x1] =	stream.indirect.gather [hbm4b:s3+s19], $0x80, s28, s19, $0xb8;
	[tilespmem:$0x1D880] =	vst v63  }
0x77: {  	p1 =	sne.s32 s26, $0x6000;
	s26 =	sadd.s32 $0x80, s28  }
0x78: {  	[tilespmem:s21], [sflag:$0x2] =	stream.indirect.gather [hbm4b:s3+s19], $0x80, s26, s19, $0xb8;
	[tilespmem:$0x1D880] =	vst v63  }
0x79: {  	_ =	swait.ge [sflag:s22], $0x3200  }
0x7a: {  	[sflag:s22] =	ssyncset.done $0x0  }
0x7b: {  	s26 =	sadd.s32 $0x1C00, s28;
	[sflag:s22] =	ssyncadd.s32 $0xFFFFCE00  }
0x7c: {  	[spmem:s1] =	stream.indirect.scatter.add.f32 [tilespmem:s20], [sflag:$0x3], $0x80, s26, s19, $0xb8;
	[tilespmem:$0x1D880] =	vst v63  }
0x7d: {  	_ =	swait.ge [sflag:s17], $0x3200  }
0x7e: {  	[sflag:s17] =	ssyncset.done $0x0  }
0x7f: {  	[sflag:s17] =	ssyncadd.s32 $0xFFFFCE00  }
0x80: {  	_ =	swait.ge [sflag:s23], $0x3200  }
.Ltmp1:
0x81: {  	[sflag:s23] =	ssyncset.done $0x0;
	(pc) =	sbr.rel @p1 .LBB2_4-.Ltmp1, $4  }
0x82: {  	s26 =	sadd.s32 $0x1C80, s28;
	[sflag:s23] =	ssyncadd.s32 $0xFFFFCE00  }
0x83: {  	[spmem:s1] =	stream.indirect.scatter.add.f32 [tilespmem:s21], [sflag:$0x3], $0x80, s26, s19, $0xb8;
	[tilespmem:$0x1D880] =	vst v63  }
0x84: {  	_ =	swait.ge [sflag:s17], $0x3200  }
0x85: {  	s26 =	smov.u32 s29;
	[sflag:s17] =	ssyncset.done $0x0  }
0x86: {  	s25 =	sshra.s32 s25, $0x2;
	[sflag:s17] =	ssyncadd.s32 $0xFFFFCE00  }
0x87: {  	[tilespmem:s20], [sflag:$0x1] =	stream.indirect.gather [hbm4b:s3+s19], $0x80, s25, s19, $0xb8;
	[tilespmem:$0x1D880] =	vst v63  }
0x88: {  	s26 =	sadd.s32 $0x80, s25  }
0x89: {  	[tilespmem:s21], [sflag:$0x2] =	stream.indirect.gather [hbm4b:s3+s19], $0x80, s26, s19, $0xb8;
	[tilespmem:$0x1D880] =	vst v63  }
0x8a: {  	_ =	swait.ge [sflag:s22], $0x3200  }
0x8b: {  	[sflag:s22] =	ssyncset.done $0x0  }
0x8c: {  	s31 =	sadd.s32 $0x1C00, s25;
	[sflag:s22] =	ssyncadd.s32 $0xFFFFCE00  }
0x8d: {  	[spmem:s1] =	stream.indirect.scatter.add.f32 [tilespmem:s20], [sflag:$0x3], $0x80, s31, s19, $0xb8;
	[tilespmem:$0x1D880] =	vst v63  }
0x8e: {  	_ =	swait.ge [sflag:s17], $0x3200  }
0x8f: {  	[sflag:s17] =	ssyncset.done $0x0  }
0x90: {  	[sflag:s17] =	ssyncadd.s32 $0xFFFFCE00  }
0x91: {  	_ =	swait.ge [sflag:s23], $0x3200  }
0x92: {  	[sflag:s23] =	ssyncset.done $0x0  }
0x93: {  	s25 =	sadd.s32 $0x1C80, s25;
	[sflag:s23] =	ssyncadd.s32 $0xFFFFCE00  }
0x94: {  	[spmem:s1] =	stream.indirect.scatter.add.f32 [tilespmem:s21], [sflag:$0x3], $0x80, s25, s19, $0xb8;
	[tilespmem:$0x1D880] =	vst v63  }
0x95: {  	_ =	swait.ge [sflag:s17], $0x3200  }
0x96: {  	[sflag:s17] =	ssyncset.done $0x0  }
0x97: {  	[sflag:s17] =	ssyncadd.s32 $0xFFFFCE00  }
0x98: {  	s25 =	simm.s32 @p0 $0x1FC3;
	[bflag:$0x0] =	sbarrier.arrive $0xFFFF  }
0x99: {  	[hbm:s12], [sflag:s25] =	dma.local @p0 [spmem:s14], $0x1900  }
0x9a: {  	s25 =	simm.s32 @p0 $0x3  }
0x9b: {  	s24 =	sadd.s32 $0x1, s24;
	_ =	swait.ge @p0 [sflag:s25], $0x1900  }
0x9c: {  	p1 =	sne.s32 s24, s13;
	[sflag:s25] =	ssyncset.done @p0 $0x0  }
.Ltmp2:
0x9d: {  	[sflag:s25] =	ssyncadd.s32 @p0 $0xFFFFE700;
	s25 =	simm.s32 @!p0 $0x3;
	(pc) =	sbr.rel @p1 .LBB2_1-.Ltmp2, $4  }
0x9e: {  	[hbm:s11], [sflag:s15] =	dma.local @!p0 [spmem:s16], $0x2800  }
0x9f: {  	_ =	swait.ge @!p0 [sflag:s25], $0x2800  }
0xa0: {  	[sflag:s25] =	ssyncset.done @!p0 $0x0  }
0xa1: {  	[sflag:s25] =	ssyncadd.s32 @!p0 $0xFFFFD800  }
0xa2: {  	_ =	sfence.sel $0x180000  }
0xa3: {  	[bflag:$0x0] =	sbarrier.arrive $0xFFFF  }
0xa4: {  	p0 =	sne.s32 s4, $0x0;
	_ =	strace $0x90000050  }
0xa5: {  	s0 =	sadd.s32 @!p0 $0x100000, s0;
	[bflag:$0x2] =	sbarrier.arrive $0xFFFF  }
0xa6: {  	[sflag:s0] =	ssyncadd.tile.s32 @!p0 $0x1;
	_ =	shalt  }
.Lfunc_end2:
_tile_overlayer_lowered:
.L_overlay_start_2:
0xa7: {  	(tag) =	ssettag $0x2  }
0xa8: {  	s0 =	rddreg [dreg:$0x0];
	s2 =	stileid.u32  }
0xa9: {  	s1 =	rddreg [dreg:$0x1];
	p0 =	sne.s32 s2, $0x0  }
0xaa: {  	s3 =	rddreg [dreg:$0x2];
	[bflag:$0x3] =	sbarrier.arrive $0xFFFF;
	s2 =	simm.s32 @!p0 $0x1C03  }
0xab: {  	[timem:s3], [sflag:s2] =	dma.local @!p0 [hbm:s0], s1  }
0xac: {  	s0 =	simm.s32 @!p0 $0x3  }
0xad: {  	_ =	swait.ge @!p0 [sflag:s0], s1  }
0xae: {  	s1 =	ssub.s32 @!p0 $0x0, s1;
	[sflag:s0] =	ssyncset.done @!p0 $0x0  }
0xaf: {  	[sflag:s0] =	ssyncadd.s32 @!p0 s1  }
0xb0: {  	[bflag:$0x3] =	sbarrier.arrive $0xFFFF  }
0xb1: {  	_ =	shalt  }

</sc_bundles>
